<compile_context>
chip_gen: v7x
topology: tpu7x:2x2x1
jax: 0.10.2.dev20260603
libtpu: 0.0.44.dev20260713+nightly
codegen_flags: <defaults>
</compile_context>

<pallas_src>
import functools

import jax
import jax.numpy as jnp
from jax import lax
from jax.experimental import pallas as pl
from jax.experimental.pallas import tpu as pltpu
from jax.experimental.pallas import tpu_sc as plsc

NC = 2
NS = 16
NW = NC * NS
CHUNK = 64
NBUF = 3
ROW_BLK = 10240


def _round_up(x, m):
    return (x + m - 1) // m * m


def _make_deg_kernel(np_nodes, epw):
    mesh = plsc.VectorSubcoreMesh(core_axis_name="c", subcore_axis_name="s")

    @functools.partial(
        pl.kernel,
        out_type=jax.ShapeDtypeStruct((NW, np_nodes), jnp.float32),
        mesh=mesh,
        compiler_params=pltpu.CompilerParams(needs_layout_passes=False),
        scratch_types=[
            pltpu.VMEM((epw,), jnp.int32),
            pltpu.VMEM((np_nodes,), jnp.float32),
        ],
    )
    def deg_kernel(dst_hbm, out_hbm, idx_v, hist_v):
        ci = lax.axis_index("c")
        si = lax.axis_index("s")
        w = ci * NS + si
        pltpu.sync_copy(dst_hbm.at[w], idx_v)
        z16 = jnp.zeros((16,), jnp.float32)

        def zbody(i, carry):
            hist_v[pl.ds(i * 16, 16)] = z16
            return carry

        lax.fori_loop(0, np_nodes // 16, zbody, 0)
        ones16 = jnp.ones((16,), jnp.float32)

        def body(i, carry):
            for u in range(4):
                idx16 = idx_v[pl.ds((i * 4 + u) * 16, 16)]
                plsc.addupdate_scatter(hist_v, [idx16], ones16)
            return carry

        lax.fori_loop(0, epw // 64, body, 0)
        pltpu.sync_copy(hist_v, out_hbm.at[w])

    return deg_kernel


def _make_hop_kernel(np_nodes, n, epw, c):
    mesh = plsc.VectorSubcoreMesh(core_axis_name="c", subcore_axis_name="s")
    nchunk = epw // CHUNK
    rows_per_tile = np_nodes // NS
    drows = (n // NS) // 8 * 8
    drows_last = n - (NS - 1) * drows

    @functools.partial(
        pl.kernel,
        out_type=jax.ShapeDtypeStruct((NC, n, c), jnp.float32),
        mesh=mesh,
        compiler_params=pltpu.CompilerParams(needs_layout_passes=False),
        scratch_types=[
            pltpu.VMEM((nchunk, CHUNK), jnp.int32),
            pltpu.VMEM((nchunk, CHUNK), jnp.int32),
            [pltpu.VMEM((CHUNK, c), jnp.float32)] * NBUF,
            pltpu.VMEM((16, c), jnp.float32),
            pltpu.VMEM_SHARED((np_nodes, c), jnp.float32),
            [pltpu.SemaphoreType.DMA] * NBUF,
            [pltpu.SemaphoreType.DMA] * NBUF,
        ],
    )
    def hop_kernel(table_hbm, src_hbm, dst_hbm, zeros_hbm, out_hbm,
                   src_v, dst_v, bufs, zbuf, acc, gsems, ssems):
        ci = lax.axis_index("c")
        si = lax.axis_index("s")
        w = ci * NS + si
        cz = pltpu.async_copy(zeros_hbm, zbuf, ssems[0])
        cs = pltpu.async_copy(src_hbm.at[w], src_v, gsems[0])
        cd = pltpu.async_copy(dst_hbm.at[w], dst_v, gsems[1])
        cz.wait()
        base = si * rows_per_tile
        nz = rows_per_tile // 16
        for g in range(0, nz, 8):
            zcs = [pltpu.async_copy(
                       zbuf, acc.at[pl.ds(base + (g + u) * 16, 16)],
                       ssems[1])
                   for u in range(min(8, nz - g))]
            for zc in zcs:
                zc.wait()
        cs.wait()
        cd.wait()
        plsc.subcore_barrier()

        for i in range(NBUF - 1):
            pltpu.async_copy(table_hbm.at[src_v.at[i]], bufs[i], gsems[i])

        def ring(k, carry):
            j0 = k * NBUF
            for i in range(NBUF):
                j = j0 + i
                i3 = (i + NBUF - 1) % NBUF
                jn = j + NBUF - 1

                @pl.when(jnp.logical_and(jn < nchunk, j >= 1))
                def _():
                    pltpu.make_async_copy(
                        bufs[i3], acc.at[dst_v.at[j - 1]], ssems[i3]).wait()
                    pltpu.async_copy(table_hbm.at[src_v.at[jn]],
                                     bufs[i3], gsems[i3])

                @pl.when(jnp.logical_and(jn < nchunk, j < 1))
                def _():
                    pltpu.async_copy(table_hbm.at[src_v.at[jn]],
                                     bufs[i3], gsems[i3])

                pltpu.make_async_copy(table_hbm.at[src_v.at[j]],
                                      bufs[i], gsems[i]).wait()
                pltpu.async_copy(bufs[i], acc.at[dst_v.at[j]],
                                 ssems[i], add=True)
            return carry

        lax.fori_loop(0, nchunk // NBUF, ring, 0)
        for i in range(NBUF):
            j = nchunk - NBUF + i
            pltpu.make_async_copy(bufs[j % NBUF], acc.at[dst_v.at[j]],
                                  ssems[j % NBUF]).wait()
        plsc.subcore_barrier()
        @pl.when(si < NS - 1)
        def _():
            pltpu.sync_copy(acc.at[pl.ds(si * drows, drows)],
                            out_hbm.at[ci, pl.ds(si * drows, drows)])

        @pl.when(si == NS - 1)
        def _():
            pltpu.sync_copy(
                acc.at[pl.ds((NS - 1) * drows, drows_last)],
                out_hbm.at[ci, pl.ds((NS - 1) * drows, drows_last)])

    return hop_kernel


def _mm_norm_body(degp_ref, x_ref, w_ref, t0_ref, nrm_ref):
    i = pl.program_id(0)
    deg = jnp.maximum(jnp.sum(degp_ref[...], axis=0), 1.0)
    nrm = lax.rsqrt(deg)
    y = jnp.dot(x_ref[...], w_ref[...], preferred_element_type=jnp.float32)
    t0_ref[...] = y * nrm[:, None]
    nrm_ref[pl.ds(i * ROW_BLK, ROW_BLK)] = nrm


def _mid_body(p_ref, nrm_ref, o_ref):
    i = pl.program_id(0)
    nrm = nrm_ref[pl.ds(i * ROW_BLK, ROW_BLK)]
    o_ref[...] = (p_ref[0] + p_ref[1]) * (nrm * nrm)[:, None]


def _fin_body(p_ref, nrm_ref, b_ref, o_ref):
    i = pl.program_id(0)
    nrm = nrm_ref[pl.ds(i * ROW_BLK, ROW_BLK)]
    o_ref[...] = ((p_ref[0] + p_ref[1]) * nrm[:, None]
                  + b_ref[...][None, :])


def kernel(features, edge_index, W, b):
    n, f = features.shape
    c = W.shape[1]
    e = edge_index.shape[1]

    epw = _round_up(_round_up(e, NW) // NW, CHUNK * NBUF)
    e_pad = NW * epw
    np_nodes = _round_up(n + 1, ROW_BLK)
    rows_per_tile = np_nodes // NS
    nblk = np_nodes // ROW_BLK
    trash = n

    src = edge_index[0].astype(jnp.int32)
    dst = edge_index[1].astype(jnp.int32)
    n_pad_edges = e_pad - e
    pad_iota = jnp.arange(n_pad_edges, dtype=jnp.int32)
    n_trash = np_nodes - trash
    src_p = jnp.concatenate([src, pad_iota % n])
    dst_p = jnp.concatenate([dst, trash + pad_iota % n_trash])
    src3 = src_p.reshape(NW, epw // CHUNK, CHUNK)
    dst3 = dst_p.reshape(NW, epw // CHUNK, CHUNK)
    dst2 = dst_p.reshape(NW, epw)

    zeros_rows = jnp.zeros((16, c), jnp.float32)

    deg_kernel = _make_deg_kernel(np_nodes, epw)
    hop_kernel = _make_hop_kernel(np_nodes, n, epw, c)

    normk = pl.pallas_call(
        _mm_norm_body,
        grid=(nblk,),
        in_specs=[
            pl.BlockSpec((NW, ROW_BLK), lambda i: (0, i)),
            pl.BlockSpec((ROW_BLK, f), lambda i: (i, 0)),
            pl.BlockSpec((f, c), lambda i: (0, 0)),
        ],
        out_specs=[
            pl.BlockSpec((ROW_BLK, c), lambda i: (i, 0)),
            pl.BlockSpec((np_nodes,), lambda i: (0,)),
        ],
        out_shape=[
            jax.ShapeDtypeStruct((n, c), jnp.float32),
            jax.ShapeDtypeStruct((np_nodes,), jnp.float32),
        ],
    )

    midk = pl.pallas_call(
        _mid_body,
        grid=(nblk,),
        in_specs=[
            pl.BlockSpec((NC, ROW_BLK, c), lambda i: (0, i, 0)),
            pl.BlockSpec((np_nodes,), lambda i: (0,)),
        ],
        out_specs=pl.BlockSpec((ROW_BLK, c), lambda i: (i, 0)),
        out_shape=jax.ShapeDtypeStruct((n, c), jnp.float32),
    )

    fink = pl.pallas_call(
        _fin_body,
        grid=(nblk,),
        in_specs=[
            pl.BlockSpec((NC, ROW_BLK, c), lambda i: (0, i, 0)),
            pl.BlockSpec((np_nodes,), lambda i: (0,)),
            pl.BlockSpec((c,), lambda i: (0,)),
        ],
        out_specs=pl.BlockSpec((ROW_BLK, c), lambda i: (i, 0)),
        out_shape=jax.ShapeDtypeStruct((n, c), jnp.float32),
    )

    degpart = deg_kernel(dst2)
    t0, nrm = normk(degpart, features, W)
    p1 = hop_kernel(t0, src3, dst3, zeros_rows)
    t1 = midk(p1, nrm)
    p2 = hop_kernel(t1, src3, dst3, zeros_rows)
    return fink(p2, nrm, b)

# --- scband reference (transcript-rebuilt; emitter-appended) ---
"""Pipeline reference for scband-sgc-41051297415696 (READ-ONLY COPY).

The authoritative reference and input builder live on the scoring server;
editing this copy changes nothing except your own understanding.
"""

import jax, jax.numpy as jnp
import numpy as np

N_NODES = 10000
N_EDGES = 160000
IN_FEATS = 256
N_CLASSES = 128
K = 2


def setup_inputs(seed: int = 0) -> dict:
    key = jax.random.key(seed)
    k1, k2, k3 = jax.random.split(key, 3)
    features = jax.random.normal(k1, (N_NODES, IN_FEATS), dtype=jnp.float32)
    edge_index = jax.random.randint(k2, (2, N_EDGES), 0, N_NODES, dtype=jnp.int64)
    # SGConv linear layer parameters (nn.Linear(in_feats, n_classes))
    bound = 1.0 / np.sqrt(IN_FEATS)
    W = jax.random.uniform(k3, (IN_FEATS, N_CLASSES), minval=-bound, maxval=bound, dtype=jnp.float32)
    b = jnp.zeros((N_CLASSES,), dtype=jnp.float32)
    return {"features": features, "edge_index": edge_index, "W": W, "b": b}


def reference(features, edge_index, W, b):
    # DGL SGConv with norm='both': h = (D^-1/2 A D^-1/2)^k X, then Linear.
    src = edge_index[0]
    dst = edge_index[1]
    # in-degree, clamped to min 1 (as in DGL SGConv)
    deg = jnp.zeros((N_NODES,), dtype=jnp.float32).at[dst].add(1.0)
    deg = jnp.clip(deg, 1.0, None)
    norm = deg ** -0.5
    h = features
    for _ in range(K):
        h = h * norm[:, None]
        # message passing: copy_u + sum aggregation -> gather on src, scatter-add on dst
        msgs = jnp.take(h, src, axis=0)
        h = jax.ops.segment_sum(msgs, dst, num_segments=N_NODES)
        h = h * norm[:, None]
    out = h @ W + b
    return out

if __name__ == "__main__":
    import jax
    _d = setup_inputs()
    print(jax.jit(kernel)(*tuple(_d.values())))

</pallas_src>

<mosaic_0001>
#map = affine_map<(d0, d1) -> (0, 0)>
#map1 = affine_map<(d0, d1) -> (0, 0, 0)>
module attributes {stable_mosaic.version = 14 : i64} {
  func.func @hop_kernel(%arg0: i32, %arg1: i32, %arg2: memref<10000x128xf32, #tpu.memory_space<hbm>>, %arg3: memref<32x81x64xi32, #tpu.memory_space<hbm>>, %arg4: memref<32x81x64xi32, #tpu.memory_space<hbm>>, %arg5: memref<16x128xf32, #tpu.memory_space<hbm>>, %arg6: memref<2x10000x128xf32, #tpu.memory_space<hbm>>, %arg7: memref<81x64xi32, #tpu.memory_space<vmem>>, %arg8: memref<81x64xi32, #tpu.memory_space<vmem>>, %arg9: memref<64x128xf32, #tpu.memory_space<vmem>>, %arg10: memref<64x128xf32, #tpu.memory_space<vmem>>, %arg11: memref<64x128xf32, #tpu.memory_space<vmem>>, %arg12: memref<16x128xf32, #tpu.memory_space<vmem>>, %arg13: memref<10240x128xf32, #tpu.memory_space<vmem_shared>>, %arg14: memref<!tpu.dma_semaphore, #tpu.memory_space<semaphore_mem>>, %arg15: memref<!tpu.dma_semaphore, #tpu.memory_space<semaphore_mem>>, %arg16: memref<!tpu.dma_semaphore, #tpu.memory_space<semaphore_mem>>, %arg17: memref<!tpu.dma_semaphore, #tpu.memory_space<semaphore_mem>>, %arg18: memref<!tpu.dma_semaphore, #tpu.memory_space<semaphore_mem>>, %arg19: memref<!tpu.dma_semaphore, #tpu.memory_space<semaphore_mem>>) attributes {dimension_semantics = [#tpu.dimension_semantics<core_parallel>, #tpu.dimension_semantics<subcore_parallel>], iteration_bounds = array<i64: 2, 16>, scalar_prefetch = 0 : i64, scratch_operands = 13 : i64, tpu.core_type = #tpu.core_type<sc_vector_subcore>, window_params = [{transform_indices = #map}, {transform_indices = #map1}, {transform_indices = #map1}, {transform_indices = #map}, {transform_indices = #map1}]} {
    %mul3A = arith.constant 16 : i32
    %mul3A_0 = arith.muli %arg0, %mul3A : i32
    %add3A = arith.addi %mul3A_0, %arg1 : i32
    tpu.enqueue_dma source(%arg5 : memref<16x128xf32, #tpu.memory_space<hbm>>) target(%arg12 : memref<16x128xf32, #tpu.memory_space<vmem>>) target_semaphore(%arg17 : memref<!tpu.dma_semaphore, #tpu.memory_space<semaphore_mem>>)
    %dma_start3A = arith.constant 0 : i32
    %dma_start3A_1 = arith.constant 0 : i32
    %dma_start3A_2 = tpu.memref_slice %arg3[%add3A, %dma_start3A, %dma_start3A_1] : memref<32x81x64xi32, #tpu.memory_space<hbm>> -> memref<1x81x64xi32, #tpu.memory_space<hbm>>
    %dma_start3A_3 = tpu.memref_squeeze %dma_start3A_2 : memref<1x81x64xi32, #tpu.memory_space<hbm>> -> memref<81x64xi32, #tpu.memory_space<hbm>>
    %dma_start3A_4 = arith.constant 0 : i32
    %dma_start3A_5 = arith.constant 0 : i32
    %dma_start3A_6 = tpu.memref_slice %arg3[%add3A, %dma_start3A_4, %dma_start3A_5] : memref<32x81x64xi32, #tpu.memory_space<hbm>> -> memref<1x81x64xi32, #tpu.memory_space<hbm>>
    %dma_start3A_7 = tpu.memref_squeeze %dma_start3A_6 : memref<1x81x64xi32, #tpu.memory_space<hbm>> -> memref<81x64xi32, #tpu.memory_space<hbm>>
    tpu.enqueue_dma source(%dma_start3A_7 : memref<81x64xi32, #tpu.memory_space<hbm>>) target(%arg7 : memref<81x64xi32, #tpu.memory_space<vmem>>) target_semaphore(%arg14 : memref<!tpu.dma_semaphore, #tpu.memory_space<semaphore_mem>>)
    %dma_start3A_8 = arith.constant 0 : i32
    %dma_start3A_9 = arith.constant 0 : i32
    %dma_start3A_10 = tpu.memref_slice %arg4[%add3A, %dma_start3A_8, %dma_start3A_9] : memref<32x81x64xi32, #tpu.memory_space<hbm>> -> memref<1x81x64xi32, #tpu.memory_space<hbm>>
    %dma_start3A_11 = tpu.memref_squeeze %dma_start3A_10 : memref<1x81x64xi32, #tpu.memory_space<hbm>> -> memref<81x64xi32, #tpu.memory_space<hbm>>
    %dma_start3A_12 = arith.constant 0 : i32
    %dma_start3A_13 = arith.constant 0 : i32
    %dma_start3A_14 = tpu.memref_slice %arg4[%add3A, %dma_start3A_12, %dma_start3A_13] : memref<32x81x64xi32, #tpu.memory_space<hbm>> -> memref<1x81x64xi32, #tpu.memory_space<hbm>>
    %dma_start3A_15 = tpu.memref_squeeze %dma_start3A_14 : memref<1x81x64xi32, #tpu.memory_space<hbm>> -> memref<81x64xi32, #tpu.memory_space<hbm>>
    tpu.enqueue_dma source(%dma_start3A_15 : memref<81x64xi32, #tpu.memory_space<hbm>>) target(%arg8 : memref<81x64xi32, #tpu.memory_space<vmem>>) target_semaphore(%arg15 : memref<!tpu.dma_semaphore, #tpu.memory_space<semaphore_mem>>)
    tpu.wait_dma2 semaphore(%arg17 : memref<!tpu.dma_semaphore, #tpu.memory_space<semaphore_mem>>) src(%arg5 : memref<16x128xf32, #tpu.memory_space<hbm>>) dst(%arg12 : memref<16x128xf32, #tpu.memory_space<vmem>>)
    %mul3A_16 = arith.constant 640 : i32
    %mul3A_17 = arith.muli %arg1, %mul3A_16 : i32
    %add3A_18 = arith.constant 0 : i32
    %add3A_19 = arith.addi %mul3A_17, %add3A_18 : i32
    %dma_start3A_20 = arith.constant 0 : i32
    %dma_start3A_21 = tpu.memref_slice %arg13[%add3A_19, %dma_start3A_20] : memref<10240x128xf32, #tpu.memory_space<vmem_shared>> -> memref<16x128xf32, #tpu.memory_space<vmem_shared>>
    %dma_start3A_22 = arith.constant 0 : i32
    %dma_start3A_23 = tpu.memref_slice %arg13[%add3A_19, %dma_start3A_22] : memref<10240x128xf32, #tpu.memory_space<vmem_shared>> -> memref<16x128xf32, #tpu.memory_space<vmem_shared>>
    tpu.enqueue_dma source(%arg12 : memref<16x128xf32, #tpu.memory_space<vmem>>) target(%dma_start3A_23 : memref<16x128xf32, #tpu.memory_space<vmem_shared>>) target_semaphore(%arg18 : memref<!tpu.dma_semaphore, #tpu.memory_space<semaphore_mem>>)
    %add3A_24 = arith.constant 16 : i32
    %add3A_25 = arith.addi %mul3A_17, %add3A_24 : i32
    %dma_start3A_26 = arith.constant 0 : i32
    %dma_start3A_27 = tpu.memref_slice %arg13[%add3A_25, %dma_start3A_26] : memref<10240x128xf32, #tpu.memory_space<vmem_shared>> -> memref<16x128xf32, #tpu.memory_space<vmem_shared>>
    %dma_start3A_28 = arith.constant 0 : i32
    %dma_start3A_29 = tpu.memref_slice %arg13[%add3A_25, %dma_start3A_28] : memref<10240x128xf32, #tpu.memory_space<vmem_shared>> -> memref<16x128xf32, #tpu.memory_space<vmem_shared>>
    tpu.enqueue_dma source(%arg12 : memref<16x128xf32, #tpu.memory_space<vmem>>) target(%dma_start3A_29 : memref<16x128xf32, #tpu.memory_space<vmem_shared>>) target_semaphore(%arg18 : memref<!tpu.dma_semaphore, #tpu.memory_space<semaphore_mem>>)
    %add3A_30 = arith.constant 32 : i32
    %add3A_31 = arith.addi %mul3A_17, %add3A_30 : i32
    %dma_start3A_32 = arith.constant 0 : i32
    %dma_start3A_33 = tpu.memref_slice %arg13[%add3A_31, %dma_start3A_32] : memref<10240x128xf32, #tpu.memory_space<vmem_shared>> -> memref<16x128xf32, #tpu.memory_space<vmem_shared>>
    %dma_start3A_34 = arith.constant 0 : i32
    %dma_start3A_35 = tpu.memref_slice %arg13[%add3A_31, %dma_start3A_34] : memref<10240x128xf32, #tpu.memory_space<vmem_shared>> -> memref<16x128xf32, #tpu.memory_space<vmem_shared>>
    tpu.enqueue_dma source(%arg12 : memref<16x128xf32, #tpu.memory_space<vmem>>) target(%dma_start3A_35 : memref<16x128xf32, #tpu.memory_space<vmem_shared>>) target_semaphore(%arg18 : memref<!tpu.dma_semaphore, #tpu.memory_space<semaphore_mem>>)
    %add3A_36 = arith.constant 48 : i32
    %add3A_37 = arith.addi %mul3A_17, %add3A_36 : i32
    %dma_start3A_38 = arith.constant 0 : i32
    %dma_start3A_39 = tpu.memref_slice %arg13[%add3A_37, %dma_start3A_38] : memref<10240x128xf32, #tpu.memory_space<vmem_shared>> -> memref<16x128xf32, #tpu.memory_space<vmem_shared>>
    %dma_start3A_40 = arith.constant 0 : i32
    %dma_start3A_41 = tpu.memref_slice %arg13[%add3A_37, %dma_start3A_40] : memref<10240x128xf32, #tpu.memory_space<vmem_shared>> -> memref<16x128xf32, #tpu.memory_space<vmem_shared>>
    tpu.enqueue_dma source(%arg12 : memref<16x128xf32, #tpu.memory_space<vmem>>) target(%dma_start3A_41 : memref<16x128xf32, #tpu.memory_space<vmem_shared>>) target_semaphore(%arg18 : memref<!tpu.dma_semaphore, #tpu.memory_space<semaphore_mem>>)
    %add3A_42 = arith.constant 64 : i32
    %add3A_43 = arith.addi %mul3A_17, %add3A_42 : i32
    %dma_start3A_44 = arith.constant 0 : i32
    %dma_start3A_45 = tpu.memref_slice %arg13[%add3A_43, %dma_start3A_44] : memref<10240x128xf32, #tpu.memory_space<vmem_shared>> -> memref<16x128xf32, #tpu.memory_space<vmem_shared>>
    %dma_start3A_46 = arith.constant 0 : i32
    %dma_start3A_47 = tpu.memref_slice %arg13[%add3A_43, %dma_start3A_46] : memref<10240x128xf32, #tpu.memory_space<vmem_shared>> -> memref<16x128xf32, #tpu.memory_space<vmem_shared>>
    tpu.enqueue_dma source(%arg12 : memref<16x128xf32, #tpu.memory_space<vmem>>) target(%dma_start3A_47 : memref<16x128xf32, #tpu.memory_space<vmem_shared>>) target_semaphore(%arg18 : memref<!tpu.dma_semaphore, #tpu.memory_space<semaphore_mem>>)
    %add3A_48 = arith.constant 80 : i32
    %add3A_49 = arith.addi %mul3A_17, %add3A_48 : i32
    %dma_start3A_50 = arith.constant 0 : i32
    %dma_start3A_51 = tpu.memref_slice %arg13[%add3A_49, %dma_start3A_50] : memref<10240x128xf32, #tpu.memory_space<vmem_shared>> -> memref<16x128xf32, #tpu.memory_space<vmem_shared>>
    %dma_start3A_52 = arith.constant 0 : i32
    %dma_start3A_53 = tpu.memref_slice %arg13[%add3A_49, %dma_start3A_52] : memref<10240x128xf32, #tpu.memory_space<vmem_shared>> -> memref<16x128xf32, #tpu.memory_space<vmem_shared>>
    tpu.enqueue_dma source(%arg12 : memref<16x128xf32, #tpu.memory_space<vmem>>) target(%dma_start3A_53 : memref<16x128xf32, #tpu.memory_space<vmem_shared>>) target_semaphore(%arg18 : memref<!tpu.dma_semaphore, #tpu.memory_space<semaphore_mem>>)
    %add3A_54 = arith.constant 96 : i32
    %add3A_55 = arith.addi %mul3A_17, %add3A_54 : i32
    %dma_start3A_56 = arith.constant 0 : i32
    %dma_start3A_57 = tpu.memref_slice %arg13[%add3A_55, %dma_start3A_56] : memref<10240x128xf32, #tpu.memory_space<vmem_shared>> -> memref<16x128xf32, #tpu.memory_space<vmem_shared>>
    %dma_start3A_58 = arith.constant 0 : i32
    %dma_start3A_59 = tpu.memref_slice %arg13[%add3A_55, %dma_start3A_58] : memref<10240x128xf32, #tpu.memory_space<vmem_shared>> -> memref<16x128xf32, #tpu.memory_space<vmem_shared>>
    tpu.enqueue_dma source(%arg12 : memref<16x128xf32, #tpu.memory_space<vmem>>) target(%dma_start3A_59 : memref<16x128xf32, #tpu.memory_space<vmem_shared>>) target_semaphore(%arg18 : memref<!tpu.dma_semaphore, #tpu.memory_space<semaphore_mem>>)
    %add3A_60 = arith.constant 112 : i32
    %add3A_61 = arith.addi %mul3A_17, %add3A_60 : i32
    %dma_start3A_62 = arith.constant 0 : i32
    %dma_start3A_63 = tpu.memref_slice %arg13[%add3A_61, %dma_start3A_62] : memref<10240x128xf32, #tpu.memory_space<vmem_shared>> -> memref<16x128xf32, #tpu.memory_space<vmem_shared>>
    %dma_start3A_64 = arith.constant 0 : i32
    %dma_start3A_65 = tpu.memref_slice %arg13[%add3A_61, %dma_start3A_64] : memref<10240x128xf32, #tpu.memory_space<vmem_shared>> -> memref<16x128xf32, #tpu.memory_space<vmem_shared>>
    tpu.enqueue_dma source(%arg12 : memref<16x128xf32, #tpu.memory_space<vmem>>) target(%dma_start3A_65 : memref<16x128xf32, #tpu.memory_space<vmem_shared>>) target_semaphore(%arg18 : memref<!tpu.dma_semaphore, #tpu.memory_space<semaphore_mem>>)
    %dma_wait3A = arith.constant 0 : i32
    %dma_wait3A_66 = tpu.memref_slice %arg13[%add3A_19, %dma_wait3A] : memref<10240x128xf32, #tpu.memory_space<vmem_shared>> -> memref<16x128xf32, #tpu.memory_space<vmem_shared>>
    %dma_wait3A_67 = arith.constant 0 : i32
    %dma_wait3A_68 = tpu.memref_slice %arg13[%add3A_19, %dma_wait3A_67] : memref<10240x128xf32, #tpu.memory_space<vmem_shared>> -> memref<16x128xf32, #tpu.memory_space<vmem_shared>>
    tpu.wait_dma2 semaphore(%arg18 : memref<!tpu.dma_semaphore, #tpu.memory_space<semaphore_mem>>) src(%arg12 : memref<16x128xf32, #tpu.memory_space<vmem>>) dst(%dma_wait3A_68 : memref<16x128xf32, #tpu.memory_space<vmem_shared>>)
    %dma_wait3A_69 = arith.constant 0 : i32
    %dma_wait3A_70 = tpu.memref_slice %arg13[%add3A_25, %dma_wait3A_69] : memref<10240x128xf32, #tpu.memory_space<vmem_shared>> -> memref<16x128xf32, #tpu.memory_space<vmem_shared>>
    %dma_wait3A_71 = arith.constant 0 : i32
    %dma_wait3A_72 = tpu.memref_slice %arg13[%add3A_25, %dma_wait3A_71] : memref<10240x128xf32, #tpu.memory_space<vmem_shared>> -> memref<16x128xf32, #tpu.memory_space<vmem_shared>>
    tpu.wait_dma2 semaphore(%arg18 : memref<!tpu.dma_semaphore, #tpu.memory_space<semaphore_mem>>) src(%arg12 : memref<16x128xf32, #tpu.memory_space<vmem>>) dst(%dma_wait3A_72 : memref<16x128xf32, #tpu.memory_space<vmem_shared>>)
    %dma_wait3A_73 = arith.constant 0 : i32
    %dma_wait3A_74 = tpu.memref_slice %arg13[%add3A_31, %dma_wait3A_73] : memref<10240x128xf32, #tpu.memory_space<vmem_shared>> -> memref<16x128xf32, #tpu.memory_space<vmem_shared>>
    %dma_wait3A_75 = arith.constant 0 : i32
    %dma_wait3A_76 = tpu.memref_slice %arg13[%add3A_31, %dma_wait3A_75] : memref<10240x128xf32, #tpu.memory_space<vmem_shared>> -> memref<16x128xf32, #tpu.memory_space<vmem_shared>>
    tpu.wait_dma2 semaphore(%arg18 : memref<!tpu.dma_semaphore, #tpu.memory_space<semaphore_mem>>) src(%arg12 : memref<16x128xf32, #tpu.memory_space<vmem>>) dst(%dma_wait3A_76 : memref<16x128xf32, #tpu.memory_space<vmem_shared>>)
    %dma_wait3A_77 = arith.constant 0 : i32
    %dma_wait3A_78 = tpu.memref_slice %arg13[%add3A_37, %dma_wait3A_77] : memref<10240x128xf32, #tpu.memory_space<vmem_shared>> -> memref<16x128xf32, #tpu.memory_space<vmem_shared>>
    %dma_wait3A_79 = arith.constant 0 : i32
    %dma_wait3A_80 = tpu.memref_slice %arg13[%add3A_37, %dma_wait3A_79] : memref<10240x128xf32, #tpu.memory_space<vmem_shared>> -> memref<16x128xf32, #tpu.memory_space<vmem_shared>>
    tpu.wait_dma2 semaphore(%arg18 : memref<!tpu.dma_semaphore, #tpu.memory_space<semaphore_mem>>) src(%arg12 : memref<16x128xf32, #tpu.memory_space<vmem>>) dst(%dma_wait3A_80 : memref<16x128xf32, #tpu.memory_space<vmem_shared>>)
    %dma_wait3A_81 = arith.constant 0 : i32
    %dma_wait3A_82 = tpu.memref_slice %arg13[%add3A_43, %dma_wait3A_81] : memref<10240x128xf32, #tpu.memory_space<vmem_shared>> -> memref<16x128xf32, #tpu.memory_space<vmem_shared>>
    %dma_wait3A_83 = arith.constant 0 : i32
    %dma_wait3A_84 = tpu.memref_slice %arg13[%add3A_43, %dma_wait3A_83] : memref<10240x128xf32, #tpu.memory_space<vmem_shared>> -> memref<16x128xf32, #tpu.memory_space<vmem_shared>>
    tpu.wait_dma2 semaphore(%arg18 : memref<!tpu.dma_semaphore, #tpu.memory_space<semaphore_mem>>) src(%arg12 : memref<16x128xf32, #tpu.memory_space<vmem>>) dst(%dma_wait3A_84 : memref<16x128xf32, #tpu.memory_space<vmem_shared>>)
    %dma_wait3A_85 = arith.constant 0 : i32
    %dma_wait3A_86 = tpu.memref_slice %arg13[%add3A_49, %dma_wait3A_85] : memref<10240x128xf32, #tpu.memory_space<vmem_shared>> -> memref<16x128xf32, #tpu.memory_space<vmem_shared>>
    %dma_wait3A_87 = arith.constant 0 : i32
    %dma_wait3A_88 = tpu.memref_slice %arg13[%add3A_49, %dma_wait3A_87] : memref<10240x128xf32, #tpu.memory_space<vmem_shared>> -> memref<16x128xf32, #tpu.memory_space<vmem_shared>>
    tpu.wait_dma2 semaphore(%arg18 : memref<!tpu.dma_semaphore, #tpu.memory_space<semaphore_mem>>) src(%arg12 : memref<16x128xf32, #tpu.memory_space<vmem>>) dst(%dma_wait3A_88 : memref<16x128xf32, #tpu.memory_space<vmem_shared>>)
    %dma_wait3A_89 = arith.constant 0 : i32
    %dma_wait3A_90 = tpu.memref_slice %arg13[%add3A_55, %dma_wait3A_89] : memref<10240x128xf32, #tpu.memory_space<vmem_shared>> -> memref<16x128xf32, #tpu.memory_space<vmem_shared>>
    %dma_wait3A_91 = arith.constant 0 : i32
    %dma_wait3A_92 = tpu.memref_slice %arg13[%add3A_55, %dma_wait3A_91] : memref<10240x128xf32, #tpu.memory_space<vmem_shared>> -> memref<16x128xf32, #tpu.memory_space<vmem_shared>>
    tpu.wait_dma2 semaphore(%arg18 : memref<!tpu.dma_semaphore, #tpu.memory_space<semaphore_mem>>) src(%arg12 : memref<16x128xf32, #tpu.memory_space<vmem>>) dst(%dma_wait3A_92 : memref<16x128xf32, #tpu.memory_space<vmem_shared>>)
    %dma_wait3A_93 = arith.constant 0 : i32
    %dma_wait3A_94 = tpu.memref_slice %arg13[%add3A_61, %dma_wait3A_93] : memref<10240x128xf32, #tpu.memory_space<vmem_shared>> -> memref<16x128xf32, #tpu.memory_space<vmem_shared>>
    %dma_wait3A_95 = arith.constant 0 : i32
    %dma_wait3A_96 = tpu.memref_slice %arg13[%add3A_61, %dma_wait3A_95] : memref<10240x128xf32, #tpu.memory_space<vmem_shared>> -> memref<16x128xf32, #tpu.memory_space<vmem_shared>>
    tpu.wait_dma2 semaphore(%arg18 : memref<!tpu.dma_semaphore, #tpu.memory_space<semaphore_mem>>) src(%arg12 : memref<16x128xf32, #tpu.memory_space<vmem>>) dst(%dma_wait3A_96 : memref<16x128xf32, #tpu.memory_space<vmem_shared>>)
    %add3A_97 = arith.constant 128 : i32
    %add3A_98 = arith.addi %mul3A_17, %add3A_97 : i32
    %dma_start3A_99 = arith.constant 0 : i32
    %dma_start3A_100 = tpu.memref_slice %arg13[%add3A_98, %dma_start3A_99] : memref<10240x128xf32, #tpu.memory_space<vmem_shared>> -> memref<16x128xf32, #tpu.memory_space<vmem_shared>>
    %dma_start3A_101 = arith.constant 0 : i32
    %dma_start3A_102 = tpu.memref_slice %arg13[%add3A_98, %dma_start3A_101] : memref<10240x128xf32, #tpu.memory_space<vmem_shared>> -> memref<16x128xf32, #tpu.memory_space<vmem_shared>>
    tpu.enqueue_dma source(%arg12 : memref<16x128xf32, #tpu.memory_space<vmem>>) target(%dma_start3A_102 : memref<16x128xf32, #tpu.memory_space<vmem_shared>>) target_semaphore(%arg18 : memref<!tpu.dma_semaphore, #tpu.memory_space<semaphore_mem>>)
    %add3A_103 = arith.constant 144 : i32
    %add3A_104 = arith.addi %mul3A_17, %add3A_103 : i32
    %dma_start3A_105 = arith.constant 0 : i32
    %dma_start3A_106 = tpu.memref_slice %arg13[%add3A_104, %dma_start3A_105] : memref<10240x128xf32, #tpu.memory_space<vmem_shared>> -> memref<16x128xf32, #tpu.memory_space<vmem_shared>>
    %dma_start3A_107 = arith.constant 0 : i32
    %dma_start3A_108 = tpu.memref_slice %arg13[%add3A_104, %dma_start3A_107] : memref<10240x128xf32, #tpu.memory_space<vmem_shared>> -> memref<16x128xf32, #tpu.memory_space<vmem_shared>>
    tpu.enqueue_dma source(%arg12 : memref<16x128xf32, #tpu.memory_space<vmem>>) target(%dma_start3A_108 : memref<16x128xf32, #tpu.memory_space<vmem_shared>>) target_semaphore(%arg18 : memref<!tpu.dma_semaphore, #tpu.memory_space<semaphore_mem>>)
    %add3A_109 = arith.constant 160 : i32
    %add3A_110 = arith.addi %mul3A_17, %add3A_109 : i32
    %dma_start3A_111 = arith.constant 0 : i32
    %dma_start3A_112 = tpu.memref_slice %arg13[%add3A_110, %dma_start3A_111] : memref<10240x128xf32, #tpu.memory_space<vmem_shared>> -> memref<16x128xf32, #tpu.memory_space<vmem_shared>>
    %dma_start3A_113 = arith.constant 0 : i32
    %dma_start3A_114 = tpu.memref_slice %arg13[%add3A_110, %dma_start3A_113] : memref<10240x128xf32, #tpu.memory_space<vmem_shared>> -> memref<16x128xf32, #tpu.memory_space<vmem_shared>>
    tpu.enqueue_dma source(%arg12 : memref<16x128xf32, #tpu.memory_space<vmem>>) target(%dma_start3A_114 : memref<16x128xf32, #tpu.memory_space<vmem_shared>>) target_semaphore(%arg18 : memref<!tpu.dma_semaphore, #tpu.memory_space<semaphore_mem>>)
    %add3A_115 = arith.constant 176 : i32
    %add3A_116 = arith.addi %mul3A_17, %add3A_115 : i32
    %dma_start3A_117 = arith.constant 0 : i32
    %dma_start3A_118 = tpu.memref_slice %arg13[%add3A_116, %dma_start3A_117] : memref<10240x128xf32, #tpu.memory_space<vmem_shared>> -> memref<16x128xf32, #tpu.memory_space<vmem_shared>>
    %dma_start3A_119 = arith.constant 0 : i32
    %dma_start3A_120 = tpu.memref_slice %arg13[%add3A_116, %dma_start3A_119] : memref<10240x128xf32, #tpu.memory_space<vmem_shared>> -> memref<16x128xf32, #tpu.memory_space<vmem_shared>>
    tpu.enqueue_dma source(%arg12 : memref<16x128xf32, #tpu.memory_space<vmem>>) target(%dma_start3A_120 : memref<16x128xf32, #tpu.memory_space<vmem_shared>>) target_semaphore(%arg18 : memref<!tpu.dma_semaphore, #tpu.memory_space<semaphore_mem>>)
    %add3A_121 = arith.constant 192 : i32
    %add3A_122 = arith.addi %mul3A_17, %add3A_121 : i32
    %dma_start3A_123 = arith.constant 0 : i32
    %dma_start3A_124 = tpu.memref_slice %arg13[%add3A_122, %dma_start3A_123] : memref<10240x128xf32, #tpu.memory_space<vmem_shared>> -> memref<16x128xf32, #tpu.memory_space<vmem_shared>>
    %dma_start3A_125 = arith.constant 0 : i32
    %dma_start3A_126 = tpu.memref_slice %arg13[%add3A_122, %dma_start3A_125] : memref<10240x128xf32, #tpu.memory_space<vmem_shared>> -> memref<16x128xf32, #tpu.memory_space<vmem_shared>>
    tpu.enqueue_dma source(%arg12 : memref<16x128xf32, #tpu.memory_space<vmem>>) target(%dma_start3A_126 : memref<16x128xf32, #tpu.memory_space<vmem_shared>>) target_semaphore(%arg18 : memref<!tpu.dma_semaphore, #tpu.memory_space<semaphore_mem>>)
    %add3A_127 = arith.constant 208 : i32
    %add3A_128 = arith.addi %mul3A_17, %add3A_127 : i32
    %dma_start3A_129 = arith.constant 0 : i32
    %dma_start3A_130 = tpu.memref_slice %arg13[%add3A_128, %dma_start3A_129] : memref<10240x128xf32, #tpu.memory_space<vmem_shared>> -> memref<16x128xf32, #tpu.memory_space<vmem_shared>>
    %dma_start3A_131 = arith.constant 0 : i32
    %dma_start3A_132 = tpu.memref_slice %arg13[%add3A_128, %dma_start3A_131] : memref<10240x128xf32, #tpu.memory_space<vmem_shared>> -> memref<16x128xf32, #tpu.memory_space<vmem_shared>>
    tpu.enqueue_dma source(%arg12 : memref<16x128xf32, #tpu.memory_space<vmem>>) target(%dma_start3A_132 : memref<16x128xf32, #tpu.memory_space<vmem_shared>>) target_semaphore(%arg18 : memref<!tpu.dma_semaphore, #tpu.memory_space<semaphore_mem>>)
    %add3A_133 = arith.constant 224 : i32
    %add3A_134 = arith.addi %mul3A_17, %add3A_133 : i32
    %dma_start3A_135 = arith.constant 0 : i32
    %dma_start3A_136 = tpu.memref_slice %arg13[%add3A_134, %dma_start3A_135] : memref<10240x128xf32, #tpu.memory_space<vmem_shared>> -> memref<16x128xf32, #tpu.memory_space<vmem_shared>>
    %dma_start3A_137 = arith.constant 0 : i32
    %dma_start3A_138 = tpu.memref_slice %arg13[%add3A_134, %dma_start3A_137] : memref<10240x128xf32, #tpu.memory_space<vmem_shared>> -> memref<16x128xf32, #tpu.memory_space<vmem_shared>>
    tpu.enqueue_dma source(%arg12 : memref<16x128xf32, #tpu.memory_space<vmem>>) target(%dma_start3A_138 : memref<16x128xf32, #tpu.memory_space<vmem_shared>>) target_semaphore(%arg18 : memref<!tpu.dma_semaphore, #tpu.memory_space<semaphore_mem>>)
    %add3A_139 = arith.constant 240 : i32
    %add3A_140 = arith.addi %mul3A_17, %add3A_139 : i32
    %dma_start3A_141 = arith.constant 0 : i32
    %dma_start3A_142 = tpu.memref_slice %arg13[%add3A_140, %dma_start3A_141] : memref<10240x128xf32, #tpu.memory_space<vmem_shared>> -> memref<16x128xf32, #tpu.memory_space<vmem_shared>>
    %dma_start3A_143 = arith.constant 0 : i32
    %dma_start3A_144 = tpu.memref_slice %arg13[%add3A_140, %dma_start3A_143] : memref<10240x128xf32, #tpu.memory_space<vmem_shared>> -> memref<16x128xf32, #tpu.memory_space<vmem_shared>>
    tpu.enqueue_dma source(%arg12 : memref<16x128xf32, #tpu.memory_space<vmem>>) target(%dma_start3A_144 : memref<16x128xf32, #tpu.memory_space<vmem_shared>>) target_semaphore(%arg18 : memref<!tpu.dma_semaphore, #tpu.memory_space<semaphore_mem>>)
    %dma_wait3A_145 = arith.constant 0 : i32
    %dma_wait3A_146 = tpu.memref_slice %arg13[%add3A_98, %dma_wait3A_145] : memref<10240x128xf32, #tpu.memory_space<vmem_shared>> -> memref<16x128xf32, #tpu.memory_space<vmem_shared>>
    %dma_wait3A_147 = arith.constant 0 : i32
    %dma_wait3A_148 = tpu.memref_slice %arg13[%add3A_98, %dma_wait3A_147] : memref<10240x128xf32, #tpu.memory_space<vmem_shared>> -> memref<16x128xf32, #tpu.memory_space<vmem_shared>>
    tpu.wait_dma2 semaphore(%arg18 : memref<!tpu.dma_semaphore, #tpu.memory_space<semaphore_mem>>) src(%arg12 : memref<16x128xf32, #tpu.memory_space<vmem>>) dst(%dma_wait3A_148 : memref<16x128xf32, #tpu.memory_space<vmem_shared>>)
    %dma_wait3A_149 = arith.constant 0 : i32
    %dma_wait3A_150 = tpu.memref_slice %arg13[%add3A_104, %dma_wait3A_149] : memref<10240x128xf32, #tpu.memory_space<vmem_shared>> -> memref<16x128xf32, #tpu.memory_space<vmem_shared>>
    %dma_wait3A_151 = arith.constant 0 : i32
    %dma_wait3A_152 = tpu.memref_slice %arg13[%add3A_104, %dma_wait3A_151] : memref<10240x128xf32, #tpu.memory_space<vmem_shared>> -> memref<16x128xf32, #tpu.memory_space<vmem_shared>>
    tpu.wait_dma2 semaphore(%arg18 : memref<!tpu.dma_semaphore, #tpu.memory_space<semaphore_mem>>) src(%arg12 : memref<16x128xf32, #tpu.memory_space<vmem>>) dst(%dma_wait3A_152 : memref<16x128xf32, #tpu.memory_space<vmem_shared>>)
    %dma_wait3A_153 = arith.constant 0 : i32
    %dma_wait3A_154 = tpu.memref_slice %arg13[%add3A_110, %dma_wait3A_153] : memref<10240x128xf32, #tpu.memory_space<vmem_shared>> -> memref<16x128xf32, #tpu.memory_space<vmem_shared>>
    %dma_wait3A_155 = arith.constant 0 : i32
    %dma_wait3A_156 = tpu.memref_slice %arg13[%add3A_110, %dma_wait3A_155] : memref<10240x128xf32, #tpu.memory_space<vmem_shared>> -> memref<16x128xf32, #tpu.memory_space<vmem_shared>>
    tpu.wait_dma2 semaphore(%arg18 : memref<!tpu.dma_semaphore, #tpu.memory_space<semaphore_mem>>) src(%arg12 : memref<16x128xf32, #tpu.memory_space<vmem>>) dst(%dma_wait3A_156 : memref<16x128xf32, #tpu.memory_space<vmem_shared>>)
    %dma_wait3A_157 = arith.constant 0 : i32
    %dma_wait3A_158 = tpu.memref_slice %arg13[%add3A_116, %dma_wait3A_157] : memref<10240x128xf32, #tpu.memory_space<vmem_shared>> -> memref<16x128xf32, #tpu.memory_space<vmem_shared>>
    %dma_wait3A_159 = arith.constant 0 : i32
    %dma_wait3A_160 = tpu.memref_slice %arg13[%add3A_116, %dma_wait3A_159] : memref<10240x128xf32, #tpu.memory_space<vmem_shared>> -> memref<16x128xf32, #tpu.memory_space<vmem_shared>>
    tpu.wait_dma2 semaphore(%arg18 : memref<!tpu.dma_semaphore, #tpu.memory_space<semaphore_mem>>) src(%arg12 : memref<16x128xf32, #tpu.memory_space<vmem>>) dst(%dma_wait3A_160 : memref<16x128xf32, #tpu.memory_space<vmem_shared>>)
    %dma_wait3A_161 = arith.constant 0 : i32
    %dma_wait3A_162 = tpu.memref_slice %arg13[%add3A_122, %dma_wait3A_161] : memref<10240x128xf32, #tpu.memory_space<vmem_shared>> -> memref<16x128xf32, #tpu.memory_space<vmem_shared>>
    %dma_wait3A_163 = arith.constant 0 : i32
    %dma_wait3A_164 = tpu.memref_slice %arg13[%add3A_122, %dma_wait3A_163] : memref<10240x128xf32, #tpu.memory_space<vmem_shared>> -> memref<16x128xf32, #tpu.memory_space<vmem_shared>>
    tpu.wait_dma2 semaphore(%arg18 : memref<!tpu.dma_semaphore, #tpu.memory_space<semaphore_mem>>) src(%arg12 : memref<16x128xf32, #tpu.memory_space<vmem>>) dst(%dma_wait3A_164 : memref<16x128xf32, #tpu.memory_space<vmem_shared>>)
    %dma_wait3A_165 = arith.constant 0 : i32
    %dma_wait3A_166 = tpu.memref_slice %arg13[%add3A_128, %dma_wait3A_165] : memref<10240x128xf32, #tpu.memory_space<vmem_shared>> -> memref<16x128xf32, #tpu.memory_space<vmem_shared>>
    %dma_wait3A_167 = arith.constant 0 : i32
    %dma_wait3A_168 = tpu.memref_slice %arg13[%add3A_128, %dma_wait3A_167] : memref<10240x128xf32, #tpu.memory_space<vmem_shared>> -> memref<16x128xf32, #tpu.memory_space<vmem_shared>>
    tpu.wait_dma2 semaphore(%arg18 : memref<!tpu.dma_semaphore, #tpu.memory_space<semaphore_mem>>) src(%arg12 : memref<16x128xf32, #tpu.memory_space<vmem>>) dst(%dma_wait3A_168 : memref<16x128xf32, #tpu.memory_space<vmem_shared>>)
    %dma_wait3A_169 = arith.constant 0 : i32
    %dma_wait3A_170 = tpu.memref_slice %arg13[%add3A_134, %dma_wait3A_169] : memref<10240x128xf32, #tpu.memory_space<vmem_shared>> -> memref<16x128xf32, #tpu.memory_space<vmem_shared>>
    %dma_wait3A_171 = arith.constant 0 : i32
    %dma_wait3A_172 = tpu.memref_slice %arg13[%add3A_134, %dma_wait3A_171] : memref<10240x128xf32, #tpu.memory_space<vmem_shared>> -> memref<16x128xf32, #tpu.memory_space<vmem_shared>>
    tpu.wait_dma2 semaphore(%arg18 : memref<!tpu.dma_semaphore, #tpu.memory_space<semaphore_mem>>) src(%arg12 : memref<16x128xf32, #tpu.memory_space<vmem>>) dst(%dma_wait3A_172 : memref<16x128xf32, #tpu.memory_space<vmem_shared>>)
    %dma_wait3A_173 = arith.constant 0 : i32
    %dma_wait3A_174 = tpu.memref_slice %arg13[%add3A_140, %dma_wait3A_173] : memref<10240x128xf32, #tpu.memory_space<vmem_shared>> -> memref<16x128xf32, #tpu.memory_space<vmem_shared>>
    %dma_wait3A_175 = arith.constant 0 : i32
    %dma_wait3A_176 = tpu.memref_slice %arg13[%add3A_140, %dma_wait3A_175] : memref<10240x128xf32, #tpu.memory_space<vmem_shared>> -> memref<16x128xf32, #tpu.memory_space<vmem_shared>>
    tpu.wait_dma2 semaphore(%arg18 : memref<!tpu.dma_semaphore, #tpu.memory_space<semaphore_mem>>) src(%arg12 : memref<16x128xf32, #tpu.memory_space<vmem>>) dst(%dma_wait3A_176 : memref<16x128xf32, #tpu.memory_space<vmem_shared>>)
    %add3A_177 = arith.constant 256 : i32
    %add3A_178 = arith.addi %mul3A_17, %add3A_177 : i32
    %dma_start3A_179 = arith.constant 0 : i32
    %dma_start3A_180 = tpu.memref_slice %arg13[%add3A_178, %dma_start3A_179] : memref<10240x128xf32, #tpu.memory_space<vmem_shared>> -> memref<16x128xf32, #tpu.memory_space<vmem_shared>>
    %dma_start3A_181 = arith.constant 0 : i32
    %dma_start3A_182 = tpu.memref_slice %arg13[%add3A_178, %dma_start3A_181] : memref<10240x128xf32, #tpu.memory_space<vmem_shared>> -> memref<16x128xf32, #tpu.memory_space<vmem_shared>>
    tpu.enqueue_dma source(%arg12 : memref<16x128xf32, #tpu.memory_space<vmem>>) target(%dma_start3A_182 : memref<16x128xf32, #tpu.memory_space<vmem_shared>>) target_semaphore(%arg18 : memref<!tpu.dma_semaphore, #tpu.memory_space<semaphore_mem>>)
    %add3A_183 = arith.constant 272 : i32
    %add3A_184 = arith.addi %mul3A_17, %add3A_183 : i32
    %dma_start3A_185 = arith.constant 0 : i32
    %dma_start3A_186 = tpu.memref_slice %arg13[%add3A_184, %dma_start3A_185] : memref<10240x128xf32, #tpu.memory_space<vmem_shared>> -> memref<16x128xf32, #tpu.memory_space<vmem_shared>>
    %dma_start3A_187 = arith.constant 0 : i32
    %dma_start3A_188 = tpu.memref_slice %arg13[%add3A_184, %dma_start3A_187] : memref<10240x128xf32, #tpu.memory_space<vmem_shared>> -> memref<16x128xf32, #tpu.memory_space<vmem_shared>>
    tpu.enqueue_dma source(%arg12 : memref<16x128xf32, #tpu.memory_space<vmem>>) target(%dma_start3A_188 : memref<16x128xf32, #tpu.memory_space<vmem_shared>>) target_semaphore(%arg18 : memref<!tpu.dma_semaphore, #tpu.memory_space<semaphore_mem>>)
    %add3A_189 = arith.constant 288 : i32
    %add3A_190 = arith.addi %mul3A_17, %add3A_189 : i32
    %dma_start3A_191 = arith.constant 0 : i32
    %dma_start3A_192 = tpu.memref_slice %arg13[%add3A_190, %dma_start3A_191] : memref<10240x128xf32, #tpu.memory_space<vmem_shared>> -> memref<16x128xf32, #tpu.memory_space<vmem_shared>>
    %dma_start3A_193 = arith.constant 0 : i32
    %dma_start3A_194 = tpu.memref_slice %arg13[%add3A_190, %dma_start3A_193] : memref<10240x128xf32, #tpu.memory_space<vmem_shared>> -> memref<16x128xf32, #tpu.memory_space<vmem_shared>>
    tpu.enqueue_dma source(%arg12 : memref<16x128xf32, #tpu.memory_space<vmem>>) target(%dma_start3A_194 : memref<16x128xf32, #tpu.memory_space<vmem_shared>>) target_semaphore(%arg18 : memref<!tpu.dma_semaphore, #tpu.memory_space<semaphore_mem>>)
    %add3A_195 = arith.constant 304 : i32
    %add3A_196 = arith.addi %mul3A_17, %add3A_195 : i32
    %dma_start3A_197 = arith.constant 0 : i32
    %dma_start3A_198 = tpu.memref_slice %arg13[%add3A_196, %dma_start3A_197] : memref<10240x128xf32, #tpu.memory_space<vmem_shared>> -> memref<16x128xf32, #tpu.memory_space<vmem_shared>>
    %dma_start3A_199 = arith.constant 0 : i32
    %dma_start3A_200 = tpu.memref_slice %arg13[%add3A_196, %dma_start3A_199] : memref<10240x128xf32, #tpu.memory_space<vmem_shared>> -> memref<16x128xf32, #tpu.memory_space<vmem_shared>>
    tpu.enqueue_dma source(%arg12 : memref<16x128xf32, #tpu.memory_space<vmem>>) target(%dma_start3A_200 : memref<16x128xf32, #tpu.memory_space<vmem_shared>>) target_semaphore(%arg18 : memref<!tpu.dma_semaphore, #tpu.memory_space<semaphore_mem>>)
    %add3A_201 = arith.constant 320 : i32
    %add3A_202 = arith.addi %mul3A_17, %add3A_201 : i32
    %dma_start3A_203 = arith.constant 0 : i32
    %dma_start3A_204 = tpu.memref_slice %arg13[%add3A_202, %dma_start3A_203] : memref<10240x128xf32, #tpu.memory_space<vmem_shared>> -> memref<16x128xf32, #tpu.memory_space<vmem_shared>>
    %dma_start3A_205 = arith.constant 0 : i32
    %dma_start3A_206 = tpu.memref_slice %arg13[%add3A_202, %dma_start3A_205] : memref<10240x128xf32, #tpu.memory_space<vmem_shared>> -> memref<16x128xf32, #tpu.memory_space<vmem_shared>>
    tpu.enqueue_dma source(%arg12 : memref<16x128xf32, #tpu.memory_space<vmem>>) target(%dma_start3A_206 : memref<16x128xf32, #tpu.memory_space<vmem_shared>>) target_semaphore(%arg18 : memref<!tpu.dma_semaphore, #tpu.memory_space<semaphore_mem>>)
    %add3A_207 = arith.constant 336 : i32
    %add3A_208 = arith.addi %mul3A_17, %add3A_207 : i32
    %dma_start3A_209 = arith.constant 0 : i32
    %dma_start3A_210 = tpu.memref_slice %arg13[%add3A_208, %dma_start3A_209] : memref<10240x128xf32, #tpu.memory_space<vmem_shared>> -> memref<16x128xf32, #tpu.memory_space<vmem_shared>>
    %dma_start3A_211 = arith.constant 0 : i32
    %dma_start3A_212 = tpu.memref_slice %arg13[%add3A_208, %dma_start3A_211] : memref<10240x128xf32, #tpu.memory_space<vmem_shared>> -> memref<16x128xf32, #tpu.memory_space<vmem_shared>>
    tpu.enqueue_dma source(%arg12 : memref<16x128xf32, #tpu.memory_space<vmem>>) target(%dma_start3A_212 : memref<16x128xf32, #tpu.memory_space<vmem_shared>>) target_semaphore(%arg18 : memref<!tpu.dma_semaphore, #tpu.memory_space<semaphore_mem>>)
    %add3A_213 = arith.constant 352 : i32
    %add3A_214 = arith.addi %mul3A_17, %add3A_213 : i32
    %dma_start3A_215 = arith.constant 0 : i32
    %dma_start3A_216 = tpu.memref_slice %arg13[%add3A_214, %dma_start3A_215] : memref<10240x128xf32, #tpu.memory_space<vmem_shared>> -> memref<16x128xf32, #tpu.memory_space<vmem_shared>>
    %dma_start3A_217 = arith.constant 0 : i32
    %dma_start3A_218 = tpu.memref_slice %arg13[%add3A_214, %dma_start3A_217] : memref<10240x128xf32, #tpu.memory_space<vmem_shared>> -> memref<16x128xf32, #tpu.memory_space<vmem_shared>>
    tpu.enqueue_dma source(%arg12 : memref<16x128xf32, #tpu.memory_space<vmem>>) target(%dma_start3A_218 : memref<16x128xf32, #tpu.memory_space<vmem_shared>>) target_semaphore(%arg18 : memref<!tpu.dma_semaphore, #tpu.memory_space<semaphore_mem>>)
    %add3A_219 = arith.constant 368 : i32
    %add3A_220 = arith.addi %mul3A_17, %add3A_219 : i32
    %dma_start3A_221 = arith.constant 0 : i32
    %dma_start3A_222 = tpu.memref_slice %arg13[%add3A_220, %dma_start3A_221] : memref<10240x128xf32, #tpu.memory_space<vmem_shared>> -> memref<16x128xf32, #tpu.memory_space<vmem_shared>>
    %dma_start3A_223 = arith.constant 0 : i32
    %dma_start3A_224 = tpu.memref_slice %arg13[%add3A_220, %dma_start3A_223] : memref<10240x128xf32, #tpu.memory_space<vmem_shared>> -> memref<16x128xf32, #tpu.memory_space<vmem_shared>>
    tpu.enqueue_dma source(%arg12 : memref<16x128xf32, #tpu.memory_space<vmem>>) target(%dma_start3A_224 : memref<16x128xf32, #tpu.memory_space<vmem_shared>>) target_semaphore(%arg18 : memref<!tpu.dma_semaphore, #tpu.memory_space<semaphore_mem>>)
    %dma_wait3A_225 = arith.constant 0 : i32
    %dma_wait3A_226 = tpu.memref_slice %arg13[%add3A_178, %dma_wait3A_225] : memref<10240x128xf32, #tpu.memory_space<vmem_shared>> -> memref<16x128xf32, #tpu.memory_space<vmem_shared>>
    %dma_wait3A_227 = arith.constant 0 : i32
    %dma_wait3A_228 = tpu.memref_slice %arg13[%add3A_178, %dma_wait3A_227] : memref<10240x128xf32, #tpu.memory_space<vmem_shared>> -> memref<16x128xf32, #tpu.memory_space<vmem_shared>>
    tpu.wait_dma2 semaphore(%arg18 : memref<!tpu.dma_semaphore, #tpu.memory_space<semaphore_mem>>) src(%arg12 : memref<16x128xf32, #tpu.memory_space<vmem>>) dst(%dma_wait3A_228 : memref<16x128xf32, #tpu.memory_space<vmem_shared>>)
    %dma_wait3A_229 = arith.constant 0 : i32
    %dma_wait3A_230 = tpu.memref_slice %arg13[%add3A_184, %dma_wait3A_229] : memref<10240x128xf32, #tpu.memory_space<vmem_shared>> -> memref<16x128xf32, #tpu.memory_space<vmem_shared>>
    %dma_wait3A_231 = arith.constant 0 : i32
    %dma_wait3A_232 = tpu.memref_slice %arg13[%add3A_184, %dma_wait3A_231] : memref<10240x128xf32, #tpu.memory_space<vmem_shared>> -> memref<16x128xf32, #tpu.memory_space<vmem_shared>>
    tpu.wait_dma2 semaphore(%arg18 : memref<!tpu.dma_semaphore, #tpu.memory_space<semaphore_mem>>) src(%arg12 : memref<16x128xf32, #tpu.memory_space<vmem>>) dst(%dma_wait3A_232 : memref<16x128xf32, #tpu.memory_space<vmem_shared>>)
    %dma_wait3A_233 = arith.constant 0 : i32
    %dma_wait3A_234 = tpu.memref_slice %arg13[%add3A_190, %dma_wait3A_233] : memref<10240x128xf32, #tpu.memory_space<vmem_shared>> -> memref<16x128xf32, #tpu.memory_space<vmem_shared>>
    %dma_wait3A_235 = arith.constant 0 : i32
    %dma_wait3A_236 = tpu.memref_slice %arg13[%add3A_190, %dma_wait3A_235] : memref<10240x128xf32, #tpu.memory_space<vmem_shared>> -> memref<16x128xf32, #tpu.memory_space<vmem_shared>>
    tpu.wait_dma2 semaphore(%arg18 : memref<!tpu.dma_semaphore, #tpu.memory_space<semaphore_mem>>) src(%arg12 : memref<16x128xf32, #tpu.memory_space<vmem>>) dst(%dma_wait3A_236 : memref<16x128xf32, #tpu.memory_space<vmem_shared>>)
    %dma_wait3A_237 = arith.constant 0 : i32
    %dma_wait3A_238 = tpu.memref_slice %arg13[%add3A_196, %dma_wait3A_237] : memref<10240x128xf32, #tpu.memory_space<vmem_shared>> -> memref<16x128xf32, #tpu.memory_space<vmem_shared>>
    %dma_wait3A_239 = arith.constant 0 : i32
    %dma_wait3A_240 = tpu.memref_slice %arg13[%add3A_196, %dma_wait3A_239] : memref<10240x128xf32, #tpu.memory_space<vmem_shared>> -> memref<16x128xf32, #tpu.memory_space<vmem_shared>>
    tpu.wait_dma2 semaphore(%arg18 : memref<!tpu.dma_semaphore, #tpu.memory_space<semaphore_mem>>) src(%arg12 : memref<16x128xf32, #tpu.memory_space<vmem>>) dst(%dma_wait3A_240 : memref<16x128xf32, #tpu.memory_space<vmem_shared>>)
    %dma_wait3A_241 = arith.constant 0 : i32
    %dma_wait3A_242 = tpu.memref_slice %arg13[%add3A_202, %dma_wait3A_241] : memref<10240x128xf32, #tpu.memory_space<vmem_shared>> -> memref<16x128xf32, #tpu.memory_space<vmem_shared>>
    %dma_wait3A_243 = arith.constant 0 : i32
    %dma_wait3A_244 = tpu.memref_slice %arg13[%add3A_202, %dma_wait3A_243] : memref<10240x128xf32, #tpu.memory_space<vmem_shared>> -> memref<16x128xf32, #tpu.memory_space<vmem_shared>>
    tpu.wait_dma2 semaphore(%arg18 : memref<!tpu.dma_semaphore, #tpu.memory_space<semaphore_mem>>) src(%arg12 : memref<16x128xf32, #tpu.memory_space<vmem>>) dst(%dma_wait3A_244 : memref<16x128xf32, #tpu.memory_space<vmem_shared>>)
    %dma_wait3A_245 = arith.constant 0 : i32
    %dma_wait3A_246 = tpu.memref_slice %arg13[%add3A_208, %dma_wait3A_245] : memref<10240x128xf32, #tpu.memory_space<vmem_shared>> -> memref<16x128xf32, #tpu.memory_space<vmem_shared>>
    %dma_wait3A_247 = arith.constant 0 : i32
    %dma_wait3A_248 = tpu.memref_slice %arg13[%add3A_208, %dma_wait3A_247] : memref<10240x128xf32, #tpu.memory_space<vmem_shared>> -> memref<16x128xf32, #tpu.memory_space<vmem_shared>>
    tpu.wait_dma2 semaphore(%arg18 : memref<!tpu.dma_semaphore, #tpu.memory_space<semaphore_mem>>) src(%arg12 : memref<16x128xf32, #tpu.memory_space<vmem>>) dst(%dma_wait3A_248 : memref<16x128xf32, #tpu.memory_space<vmem_shared>>)
    %dma_wait3A_249 = arith.constant 0 : i32
    %dma_wait3A_250 = tpu.memref_slice %arg13[%add3A_214, %dma_wait3A_249] : memref<10240x128xf32, #tpu.memory_space<vmem_shared>> -> memref<16x128xf32, #tpu.memory_space<vmem_shared>>
    %dma_wait3A_251 = arith.constant 0 : i32
    %dma_wait3A_252 = tpu.memref_slice %arg13[%add3A_214, %dma_wait3A_251] : memref<10240x128xf32, #tpu.memory_space<vmem_shared>> -> memref<16x128xf32, #tpu.memory_space<vmem_shared>>
    tpu.wait_dma2 semaphore(%arg18 : memref<!tpu.dma_semaphore, #tpu.memory_space<semaphore_mem>>) src(%arg12 : memref<16x128xf32, #tpu.memory_space<vmem>>) dst(%dma_wait3A_252 : memref<16x128xf32, #tpu.memory_space<vmem_shared>>)
    %dma_wait3A_253 = arith.constant 0 : i32
    %dma_wait3A_254 = tpu.memref_slice %arg13[%add3A_220, %dma_wait3A_253] : memref<10240x128xf32, #tpu.memory_space<vmem_shared>> -> memref<16x128xf32, #tpu.memory_space<vmem_shared>>
    %dma_wait3A_255 = arith.constant 0 : i32
    %dma_wait3A_256 = tpu.memref_slice %arg13[%add3A_220, %dma_wait3A_255] : memref<10240x128xf32, #tpu.memory_space<vmem_shared>> -> memref<16x128xf32, #tpu.memory_space<vmem_shared>>
    tpu.wait_dma2 semaphore(%arg18 : memref<!tpu.dma_semaphore, #tpu.memory_space<semaphore_mem>>) src(%arg12 : memref<16x128xf32, #tpu.memory_space<vmem>>) dst(%dma_wait3A_256 : memref<16x128xf32, #tpu.memory_space<vmem_shared>>)
    %add3A_257 = arith.constant 384 : i32
    %add3A_258 = arith.addi %mul3A_17, %add3A_257 : i32
    %dma_start3A_259 = arith.constant 0 : i32
    %dma_start3A_260 = tpu.memref_slice %arg13[%add3A_258, %dma_start3A_259] : memref<10240x128xf32, #tpu.memory_space<vmem_shared>> -> memref<16x128xf32, #tpu.memory_space<vmem_shared>>
    %dma_start3A_261 = arith.constant 0 : i32
    %dma_start3A_262 = tpu.memref_slice %arg13[%add3A_258, %dma_start3A_261] : memref<10240x128xf32, #tpu.memory_space<vmem_shared>> -> memref<16x128xf32, #tpu.memory_space<vmem_shared>>
    tpu.enqueue_dma source(%arg12 : memref<16x128xf32, #tpu.memory_space<vmem>>) target(%dma_start3A_262 : memref<16x128xf32, #tpu.memory_space<vmem_shared>>) target_semaphore(%arg18 : memref<!tpu.dma_semaphore, #tpu.memory_space<semaphore_mem>>)
    %add3A_263 = arith.constant 400 : i32
    %add3A_264 = arith.addi %mul3A_17, %add3A_263 : i32
    %dma_start3A_265 = arith.constant 0 : i32
    %dma_start3A_266 = tpu.memref_slice %arg13[%add3A_264, %dma_start3A_265] : memref<10240x128xf32, #tpu.memory_space<vmem_shared>> -> memref<16x128xf32, #tpu.memory_space<vmem_shared>>
    %dma_start3A_267 = arith.constant 0 : i32
    %dma_start3A_268 = tpu.memref_slice %arg13[%add3A_264, %dma_start3A_267] : memref<10240x128xf32, #tpu.memory_space<vmem_shared>> -> memref<16x128xf32, #tpu.memory_space<vmem_shared>>
    tpu.enqueue_dma source(%arg12 : memref<16x128xf32, #tpu.memory_space<vmem>>) target(%dma_start3A_268 : memref<16x128xf32, #tpu.memory_space<vmem_shared>>) target_semaphore(%arg18 : memref<!tpu.dma_semaphore, #tpu.memory_space<semaphore_mem>>)
    %add3A_269 = arith.constant 416 : i32
    %add3A_270 = arith.addi %mul3A_17, %add3A_269 : i32
    %dma_start3A_271 = arith.constant 0 : i32
    %dma_start3A_272 = tpu.memref_slice %arg13[%add3A_270, %dma_start3A_271] : memref<10240x128xf32, #tpu.memory_space<vmem_shared>> -> memref<16x128xf32, #tpu.memory_space<vmem_shared>>
    %dma_start3A_273 = arith.constant 0 : i32
    %dma_start3A_274 = tpu.memref_slice %arg13[%add3A_270, %dma_start3A_273] : memref<10240x128xf32, #tpu.memory_space<vmem_shared>> -> memref<16x128xf32, #tpu.memory_space<vmem_shared>>
    tpu.enqueue_dma source(%arg12 : memref<16x128xf32, #tpu.memory_space<vmem>>) target(%dma_start3A_274 : memref<16x128xf32, #tpu.memory_space<vmem_shared>>) target_semaphore(%arg18 : memref<!tpu.dma_semaphore, #tpu.memory_space<semaphore_mem>>)
    %add3A_275 = arith.constant 432 : i32
    %add3A_276 = arith.addi %mul3A_17, %add3A_275 : i32
    %dma_start3A_277 = arith.constant 0 : i32
    %dma_start3A_278 = tpu.memref_slice %arg13[%add3A_276, %dma_start3A_277] : memref<10240x128xf32, #tpu.memory_space<vmem_shared>> -> memref<16x128xf32, #tpu.memory_space<vmem_shared>>
    %dma_start3A_279 = arith.constant 0 : i32
    %dma_start3A_280 = tpu.memref_slice %arg13[%add3A_276, %dma_start3A_279] : memref<10240x128xf32, #tpu.memory_space<vmem_shared>> -> memref<16x128xf32, #tpu.memory_space<vmem_shared>>
    tpu.enqueue_dma source(%arg12 : memref<16x128xf32, #tpu.memory_space<vmem>>) target(%dma_start3A_280 : memref<16x128xf32, #tpu.memory_space<vmem_shared>>) target_semaphore(%arg18 : memref<!tpu.dma_semaphore, #tpu.memory_space<semaphore_mem>>)
    %add3A_281 = arith.constant 448 : i32
    %add3A_282 = arith.addi %mul3A_17, %add3A_281 : i32
    %dma_start3A_283 = arith.constant 0 : i32
    %dma_start3A_284 = tpu.memref_slice %arg13[%add3A_282, %dma_start3A_283] : memref<10240x128xf32, #tpu.memory_space<vmem_shared>> -> memref<16x128xf32, #tpu.memory_space<vmem_shared>>
    %dma_start3A_285 = arith.constant 0 : i32
    %dma_start3A_286 = tpu.memref_slice %arg13[%add3A_282, %dma_start3A_285] : memref<10240x128xf32, #tpu.memory_space<vmem_shared>> -> memref<16x128xf32, #tpu.memory_space<vmem_shared>>
    tpu.enqueue_dma source(%arg12 : memref<16x128xf32, #tpu.memory_space<vmem>>) target(%dma_start3A_286 : memref<16x128xf32, #tpu.memory_space<vmem_shared>>) target_semaphore(%arg18 : memref<!tpu.dma_semaphore, #tpu.memory_space<semaphore_mem>>)
    %add3A_287 = arith.constant 464 : i32
    %add3A_288 = arith.addi %mul3A_17, %add3A_287 : i32
    %dma_start3A_289 = arith.constant 0 : i32
    %dma_start3A_290 = tpu.memref_slice %arg13[%add3A_288, %dma_start3A_289] : memref<10240x128xf32, #tpu.memory_space<vmem_shared>> -> memref<16x128xf32, #tpu.memory_space<vmem_shared>>
    %dma_start3A_291 = arith.constant 0 : i32
    %dma_start3A_292 = tpu.memref_slice %arg13[%add3A_288, %dma_start3A_291] : memref<10240x128xf32, #tpu.memory_space<vmem_shared>> -> memref<16x128xf32, #tpu.memory_space<vmem_shared>>
    tpu.enqueue_dma source(%arg12 : memref<16x128xf32, #tpu.memory_space<vmem>>) target(%dma_start3A_292 : memref<16x128xf32, #tpu.memory_space<vmem_shared>>) target_semaphore(%arg18 : memref<!tpu.dma_semaphore, #tpu.memory_space<semaphore_mem>>)
    %add3A_293 = arith.constant 480 : i32
    %add3A_294 = arith.addi %mul3A_17, %add3A_293 : i32
    %dma_start3A_295 = arith.constant 0 : i32
    %dma_start3A_296 = tpu.memref_slice %arg13[%add3A_294, %dma_start3A_295] : memref<10240x128xf32, #tpu.memory_space<vmem_shared>> -> memref<16x128xf32, #tpu.memory_space<vmem_shared>>
    %dma_start3A_297 = arith.constant 0 : i32
    %dma_start3A_298 = tpu.memref_slice %arg13[%add3A_294, %dma_start3A_297] : memref<10240x128xf32, #tpu.memory_space<vmem_shared>> -> memref<16x128xf32, #tpu.memory_space<vmem_shared>>
    tpu.enqueue_dma source(%arg12 : memref<16x128xf32, #tpu.memory_space<vmem>>) target(%dma_start3A_298 : memref<16x128xf32, #tpu.memory_space<vmem_shared>>) target_semaphore(%arg18 : memref<!tpu.dma_semaphore, #tpu.memory_space<semaphore_mem>>)
    %add3A_299 = arith.constant 496 : i32
    %add3A_300 = arith.addi %mul3A_17, %add3A_299 : i32
    %dma_start3A_301 = arith.constant 0 : i32
    %dma_start3A_302 = tpu.memref_slice %arg13[%add3A_300, %dma_start3A_301] : memref<10240x128xf32, #tpu.memory_space<vmem_shared>> -> memref<16x128xf32, #tpu.memory_space<vmem_shared>>
    %dma_start3A_303 = arith.constant 0 : i32
    %dma_start3A_304 = tpu.memref_slice %arg13[%add3A_300, %dma_start3A_303] : memref<10240x128xf32, #tpu.memory_space<vmem_shared>> -> memref<16x128xf32, #tpu.memory_space<vmem_shared>>
    tpu.enqueue_dma source(%arg12 : memref<16x128xf32, #tpu.memory_space<vmem>>) target(%dma_start3A_304 : memref<16x128xf32, #tpu.memory_space<vmem_shared>>) target_semaphore(%arg18 : memref<!tpu.dma_semaphore, #tpu.memory_space<semaphore_mem>>)
    %dma_wait3A_305 = arith.constant 0 : i32
    %dma_wait3A_306 = tpu.memref_slice %arg13[%add3A_258, %dma_wait3A_305] : memref<10240x128xf32, #tpu.memory_space<vmem_shared>> -> memref<16x128xf32, #tpu.memory_space<vmem_shared>>
    %dma_wait3A_307 = arith.constant 0 : i32
    %dma_wait3A_308 = tpu.memref_slice %arg13[%add3A_258, %dma_wait3A_307] : memref<10240x128xf32, #tpu.memory_space<vmem_shared>> -> memref<16x128xf32, #tpu.memory_space<vmem_shared>>
    tpu.wait_dma2 semaphore(%arg18 : memref<!tpu.dma_semaphore, #tpu.memory_space<semaphore_mem>>) src(%arg12 : memref<16x128xf32, #tpu.memory_space<vmem>>) dst(%dma_wait3A_308 : memref<16x128xf32, #tpu.memory_space<vmem_shared>>)
    %dma_wait3A_309 = arith.constant 0 : i32
    %dma_wait3A_310 = tpu.memref_slice %arg13[%add3A_264, %dma_wait3A_309] : memref<10240x128xf32, #tpu.memory_space<vmem_shared>> -> memref<16x128xf32, #tpu.memory_space<vmem_shared>>
    %dma_wait3A_311 = arith.constant 0 : i32
    %dma_wait3A_312 = tpu.memref_slice %arg13[%add3A_264, %dma_wait3A_311] : memref<10240x128xf32, #tpu.memory_space<vmem_shared>> -> memref<16x128xf32, #tpu.memory_space<vmem_shared>>
    tpu.wait_dma2 semaphore(%arg18 : memref<!tpu.dma_semaphore, #tpu.memory_space<semaphore_mem>>) src(%arg12 : memref<16x128xf32, #tpu.memory_space<vmem>>) dst(%dma_wait3A_312 : memref<16x128xf32, #tpu.memory_space<vmem_shared>>)
    %dma_wait3A_313 = arith.constant 0 : i32
    %dma_wait3A_314 = tpu.memref_slice %arg13[%add3A_270, %dma_wait3A_313] : memref<10240x128xf32, #tpu.memory_space<vmem_shared>> -> memref<16x128xf32, #tpu.memory_space<vmem_shared>>
    %dma_wait3A_315 = arith.constant 0 : i32
    %dma_wait3A_316 = tpu.memref_slice %arg13[%add3A_270, %dma_wait3A_315] : memref<10240x128xf32, #tpu.memory_space<vmem_shared>> -> memref<16x128xf32, #tpu.memory_space<vmem_shared>>
    tpu.wait_dma2 semaphore(%arg18 : memref<!tpu.dma_semaphore, #tpu.memory_space<semaphore_mem>>) src(%arg12 : memref<16x128xf32, #tpu.memory_space<vmem>>) dst(%dma_wait3A_316 : memref<16x128xf32, #tpu.memory_space<vmem_shared>>)
    %dma_wait3A_317 = arith.constant 0 : i32
    %dma_wait3A_318 = tpu.memref_slice %arg13[%add3A_276, %dma_wait3A_317] : memref<10240x128xf32, #tpu.memory_space<vmem_shared>> -> memref<16x128xf32, #tpu.memory_space<vmem_shared>>
    %dma_wait3A_319 = arith.constant 0 : i32
    %dma_wait3A_320 = tpu.memref_slice %arg13[%add3A_276, %dma_wait3A_319] : memref<10240x128xf32, #tpu.memory_space<vmem_shared>> -> memref<16x128xf32, #tpu.memory_space<vmem_shared>>
    tpu.wait_dma2 semaphore(%arg18 : memref<!tpu.dma_semaphore, #tpu.memory_space<semaphore_mem>>) src(%arg12 : memref<16x128xf32, #tpu.memory_space<vmem>>) dst(%dma_wait3A_320 : memref<16x128xf32, #tpu.memory_space<vmem_shared>>)
    %dma_wait3A_321 = arith.constant 0 : i32
    %dma_wait3A_322 = tpu.memref_slice %arg13[%add3A_282, %dma_wait3A_321] : memref<10240x128xf32, #tpu.memory_space<vmem_shared>> -> memref<16x128xf32, #tpu.memory_space<vmem_shared>>
    %dma_wait3A_323 = arith.constant 0 : i32
    %dma_wait3A_324 = tpu.memref_slice %arg13[%add3A_282, %dma_wait3A_323] : memref<10240x128xf32, #tpu.memory_space<vmem_shared>> -> memref<16x128xf32, #tpu.memory_space<vmem_shared>>
    tpu.wait_dma2 semaphore(%arg18 : memref<!tpu.dma_semaphore, #tpu.memory_space<semaphore_mem>>) src(%arg12 : memref<16x128xf32, #tpu.memory_space<vmem>>) dst(%dma_wait3A_324 : memref<16x128xf32, #tpu.memory_space<vmem_shared>>)
    %dma_wait3A_325 = arith.constant 0 : i32
    %dma_wait3A_326 = tpu.memref_slice %arg13[%add3A_288, %dma_wait3A_325] : memref<10240x128xf32, #tpu.memory_space<vmem_shared>> -> memref<16x128xf32, #tpu.memory_space<vmem_shared>>
    %dma_wait3A_327 = arith.constant 0 : i32
    %dma_wait3A_328 = tpu.memref_slice %arg13[%add3A_288, %dma_wait3A_327] : memref<10240x128xf32, #tpu.memory_space<vmem_shared>> -> memref<16x128xf32, #tpu.memory_space<vmem_shared>>
    tpu.wait_dma2 semaphore(%arg18 : memref<!tpu.dma_semaphore, #tpu.memory_space<semaphore_mem>>) src(%arg12 : memref<16x128xf32, #tpu.memory_space<vmem>>) dst(%dma_wait3A_328 : memref<16x128xf32, #tpu.memory_space<vmem_shared>>)
    %dma_wait3A_329 = arith.constant 0 : i32
    %dma_wait3A_330 = tpu.memref_slice %arg13[%add3A_294, %dma_wait3A_329] : memref<10240x128xf32, #tpu.memory_space<vmem_shared>> -> memref<16x128xf32, #tpu.memory_space<vmem_shared>>
    %dma_wait3A_331 = arith.constant 0 : i32
    %dma_wait3A_332 = tpu.memref_slice %arg13[%add3A_294, %dma_wait3A_331] : memref<10240x128xf32, #tpu.memory_space<vmem_shared>> -> memref<16x128xf32, #tpu.memory_space<vmem_shared>>
    tpu.wait_dma2 semaphore(%arg18 : memref<!tpu.dma_semaphore, #tpu.memory_space<semaphore_mem>>) src(%arg12 : memref<16x128xf32, #tpu.memory_space<vmem>>) dst(%dma_wait3A_332 : memref<16x128xf32, #tpu.memory_space<vmem_shared>>)
    %dma_wait3A_333 = arith.constant 0 : i32
    %dma_wait3A_334 = tpu.memref_slice %arg13[%add3A_300, %dma_wait3A_333] : memref<10240x128xf32, #tpu.memory_space<vmem_shared>> -> memref<16x128xf32, #tpu.memory_space<vmem_shared>>
    %dma_wait3A_335 = arith.constant 0 : i32
    %dma_wait3A_336 = tpu.memref_slice %arg13[%add3A_300, %dma_wait3A_335] : memref<10240x128xf32, #tpu.memory_space<vmem_shared>> -> memref<16x128xf32, #tpu.memory_space<vmem_shared>>
    tpu.wait_dma2 semaphore(%arg18 : memref<!tpu.dma_semaphore, #tpu.memory_space<semaphore_mem>>) src(%arg12 : memref<16x128xf32, #tpu.memory_space<vmem>>) dst(%dma_wait3A_336 : memref<16x128xf32, #tpu.memory_space<vmem_shared>>)
    %add3A_337 = arith.constant 512 : i32
    %add3A_338 = arith.addi %mul3A_17, %add3A_337 : i32
    %dma_start3A_339 = arith.constant 0 : i32
    %dma_start3A_340 = tpu.memref_slice %arg13[%add3A_338, %dma_start3A_339] : memref<10240x128xf32, #tpu.memory_space<vmem_shared>> -> memref<16x128xf32, #tpu.memory_space<vmem_shared>>
    %dma_start3A_341 = arith.constant 0 : i32
    %dma_start3A_342 = tpu.memref_slice %arg13[%add3A_338, %dma_start3A_341] : memref<10240x128xf32, #tpu.memory_space<vmem_shared>> -> memref<16x128xf32, #tpu.memory_space<vmem_shared>>
    tpu.enqueue_dma source(%arg12 : memref<16x128xf32, #tpu.memory_space<vmem>>) target(%dma_start3A_342 : memref<16x128xf32, #tpu.memory_space<vmem_shared>>) target_semaphore(%arg18 : memref<!tpu.dma_semaphore, #tpu.memory_space<semaphore_mem>>)
    %add3A_343 = arith.constant 528 : i32
    %add3A_344 = arith.addi %mul3A_17, %add3A_343 : i32
    %dma_start3A_345 = arith.constant 0 : i32
    %dma_start3A_346 = tpu.memref_slice %arg13[%add3A_344, %dma_start3A_345] : memref<10240x128xf32, #tpu.memory_space<vmem_shared>> -> memref<16x128xf32, #tpu.memory_space<vmem_shared>>
    %dma_start3A_347 = arith.constant 0 : i32
    %dma_start3A_348 = tpu.memref_slice %arg13[%add3A_344, %dma_start3A_347] : memref<10240x128xf32, #tpu.memory_space<vmem_shared>> -> memref<16x128xf32, #tpu.memory_space<vmem_shared>>
    tpu.enqueue_dma source(%arg12 : memref<16x128xf32, #tpu.memory_space<vmem>>) target(%dma_start3A_348 : memref<16x128xf32, #tpu.memory_space<vmem_shared>>) target_semaphore(%arg18 : memref<!tpu.dma_semaphore, #tpu.memory_space<semaphore_mem>>)
    %add3A_349 = arith.constant 544 : i32
    %add3A_350 = arith.addi %mul3A_17, %add3A_349 : i32
    %dma_start3A_351 = arith.constant 0 : i32
    %dma_start3A_352 = tpu.memref_slice %arg13[%add3A_350, %dma_start3A_351] : memref<10240x128xf32, #tpu.memory_space<vmem_shared>> -> memref<16x128xf32, #tpu.memory_space<vmem_shared>>
    %dma_start3A_353 = arith.constant 0 : i32
    %dma_start3A_354 = tpu.memref_slice %arg13[%add3A_350, %dma_start3A_353] : memref<10240x128xf32, #tpu.memory_space<vmem_shared>> -> memref<16x128xf32, #tpu.memory_space<vmem_shared>>
    tpu.enqueue_dma source(%arg12 : memref<16x128xf32, #tpu.memory_space<vmem>>) target(%dma_start3A_354 : memref<16x128xf32, #tpu.memory_space<vmem_shared>>) target_semaphore(%arg18 : memref<!tpu.dma_semaphore, #tpu.memory_space<semaphore_mem>>)
    %add3A_355 = arith.constant 560 : i32
    %add3A_356 = arith.addi %mul3A_17, %add3A_355 : i32
    %dma_start3A_357 = arith.constant 0 : i32
    %dma_start3A_358 = tpu.memref_slice %arg13[%add3A_356, %dma_start3A_357] : memref<10240x128xf32, #tpu.memory_space<vmem_shared>> -> memref<16x128xf32, #tpu.memory_space<vmem_shared>>
    %dma_start3A_359 = arith.constant 0 : i32
    %dma_start3A_360 = tpu.memref_slice %arg13[%add3A_356, %dma_start3A_359] : memref<10240x128xf32, #tpu.memory_space<vmem_shared>> -> memref<16x128xf32, #tpu.memory_space<vmem_shared>>
    tpu.enqueue_dma source(%arg12 : memref<16x128xf32, #tpu.memory_space<vmem>>) target(%dma_start3A_360 : memref<16x128xf32, #tpu.memory_space<vmem_shared>>) target_semaphore(%arg18 : memref<!tpu.dma_semaphore, #tpu.memory_space<semaphore_mem>>)
    %add3A_361 = arith.constant 576 : i32
    %add3A_362 = arith.addi %mul3A_17, %add3A_361 : i32
    %dma_start3A_363 = arith.constant 0 : i32
    %dma_start3A_364 = tpu.memref_slice %arg13[%add3A_362, %dma_start3A_363] : memref<10240x128xf32, #tpu.memory_space<vmem_shared>> -> memref<16x128xf32, #tpu.memory_space<vmem_shared>>
    %dma_start3A_365 = arith.constant 0 : i32
    %dma_start3A_366 = tpu.memref_slice %arg13[%add3A_362, %dma_start3A_365] : memref<10240x128xf32, #tpu.memory_space<vmem_shared>> -> memref<16x128xf32, #tpu.memory_space<vmem_shared>>
    tpu.enqueue_dma source(%arg12 : memref<16x128xf32, #tpu.memory_space<vmem>>) target(%dma_start3A_366 : memref<16x128xf32, #tpu.memory_space<vmem_shared>>) target_semaphore(%arg18 : memref<!tpu.dma_semaphore, #tpu.memory_space<semaphore_mem>>)
    %add3A_367 = arith.constant 592 : i32
    %add3A_368 = arith.addi %mul3A_17, %add3A_367 : i32
    %dma_start3A_369 = arith.constant 0 : i32
    %dma_start3A_370 = tpu.memref_slice %arg13[%add3A_368, %dma_start3A_369] : memref<10240x128xf32, #tpu.memory_space<vmem_shared>> -> memref<16x128xf32, #tpu.memory_space<vmem_shared>>
    %dma_start3A_371 = arith.constant 0 : i32
    %dma_start3A_372 = tpu.memref_slice %arg13[%add3A_368, %dma_start3A_371] : memref<10240x128xf32, #tpu.memory_space<vmem_shared>> -> memref<16x128xf32, #tpu.memory_space<vmem_shared>>
    tpu.enqueue_dma source(%arg12 : memref<16x128xf32, #tpu.memory_space<vmem>>) target(%dma_start3A_372 : memref<16x128xf32, #tpu.memory_space<vmem_shared>>) target_semaphore(%arg18 : memref<!tpu.dma_semaphore, #tpu.memory_space<semaphore_mem>>)
    %add3A_373 = arith.constant 608 : i32
    %add3A_374 = arith.addi %mul3A_17, %add3A_373 : i32
    %dma_start3A_375 = arith.constant 0 : i32
    %dma_start3A_376 = tpu.memref_slice %arg13[%add3A_374, %dma_start3A_375] : memref<10240x128xf32, #tpu.memory_space<vmem_shared>> -> memref<16x128xf32, #tpu.memory_space<vmem_shared>>
    %dma_start3A_377 = arith.constant 0 : i32
    %dma_start3A_378 = tpu.memref_slice %arg13[%add3A_374, %dma_start3A_377] : memref<10240x128xf32, #tpu.memory_space<vmem_shared>> -> memref<16x128xf32, #tpu.memory_space<vmem_shared>>
    tpu.enqueue_dma source(%arg12 : memref<16x128xf32, #tpu.memory_space<vmem>>) target(%dma_start3A_378 : memref<16x128xf32, #tpu.memory_space<vmem_shared>>) target_semaphore(%arg18 : memref<!tpu.dma_semaphore, #tpu.memory_space<semaphore_mem>>)
    %add3A_379 = arith.constant 624 : i32
    %add3A_380 = arith.addi %mul3A_17, %add3A_379 : i32
    %dma_start3A_381 = arith.constant 0 : i32
    %dma_start3A_382 = tpu.memref_slice %arg13[%add3A_380, %dma_start3A_381] : memref<10240x128xf32, #tpu.memory_space<vmem_shared>> -> memref<16x128xf32, #tpu.memory_space<vmem_shared>>
    %dma_start3A_383 = arith.constant 0 : i32
    %dma_start3A_384 = tpu.memref_slice %arg13[%add3A_380, %dma_start3A_383] : memref<10240x128xf32, #tpu.memory_space<vmem_shared>> -> memref<16x128xf32, #tpu.memory_space<vmem_shared>>
    tpu.enqueue_dma source(%arg12 : memref<16x128xf32, #tpu.memory_space<vmem>>) target(%dma_start3A_384 : memref<16x128xf32, #tpu.memory_space<vmem_shared>>) target_semaphore(%arg18 : memref<!tpu.dma_semaphore, #tpu.memory_space<semaphore_mem>>)
    %dma_wait3A_385 = arith.constant 0 : i32
    %dma_wait3A_386 = tpu.memref_slice %arg13[%add3A_338, %dma_wait3A_385] : memref<10240x128xf32, #tpu.memory_space<vmem_shared>> -> memref<16x128xf32, #tpu.memory_space<vmem_shared>>
    %dma_wait3A_387 = arith.constant 0 : i32
    %dma_wait3A_388 = tpu.memref_slice %arg13[%add3A_338, %dma_wait3A_387] : memref<10240x128xf32, #tpu.memory_space<vmem_shared>> -> memref<16x128xf32, #tpu.memory_space<vmem_shared>>
    tpu.wait_dma2 semaphore(%arg18 : memref<!tpu.dma_semaphore, #tpu.memory_space<semaphore_mem>>) src(%arg12 : memref<16x128xf32, #tpu.memory_space<vmem>>) dst(%dma_wait3A_388 : memref<16x128xf32, #tpu.memory_space<vmem_shared>>)
    %dma_wait3A_389 = arith.constant 0 : i32
    %dma_wait3A_390 = tpu.memref_slice %arg13[%add3A_344, %dma_wait3A_389] : memref<10240x128xf32, #tpu.memory_space<vmem_shared>> -> memref<16x128xf32, #tpu.memory_space<vmem_shared>>
    %dma_wait3A_391 = arith.constant 0 : i32
    %dma_wait3A_392 = tpu.memref_slice %arg13[%add3A_344, %dma_wait3A_391] : memref<10240x128xf32, #tpu.memory_space<vmem_shared>> -> memref<16x128xf32, #tpu.memory_space<vmem_shared>>
    tpu.wait_dma2 semaphore(%arg18 : memref<!tpu.dma_semaphore, #tpu.memory_space<semaphore_mem>>) src(%arg12 : memref<16x128xf32, #tpu.memory_space<vmem>>) dst(%dma_wait3A_392 : memref<16x128xf32, #tpu.memory_space<vmem_shared>>)
    %dma_wait3A_393 = arith.constant 0 : i32
    %dma_wait3A_394 = tpu.memref_slice %arg13[%add3A_350, %dma_wait3A_393] : memref<10240x128xf32, #tpu.memory_space<vmem_shared>> -> memref<16x128xf32, #tpu.memory_space<vmem_shared>>
    %dma_wait3A_395 = arith.constant 0 : i32
    %dma_wait3A_396 = tpu.memref_slice %arg13[%add3A_350, %dma_wait3A_395] : memref<10240x128xf32, #tpu.memory_space<vmem_shared>> -> memref<16x128xf32, #tpu.memory_space<vmem_shared>>
    tpu.wait_dma2 semaphore(%arg18 : memref<!tpu.dma_semaphore, #tpu.memory_space<semaphore_mem>>) src(%arg12 : memref<16x128xf32, #tpu.memory_space<vmem>>) dst(%dma_wait3A_396 : memref<16x128xf32, #tpu.memory_space<vmem_shared>>)
    %dma_wait3A_397 = arith.constant 0 : i32
    %dma_wait3A_398 = tpu.memref_slice %arg13[%add3A_356, %dma_wait3A_397] : memref<10240x128xf32, #tpu.memory_space<vmem_shared>> -> memref<16x128xf32, #tpu.memory_space<vmem_shared>>
    %dma_wait3A_399 = arith.constant 0 : i32
    %dma_wait3A_400 = tpu.memref_slice %arg13[%add3A_356, %dma_wait3A_399] : memref<10240x128xf32, #tpu.memory_space<vmem_shared>> -> memref<16x128xf32, #tpu.memory_space<vmem_shared>>
    tpu.wait_dma2 semaphore(%arg18 : memref<!tpu.dma_semaphore, #tpu.memory_space<semaphore_mem>>) src(%arg12 : memref<16x128xf32, #tpu.memory_space<vmem>>) dst(%dma_wait3A_400 : memref<16x128xf32, #tpu.memory_space<vmem_shared>>)
    %dma_wait3A_401 = arith.constant 0 : i32
    %dma_wait3A_402 = tpu.memref_slice %arg13[%add3A_362, %dma_wait3A_401] : memref<10240x128xf32, #tpu.memory_space<vmem_shared>> -> memref<16x128xf32, #tpu.memory_space<vmem_shared>>
    %dma_wait3A_403 = arith.constant 0 : i32
    %dma_wait3A_404 = tpu.memref_slice %arg13[%add3A_362, %dma_wait3A_403] : memref<10240x128xf32, #tpu.memory_space<vmem_shared>> -> memref<16x128xf32, #tpu.memory_space<vmem_shared>>
    tpu.wait_dma2 semaphore(%arg18 : memref<!tpu.dma_semaphore, #tpu.memory_space<semaphore_mem>>) src(%arg12 : memref<16x128xf32, #tpu.memory_space<vmem>>) dst(%dma_wait3A_404 : memref<16x128xf32, #tpu.memory_space<vmem_shared>>)
    %dma_wait3A_405 = arith.constant 0 : i32
    %dma_wait3A_406 = tpu.memref_slice %arg13[%add3A_368, %dma_wait3A_405] : memref<10240x128xf32, #tpu.memory_space<vmem_shared>> -> memref<16x128xf32, #tpu.memory_space<vmem_shared>>
    %dma_wait3A_407 = arith.constant 0 : i32
    %dma_wait3A_408 = tpu.memref_slice %arg13[%add3A_368, %dma_wait3A_407] : memref<10240x128xf32, #tpu.memory_space<vmem_shared>> -> memref<16x128xf32, #tpu.memory_space<vmem_shared>>
    tpu.wait_dma2 semaphore(%arg18 : memref<!tpu.dma_semaphore, #tpu.memory_space<semaphore_mem>>) src(%arg12 : memref<16x128xf32, #tpu.memory_space<vmem>>) dst(%dma_wait3A_408 : memref<16x128xf32, #tpu.memory_space<vmem_shared>>)
    %dma_wait3A_409 = arith.constant 0 : i32
    %dma_wait3A_410 = tpu.memref_slice %arg13[%add3A_374, %dma_wait3A_409] : memref<10240x128xf32, #tpu.memory_space<vmem_shared>> -> memref<16x128xf32, #tpu.memory_space<vmem_shared>>
    %dma_wait3A_411 = arith.constant 0 : i32
    %dma_wait3A_412 = tpu.memref_slice %arg13[%add3A_374, %dma_wait3A_411] : memref<10240x128xf32, #tpu.memory_space<vmem_shared>> -> memref<16x128xf32, #tpu.memory_space<vmem_shared>>
    tpu.wait_dma2 semaphore(%arg18 : memref<!tpu.dma_semaphore, #tpu.memory_space<semaphore_mem>>) src(%arg12 : memref<16x128xf32, #tpu.memory_space<vmem>>) dst(%dma_wait3A_412 : memref<16x128xf32, #tpu.memory_space<vmem_shared>>)
    %dma_wait3A_413 = arith.constant 0 : i32
    %dma_wait3A_414 = tpu.memref_slice %arg13[%add3A_380, %dma_wait3A_413] : memref<10240x128xf32, #tpu.memory_space<vmem_shared>> -> memref<16x128xf32, #tpu.memory_space<vmem_shared>>
    %dma_wait3A_415 = arith.constant 0 : i32
    %dma_wait3A_416 = tpu.memref_slice %arg13[%add3A_380, %dma_wait3A_415] : memref<10240x128xf32, #tpu.memory_space<vmem_shared>> -> memref<16x128xf32, #tpu.memory_space<vmem_shared>>
    tpu.wait_dma2 semaphore(%arg18 : memref<!tpu.dma_semaphore, #tpu.memory_space<semaphore_mem>>) src(%arg12 : memref<16x128xf32, #tpu.memory_space<vmem>>) dst(%dma_wait3A_416 : memref<16x128xf32, #tpu.memory_space<vmem_shared>>)
    %dma_wait3A_417 = arith.constant 0 : i32
    %dma_wait3A_418 = arith.constant 0 : i32
    %dma_wait3A_419 = tpu.memref_slice %arg3[%add3A, %dma_wait3A_417, %dma_wait3A_418] : memref<32x81x64xi32, #tpu.memory_space<hbm>> -> memref<1x81x64xi32, #tpu.memory_space<hbm>>
    %dma_wait3A_420 = tpu.memref_squeeze %dma_wait3A_419 : memref<1x81x64xi32, #tpu.memory_space<hbm>> -> memref<81x64xi32, #tpu.memory_space<hbm>>
    %dma_wait3A_421 = arith.constant 0 : i32
    %dma_wait3A_422 = arith.constant 0 : i32
    %dma_wait3A_423 = tpu.memref_slice %arg3[%add3A, %dma_wait3A_421, %dma_wait3A_422] : memref<32x81x64xi32, #tpu.memory_space<hbm>> -> memref<1x81x64xi32, #tpu.memory_space<hbm>>
    %dma_wait3A_424 = tpu.memref_squeeze %dma_wait3A_423 : memref<1x81x64xi32, #tpu.memory_space<hbm>> -> memref<81x64xi32, #tpu.memory_space<hbm>>
    tpu.wait_dma2 semaphore(%arg14 : memref<!tpu.dma_semaphore, #tpu.memory_space<semaphore_mem>>) src(%dma_wait3A_424 : memref<81x64xi32, #tpu.memory_space<hbm>>) dst(%arg7 : memref<81x64xi32, #tpu.memory_space<vmem>>)
    %dma_wait3A_425 = arith.constant 0 : i32
    %dma_wait3A_426 = arith.constant 0 : i32
    %dma_wait3A_427 = tpu.memref_slice %arg4[%add3A, %dma_wait3A_425, %dma_wait3A_426] : memref<32x81x64xi32, #tpu.memory_space<hbm>> -> memref<1x81x64xi32, #tpu.memory_space<hbm>>
    %dma_wait3A_428 = tpu.memref_squeeze %dma_wait3A_427 : memref<1x81x64xi32, #tpu.memory_space<hbm>> -> memref<81x64xi32, #tpu.memory_space<hbm>>
    %dma_wait3A_429 = arith.constant 0 : i32
    %dma_wait3A_430 = arith.constant 0 : i32
    %dma_wait3A_431 = tpu.memref_slice %arg4[%add3A, %dma_wait3A_429, %dma_wait3A_430] : memref<32x81x64xi32, #tpu.memory_space<hbm>> -> memref<1x81x64xi32, #tpu.memory_space<hbm>>
    %dma_wait3A_432 = tpu.memref_squeeze %dma_wait3A_431 : memref<1x81x64xi32, #tpu.memory_space<hbm>> -> memref<81x64xi32, #tpu.memory_space<hbm>>
    tpu.wait_dma2 semaphore(%arg15 : memref<!tpu.dma_semaphore, #tpu.memory_space<semaphore_mem>>) src(%dma_wait3A_432 : memref<81x64xi32, #tpu.memory_space<hbm>>) dst(%arg8 : memref<81x64xi32, #tpu.memory_space<vmem>>)
    %barrier3A = arith.constant 0 : index
    tpu.barrier barrier_id(%barrier3A)
    %dma_start3A_433 = arith.constant 0 : i32
    %dma_start3A_434 = arith.constant 0 : i32
    %dma_start3A_435 = tpu.memref_slice %arg7[%dma_start3A_433, %dma_start3A_434] : memref<81x64xi32, #tpu.memory_space<vmem>> -> memref<1x64xi32, #tpu.memory_space<vmem>>
    %dma_start3A_436 = tpu.memref_squeeze %dma_start3A_435 : memref<1x64xi32, #tpu.memory_space<vmem>> -> memref<64xi32, #tpu.memory_space<vmem>>
    %dma_start3A_437 = arith.constant 0 : i32
    %dma_start3A_438 = arith.constant 0 : i32
    %dma_start3A_439 = tpu.memref_slice %arg2[%dma_start3A_437, %dma_start3A_438] : memref<10000x128xf32, #tpu.memory_space<hbm>> -> memref<10000x128xf32, #tpu.memory_space<hbm>>
    tpu.enqueue_indirect_dma source(%dma_start3A_439 : memref<10000x128xf32, #tpu.memory_space<hbm>>) target(%arg9 : memref<64x128xf32, #tpu.memory_space<vmem>>) offsets(%dma_start3A_436 : memref<64xi32, #tpu.memory_space<vmem>>) semaphore(%arg14 : memref<!tpu.dma_semaphore, #tpu.memory_space<semaphore_mem>>)
    %dma_start3A_440 = arith.constant 1 : i32
    %dma_start3A_441 = arith.constant 0 : i32
    %dma_start3A_442 = tpu.memref_slice %arg7[%dma_start3A_440, %dma_start3A_441] : memref<81x64xi32, #tpu.memory_space<vmem>> -> memref<1x64xi32, #tpu.memory_space<vmem>>
    %dma_start3A_443 = tpu.memref_squeeze %dma_start3A_442 : memref<1x64xi32, #tpu.memory_space<vmem>> -> memref<64xi32, #tpu.memory_space<vmem>>
    %dma_start3A_444 = arith.constant 0 : i32
    %dma_start3A_445 = arith.constant 0 : i32
    %dma_start3A_446 = tpu.memref_slice %arg2[%dma_start3A_444, %dma_start3A_445] : memref<10000x128xf32, #tpu.memory_space<hbm>> -> memref<10000x128xf32, #tpu.memory_space<hbm>>
    tpu.enqueue_indirect_dma source(%dma_start3A_446 : memref<10000x128xf32, #tpu.memory_space<hbm>>) target(%arg10 : memref<64x128xf32, #tpu.memory_space<vmem>>) offsets(%dma_start3A_443 : memref<64xi32, #tpu.memory_space<vmem>>) semaphore(%arg15 : memref<!tpu.dma_semaphore, #tpu.memory_space<semaphore_mem>>)
    %scan3A = arith.constant 0 : i32
    %scan3A_447 = arith.constant 0 : i32
    %scan3A_448 = arith.constant 27 : i32
    %scan3A_449 = arith.addi %scan3A_447, %scan3A_448 : i32
    %scan3A_450 = arith.constant 1 : i32
    scf.for %scan3A_480 = %scan3A_447 to %scan3A_449 step %scan3A_450  : i32 {
      %mul3A_481 = arith.constant 3 : i32
      %mul3A_482 = arith.muli %scan3A_480, %mul3A_481 : i32
      %add3A_483 = arith.constant 0 : i32
      %add3A_484 = arith.addi %mul3A_482, %add3A_483 : i32
      %add3A_485 = arith.constant 3 : i32
      %add3A_486 = arith.addi %add3A_484, %add3A_485 : i32
      %sub3A = arith.constant 1 : i32
      %sub3A_487 = arith.subi %add3A_486, %sub3A : i32
      %lt3A_488 = arith.constant 81 : i32
      %lt3A_489 = arith.cmpi slt, %sub3A_487, %lt3A_488 : i32
      %ge3A = arith.constant 1 : i32
      %ge3A_490 = arith.cmpi sge, %add3A_484, %ge3A : i32
      %and3A = arith.andi %lt3A_489, %ge3A_490 : i1
      %convert_element_type3A_491 = arith.extui %and3A : i1 to i32
      %cond3A_492 = arith.constant 0 : i32
      %cond3A_493 = arith.cmpi ne, %convert_element_type3A_491, %cond3A_492 : i32
      scf.if %cond3A_493 {
        %sub3A_582 = arith.constant 1 : i32
        %sub3A_583 = arith.subi %add3A_484, %sub3A_582 : i32
        %dma_wait3A_584 = arith.constant 0 : i32
        %dma_wait3A_585 = tpu.memref_slice %arg8[%sub3A_583, %dma_wait3A_584] : memref<81x64xi32, #tpu.memory_space<vmem>> -> memref<1x64xi32, #tpu.memory_space<vmem>>
        %dma_wait3A_586 = tpu.memref_squeeze %dma_wait3A_585 : memref<1x64xi32, #tpu.memory_space<vmem>> -> memref<64xi32, #tpu.memory_space<vmem>>
        %dma_wait3A_587 = arith.constant 0 : i32
        %dma_wait3A_588 = arith.constant 0 : i32
        %dma_wait3A_589 = tpu.memref_slice %arg13[%dma_wait3A_587, %dma_wait3A_588] : memref<10240x128xf32, #tpu.memory_space<vmem_shared>> -> memref<10240x128xf32, #tpu.memory_space<vmem_shared>>
        tpu.wait_indirect_dma semaphore(%arg19 : memref<!tpu.dma_semaphore, #tpu.memory_space<semaphore_mem>>) src(%arg11 : memref<64x128xf32, #tpu.memory_space<vmem>>) dst(%dma_wait3A_589 : memref<10240x128xf32, #tpu.memory_space<vmem_shared>>)
        %dma_start3A_590 = arith.constant 0 : i32
        %dma_start3A_591 = tpu.memref_slice %arg7[%sub3A_487, %dma_start3A_590] : memref<81x64xi32, #tpu.memory_space<vmem>> -> memref<1x64xi32, #tpu.memory_space<vmem>>
        %dma_start3A_592 = tpu.memref_squeeze %dma_start3A_591 : memref<1x64xi32, #tpu.memory_space<vmem>> -> memref<64xi32, #tpu.memory_space<vmem>>
        %dma_start3A_593 = arith.constant 0 : i32
        %dma_start3A_594 = arith.constant 0 : i32
        %dma_start3A_595 = tpu.memref_slice %arg2[%dma_start3A_593, %dma_start3A_594] : memref<10000x128xf32, #tpu.memory_space<hbm>> -> memref<10000x128xf32, #tpu.memory_space<hbm>>
        tpu.enqueue_indirect_dma source(%dma_start3A_595 : memref<10000x128xf32, #tpu.memory_space<hbm>>) target(%arg11 : memref<64x128xf32, #tpu.memory_space<vmem>>) offsets(%dma_start3A_592 : memref<64xi32, #tpu.memory_space<vmem>>) semaphore(%arg16 : memref<!tpu.dma_semaphore, #tpu.memory_space<semaphore_mem>>)
      } else {
      }
      %lt3A_494 = arith.constant 81 : i32
      %lt3A_495 = arith.cmpi slt, %sub3A_487, %lt3A_494 : i32
      %lt3A_496 = arith.constant 1 : i32
      %lt3A_497 = arith.cmpi slt, %add3A_484, %lt3A_496 : i32
      %and3A_498 = arith.andi %lt3A_495, %lt3A_497 : i1
      %convert_element_type3A_499 = arith.extui %and3A_498 : i1 to i32
      %cond3A_500 = arith.constant 0 : i32
      %cond3A_501 = arith.cmpi ne, %convert_element_type3A_499, %cond3A_500 : i32
      scf.if %cond3A_501 {
        %dma_start3A_582 = arith.constant 0 : i32
        %dma_start3A_583 = tpu.memref_slice %arg7[%sub3A_487, %dma_start3A_582] : memref<81x64xi32, #tpu.memory_space<vmem>> -> memref<1x64xi32, #tpu.memory_space<vmem>>
        %dma_start3A_584 = tpu.memref_squeeze %dma_start3A_583 : memref<1x64xi32, #tpu.memory_space<vmem>> -> memref<64xi32, #tpu.memory_space<vmem>>
        %dma_start3A_585 = arith.constant 0 : i32
        %dma_start3A_586 = arith.constant 0 : i32
        %dma_start3A_587 = tpu.memref_slice %arg2[%dma_start3A_585, %dma_start3A_586] : memref<10000x128xf32, #tpu.memory_space<hbm>> -> memref<10000x128xf32, #tpu.memory_space<hbm>>
        tpu.enqueue_indirect_dma source(%dma_start3A_587 : memref<10000x128xf32, #tpu.memory_space<hbm>>) target(%arg11 : memref<64x128xf32, #tpu.memory_space<vmem>>) offsets(%dma_start3A_584 : memref<64xi32, #tpu.memory_space<vmem>>) semaphore(%arg16 : memref<!tpu.dma_semaphore, #tpu.memory_space<semaphore_mem>>)
      } else {
      }
      %dma_wait3A_502 = arith.constant 0 : i32
      %dma_wait3A_503 = tpu.memref_slice %arg7[%add3A_484, %dma_wait3A_502] : memref<81x64xi32, #tpu.memory_space<vmem>> -> memref<1x64xi32, #tpu.memory_space<vmem>>
      %dma_wait3A_504 = tpu.memref_squeeze %dma_wait3A_503 : memref<1x64xi32, #tpu.memory_space<vmem>> -> memref<64xi32, #tpu.memory_space<vmem>>
      %dma_wait3A_505 = arith.constant 0 : i32
      %dma_wait3A_506 = arith.constant 0 : i32
      %dma_wait3A_507 = tpu.memref_slice %arg2[%dma_wait3A_505, %dma_wait3A_506] : memref<10000x128xf32, #tpu.memory_space<hbm>> -> memref<10000x128xf32, #tpu.memory_space<hbm>>
      tpu.wait_indirect_dma semaphore(%arg14 : memref<!tpu.dma_semaphore, #tpu.memory_space<semaphore_mem>>) src(%dma_wait3A_507 : memref<10000x128xf32, #tpu.memory_space<hbm>>) dst(%arg9 : memref<64x128xf32, #tpu.memory_space<vmem>>)
      %dma_start3A_508 = arith.constant 0 : i32
      %dma_start3A_509 = tpu.memref_slice %arg8[%add3A_484, %dma_start3A_508] : memref<81x64xi32, #tpu.memory_space<vmem>> -> memref<1x64xi32, #tpu.memory_space<vmem>>
      %dma_start3A_510 = tpu.memref_squeeze %dma_start3A_509 : memref<1x64xi32, #tpu.memory_space<vmem>> -> memref<64xi32, #tpu.memory_space<vmem>>
      %dma_start3A_511 = arith.constant 0 : i32
      %dma_start3A_512 = arith.constant 0 : i32
      %dma_start3A_513 = tpu.memref_slice %arg13[%dma_start3A_511, %dma_start3A_512] : memref<10240x128xf32, #tpu.memory_space<vmem_shared>> -> memref<10240x128xf32, #tpu.memory_space<vmem_shared>>
      tpu.enqueue_indirect_dma source(%arg9 : memref<64x128xf32, #tpu.memory_space<vmem>>) target(%dma_start3A_513 : memref<10240x128xf32, #tpu.memory_space<vmem_shared>>) offsets(%dma_start3A_510 : memref<64xi32, #tpu.memory_space<vmem>>) semaphore(%arg17 : memref<!tpu.dma_semaphore, #tpu.memory_space<semaphore_mem>>) {add = true}
      %add3A_514 = arith.constant 1 : i32
      %add3A_515 = arith.addi %mul3A_482, %add3A_514 : i32
      %add3A_516 = arith.constant 3 : i32
      %add3A_517 = arith.addi %add3A_515, %add3A_516 : i32
      %sub3A_518 = arith.constant 1 : i32
      %sub3A_519 = arith.subi %add3A_517, %sub3A_518 : i32
      %lt3A_520 = arith.constant 81 : i32
      %lt3A_521 = arith.cmpi slt, %sub3A_519, %lt3A_520 : i32
      %ge3A_522 = arith.constant 1 : i32
      %ge3A_523 = arith.cmpi sge, %add3A_515, %ge3A_522 : i32
      %and3A_524 = arith.andi %lt3A_521, %ge3A_523 : i1
      %convert_element_type3A_525 = arith.extui %and3A_524 : i1 to i32
      %cond3A_526 = arith.constant 0 : i32
      %cond3A_527 = arith.cmpi ne, %convert_element_type3A_525, %cond3A_526 : i32
      scf.if %cond3A_527 {
        %sub3A_582 = arith.constant 1 : i32
        %sub3A_583 = arith.subi %add3A_515, %sub3A_582 : i32
        %dma_wait3A_584 = arith.constant 0 : i32
        %dma_wait3A_585 = tpu.memref_slice %arg8[%sub3A_583, %dma_wait3A_584] : memref<81x64xi32, #tpu.memory_space<vmem>> -> memref<1x64xi32, #tpu.memory_space<vmem>>
        %dma_wait3A_586 = tpu.memref_squeeze %dma_wait3A_585 : memref<1x64xi32, #tpu.memory_space<vmem>> -> memref<64xi32, #tpu.memory_space<vmem>>
        %dma_wait3A_587 = arith.constant 0 : i32
        %dma_wait3A_588 = arith.constant 0 : i32
        %dma_wait3A_589 = tpu.memref_slice %arg13[%dma_wait3A_587, %dma_wait3A_588] : memref<10240x128xf32, #tpu.memory_space<vmem_shared>> -> memref<10240x128xf32, #tpu.memory_space<vmem_shared>>
        tpu.wait_indirect_dma semaphore(%arg17 : memref<!tpu.dma_semaphore, #tpu.memory_space<semaphore_mem>>) src(%arg9 : memref<64x128xf32, #tpu.memory_space<vmem>>) dst(%dma_wait3A_589 : memref<10240x128xf32, #tpu.memory_space<vmem_shared>>)
        %dma_start3A_590 = arith.constant 0 : i32
        %dma_start3A_591 = tpu.memref_slice %arg7[%sub3A_519, %dma_start3A_590] : memref<81x64xi32, #tpu.memory_space<vmem>> -> memref<1x64xi32, #tpu.memory_space<vmem>>
        %dma_start3A_592 = tpu.memref_squeeze %dma_start3A_591 : memref<1x64xi32, #tpu.memory_space<vmem>> -> memref<64xi32, #tpu.memory_space<vmem>>
        %dma_start3A_593 = arith.constant 0 : i32
        %dma_start3A_594 = arith.constant 0 : i32
        %dma_start3A_595 = tpu.memref_slice %arg2[%dma_start3A_593, %dma_start3A_594] : memref<10000x128xf32, #tpu.memory_space<hbm>> -> memref<10000x128xf32, #tpu.memory_space<hbm>>
        tpu.enqueue_indirect_dma source(%dma_start3A_595 : memref<10000x128xf32, #tpu.memory_space<hbm>>) target(%arg9 : memref<64x128xf32, #tpu.memory_space<vmem>>) offsets(%dma_start3A_592 : memref<64xi32, #tpu.memory_space<vmem>>) semaphore(%arg14 : memref<!tpu.dma_semaphore, #tpu.memory_space<semaphore_mem>>)
      } else {
      }
      %lt3A_528 = arith.constant 81 : i32
      %lt3A_529 = arith.cmpi slt, %sub3A_519, %lt3A_528 : i32
      %lt3A_530 = arith.constant 1 : i32
      %lt3A_531 = arith.cmpi slt, %add3A_515, %lt3A_530 : i32
      %and3A_532 = arith.andi %lt3A_529, %lt3A_531 : i1
      %convert_element_type3A_533 = arith.extui %and3A_532 : i1 to i32
      %cond3A_534 = arith.constant 0 : i32
      %cond3A_535 = arith.cmpi ne, %convert_element_type3A_533, %cond3A_534 : i32
      scf.if %cond3A_535 {
        %dma_start3A_582 = arith.constant 0 : i32
        %dma_start3A_583 = tpu.memref_slice %arg7[%sub3A_519, %dma_start3A_582] : memref<81x64xi32, #tpu.memory_space<vmem>> -> memref<1x64xi32, #tpu.memory_space<vmem>>
        %dma_start3A_584 = tpu.memref_squeeze %dma_start3A_583 : memref<1x64xi32, #tpu.memory_space<vmem>> -> memref<64xi32, #tpu.memory_space<vmem>>
        %dma_start3A_585 = arith.constant 0 : i32
        %dma_start3A_586 = arith.constant 0 : i32
        %dma_start3A_587 = tpu.memref_slice %arg2[%dma_start3A_585, %dma_start3A_586] : memref<10000x128xf32, #tpu.memory_space<hbm>> -> memref<10000x128xf32, #tpu.memory_space<hbm>>
        tpu.enqueue_indirect_dma source(%dma_start3A_587 : memref<10000x128xf32, #tpu.memory_space<hbm>>) target(%arg9 : memref<64x128xf32, #tpu.memory_space<vmem>>) offsets(%dma_start3A_584 : memref<64xi32, #tpu.memory_space<vmem>>) semaphore(%arg14 : memref<!tpu.dma_semaphore, #tpu.memory_space<semaphore_mem>>)
      } else {
      }
      %dma_wait3A_536 = arith.constant 0 : i32
      %dma_wait3A_537 = tpu.memref_slice %arg7[%add3A_515, %dma_wait3A_536] : memref<81x64xi32, #tpu.memory_space<vmem>> -> memref<1x64xi32, #tpu.memory_space<vmem>>
      %dma_wait3A_538 = tpu.memref_squeeze %dma_wait3A_537 : memref<1x64xi32, #tpu.memory_space<vmem>> -> memref<64xi32, #tpu.memory_space<vmem>>
      %dma_wait3A_539 = arith.constant 0 : i32
      %dma_wait3A_540 = arith.constant 0 : i32
      %dma_wait3A_541 = tpu.memref_slice %arg2[%dma_wait3A_539, %dma_wait3A_540] : memref<10000x128xf32, #tpu.memory_space<hbm>> -> memref<10000x128xf32, #tpu.memory_space<hbm>>
      tpu.wait_indirect_dma semaphore(%arg15 : memref<!tpu.dma_semaphore, #tpu.memory_space<semaphore_mem>>) src(%dma_wait3A_541 : memref<10000x128xf32, #tpu.memory_space<hbm>>) dst(%arg10 : memref<64x128xf32, #tpu.memory_space<vmem>>)
      %dma_start3A_542 = arith.constant 0 : i32
      %dma_start3A_543 = tpu.memref_slice %arg8[%add3A_515, %dma_start3A_542] : memref<81x64xi32, #tpu.memory_space<vmem>> -> memref<1x64xi32, #tpu.memory_space<vmem>>
      %dma_start3A_544 = tpu.memref_squeeze %dma_start3A_543 : memref<1x64xi32, #tpu.memory_space<vmem>> -> memref<64xi32, #tpu.memory_space<vmem>>
      %dma_start3A_545 = arith.constant 0 : i32
      %dma_start3A_546 = arith.constant 0 : i32
      %dma_start3A_547 = tpu.memref_slice %arg13[%dma_start3A_545, %dma_start3A_546] : memref<10240x128xf32, #tpu.memory_space<vmem_shared>> -> memref<10240x128xf32, #tpu.memory_space<vmem_shared>>
      tpu.enqueue_indirect_dma source(%arg10 : memref<64x128xf32, #tpu.memory_space<vmem>>) target(%dma_start3A_547 : memref<10240x128xf32, #tpu.memory_space<vmem_shared>>) offsets(%dma_start3A_544 : memref<64xi32, #tpu.memory_space<vmem>>) semaphore(%arg18 : memref<!tpu.dma_semaphore, #tpu.memory_space<semaphore_mem>>) {add = true}
      %add3A_548 = arith.constant 2 : i32
      %add3A_549 = arith.addi %mul3A_482, %add3A_548 : i32
      %add3A_550 = arith.constant 3 : i32
      %add3A_551 = arith.addi %add3A_549, %add3A_550 : i32
      %sub3A_552 = arith.constant 1 : i32
      %sub3A_553 = arith.subi %add3A_551, %sub3A_552 : i32
      %lt3A_554 = arith.constant 81 : i32
      %lt3A_555 = arith.cmpi slt, %sub3A_553, %lt3A_554 : i32
      %ge3A_556 = arith.constant 1 : i32
      %ge3A_557 = arith.cmpi sge, %add3A_549, %ge3A_556 : i32
      %and3A_558 = arith.andi %lt3A_555, %ge3A_557 : i1
      %convert_element_type3A_559 = arith.extui %and3A_558 : i1 to i32
      %cond3A_560 = arith.constant 0 : i32
      %cond3A_561 = arith.cmpi ne, %convert_element_type3A_559, %cond3A_560 : i32
      scf.if %cond3A_561 {
        %sub3A_582 = arith.constant 1 : i32
        %sub3A_583 = arith.subi %add3A_549, %sub3A_582 : i32
        %dma_wait3A_584 = arith.constant 0 : i32
        %dma_wait3A_585 = tpu.memref_slice %arg8[%sub3A_583, %dma_wait3A_584] : memref<81x64xi32, #tpu.memory_space<vmem>> -> memref<1x64xi32, #tpu.memory_space<vmem>>
        %dma_wait3A_586 = tpu.memref_squeeze %dma_wait3A_585 : memref<1x64xi32, #tpu.memory_space<vmem>> -> memref<64xi32, #tpu.memory_space<vmem>>
        %dma_wait3A_587 = arith.constant 0 : i32
        %dma_wait3A_588 = arith.constant 0 : i32
        %dma_wait3A_589 = tpu.memref_slice %arg13[%dma_wait3A_587, %dma_wait3A_588] : memref<10240x128xf32, #tpu.memory_space<vmem_shared>> -> memref<10240x128xf32, #tpu.memory_space<vmem_shared>>
        tpu.wait_indirect_dma semaphore(%arg18 : memref<!tpu.dma_semaphore, #tpu.memory_space<semaphore_mem>>) src(%arg10 : memref<64x128xf32, #tpu.memory_space<vmem>>) dst(%dma_wait3A_589 : memref<10240x128xf32, #tpu.memory_space<vmem_shared>>)
        %dma_start3A_590 = arith.constant 0 : i32
        %dma_start3A_591 = tpu.memref_slice %arg7[%sub3A_553, %dma_start3A_590] : memref<81x64xi32, #tpu.memory_space<vmem>> -> memref<1x64xi32, #tpu.memory_space<vmem>>
        %dma_start3A_592 = tpu.memref_squeeze %dma_start3A_591 : memref<1x64xi32, #tpu.memory_space<vmem>> -> memref<64xi32, #tpu.memory_space<vmem>>
        %dma_start3A_593 = arith.constant 0 : i32
        %dma_start3A_594 = arith.constant 0 : i32
        %dma_start3A_595 = tpu.memref_slice %arg2[%dma_start3A_593, %dma_start3A_594] : memref<10000x128xf32, #tpu.memory_space<hbm>> -> memref<10000x128xf32, #tpu.memory_space<hbm>>
        tpu.enqueue_indirect_dma source(%dma_start3A_595 : memref<10000x128xf32, #tpu.memory_space<hbm>>) target(%arg10 : memref<64x128xf32, #tpu.memory_space<vmem>>) offsets(%dma_start3A_592 : memref<64xi32, #tpu.memory_space<vmem>>) semaphore(%arg15 : memref<!tpu.dma_semaphore, #tpu.memory_space<semaphore_mem>>)
      } else {
      }
      %lt3A_562 = arith.constant 81 : i32
      %lt3A_563 = arith.cmpi slt, %sub3A_553, %lt3A_562 : i32
      %lt3A_564 = arith.constant 1 : i32
      %lt3A_565 = arith.cmpi slt, %add3A_549, %lt3A_564 : i32
      %and3A_566 = arith.andi %lt3A_563, %lt3A_565 : i1
      %convert_element_type3A_567 = arith.extui %and3A_566 : i1 to i32
      %cond3A_568 = arith.constant 0 : i32
      %cond3A_569 = arith.cmpi ne, %convert_element_type3A_567, %cond3A_568 : i32
      scf.if %cond3A_569 {
        %dma_start3A_582 = arith.constant 0 : i32
        %dma_start3A_583 = tpu.memref_slice %arg7[%sub3A_553, %dma_start3A_582] : memref<81x64xi32, #tpu.memory_space<vmem>> -> memref<1x64xi32, #tpu.memory_space<vmem>>
        %dma_start3A_584 = tpu.memref_squeeze %dma_start3A_583 : memref<1x64xi32, #tpu.memory_space<vmem>> -> memref<64xi32, #tpu.memory_space<vmem>>
        %dma_start3A_585 = arith.constant 0 : i32
        %dma_start3A_586 = arith.constant 0 : i32
        %dma_start3A_587 = tpu.memref_slice %arg2[%dma_start3A_585, %dma_start3A_586] : memref<10000x128xf32, #tpu.memory_space<hbm>> -> memref<10000x128xf32, #tpu.memory_space<hbm>>
        tpu.enqueue_indirect_dma source(%dma_start3A_587 : memref<10000x128xf32, #tpu.memory_space<hbm>>) target(%arg10 : memref<64x128xf32, #tpu.memory_space<vmem>>) offsets(%dma_start3A_584 : memref<64xi32, #tpu.memory_space<vmem>>) semaphore(%arg15 : memref<!tpu.dma_semaphore, #tpu.memory_space<semaphore_mem>>)
      } else {
      }
      %dma_wait3A_570 = arith.constant 0 : i32
      %dma_wait3A_571 = tpu.memref_slice %arg7[%add3A_549, %dma_wait3A_570] : memref<81x64xi32, #tpu.memory_space<vmem>> -> memref<1x64xi32, #tpu.memory_space<vmem>>
      %dma_wait3A_572 = tpu.memref_squeeze %dma_wait3A_571 : memref<1x64xi32, #tpu.memory_space<vmem>> -> memref<64xi32, #tpu.memory_space<vmem>>
      %dma_wait3A_573 = arith.constant 0 : i32
      %dma_wait3A_574 = arith.constant 0 : i32
      %dma_wait3A_575 = tpu.memref_slice %arg2[%dma_wait3A_573, %dma_wait3A_574] : memref<10000x128xf32, #tpu.memory_space<hbm>> -> memref<10000x128xf32, #tpu.memory_space<hbm>>
      tpu.wait_indirect_dma semaphore(%arg16 : memref<!tpu.dma_semaphore, #tpu.memory_space<semaphore_mem>>) src(%dma_wait3A_575 : memref<10000x128xf32, #tpu.memory_space<hbm>>) dst(%arg11 : memref<64x128xf32, #tpu.memory_space<vmem>>)
      %dma_start3A_576 = arith.constant 0 : i32
      %dma_start3A_577 = tpu.memref_slice %arg8[%add3A_549, %dma_start3A_576] : memref<81x64xi32, #tpu.memory_space<vmem>> -> memref<1x64xi32, #tpu.memory_space<vmem>>
      %dma_start3A_578 = tpu.memref_squeeze %dma_start3A_577 : memref<1x64xi32, #tpu.memory_space<vmem>> -> memref<64xi32, #tpu.memory_space<vmem>>
      %dma_start3A_579 = arith.constant 0 : i32
      %dma_start3A_580 = arith.constant 0 : i32
      %dma_start3A_581 = tpu.memref_slice %arg13[%dma_start3A_579, %dma_start3A_580] : memref<10240x128xf32, #tpu.memory_space<vmem_shared>> -> memref<10240x128xf32, #tpu.memory_space<vmem_shared>>
      tpu.enqueue_indirect_dma source(%arg11 : memref<64x128xf32, #tpu.memory_space<vmem>>) target(%dma_start3A_581 : memref<10240x128xf32, #tpu.memory_space<vmem_shared>>) offsets(%dma_start3A_578 : memref<64xi32, #tpu.memory_space<vmem>>) semaphore(%arg19 : memref<!tpu.dma_semaphore, #tpu.memory_space<semaphore_mem>>) {add = true}
    }
    %scan3A_451 = arith.constant 27 : i32
    %dma_wait3A_452 = arith.constant 78 : i32
    %dma_wait3A_453 = arith.constant 0 : i32
    %dma_wait3A_454 = tpu.memref_slice %arg8[%dma_wait3A_452, %dma_wait3A_453] : memref<81x64xi32, #tpu.memory_space<vmem>> -> memref<1x64xi32, #tpu.memory_space<vmem>>
    %dma_wait3A_455 = tpu.memref_squeeze %dma_wait3A_454 : memref<1x64xi32, #tpu.memory_space<vmem>> -> memref<64xi32, #tpu.memory_space<vmem>>
    %dma_wait3A_456 = arith.constant 0 : i32
    %dma_wait3A_457 = arith.constant 0 : i32
    %dma_wait3A_458 = tpu.memref_slice %arg13[%dma_wait3A_456, %dma_wait3A_457] : memref<10240x128xf32, #tpu.memory_space<vmem_shared>> -> memref<10240x128xf32, #tpu.memory_space<vmem_shared>>
    tpu.wait_indirect_dma semaphore(%arg17 : memref<!tpu.dma_semaphore, #tpu.memory_space<semaphore_mem>>) src(%arg9 : memref<64x128xf32, #tpu.memory_space<vmem>>) dst(%dma_wait3A_458 : memref<10240x128xf32, #tpu.memory_space<vmem_shared>>)
    %dma_wait3A_459 = arith.constant 79 : i32
    %dma_wait3A_460 = arith.constant 0 : i32
    %dma_wait3A_461 = tpu.memref_slice %arg8[%dma_wait3A_459, %dma_wait3A_460] : memref<81x64xi32, #tpu.memory_space<vmem>> -> memref<1x64xi32, #tpu.memory_space<vmem>>
    %dma_wait3A_462 = tpu.memref_squeeze %dma_wait3A_461 : memref<1x64xi32, #tpu.memory_space<vmem>> -> memref<64xi32, #tpu.memory_space<vmem>>
    %dma_wait3A_463 = arith.constant 0 : i32
    %dma_wait3A_464 = arith.constant 0 : i32
    %dma_wait3A_465 = tpu.memref_slice %arg13[%dma_wait3A_463, %dma_wait3A_464] : memref<10240x128xf32, #tpu.memory_space<vmem_shared>> -> memref<10240x128xf32, #tpu.memory_space<vmem_shared>>
    tpu.wait_indirect_dma semaphore(%arg18 : memref<!tpu.dma_semaphore, #tpu.memory_space<semaphore_mem>>) src(%arg10 : memref<64x128xf32, #tpu.memory_space<vmem>>) dst(%dma_wait3A_465 : memref<10240x128xf32, #tpu.memory_space<vmem_shared>>)
    %dma_wait3A_466 = arith.constant 80 : i32
    %dma_wait3A_467 = arith.constant 0 : i32
    %dma_wait3A_468 = tpu.memref_slice %arg8[%dma_wait3A_466, %dma_wait3A_467] : memref<81x64xi32, #tpu.memory_space<vmem>> -> memref<1x64xi32, #tpu.memory_space<vmem>>
    %dma_wait3A_469 = tpu.memref_squeeze %dma_wait3A_468 : memref<1x64xi32, #tpu.memory_space<vmem>> -> memref<64xi32, #tpu.memory_space<vmem>>
    %dma_wait3A_470 = arith.constant 0 : i32
    %dma_wait3A_471 = arith.constant 0 : i32
    %dma_wait3A_472 = tpu.memref_slice %arg13[%dma_wait3A_470, %dma_wait3A_471] : memref<10240x128xf32, #tpu.memory_space<vmem_shared>> -> memref<10240x128xf32, #tpu.memory_space<vmem_shared>>
    tpu.wait_indirect_dma semaphore(%arg19 : memref<!tpu.dma_semaphore, #tpu.memory_space<semaphore_mem>>) src(%arg11 : memref<64x128xf32, #tpu.memory_space<vmem>>) dst(%dma_wait3A_472 : memref<10240x128xf32, #tpu.memory_space<vmem_shared>>)
    %barrier3A_473 = arith.constant 0 : index
    tpu.barrier barrier_id(%barrier3A_473)
    %lt3A = arith.constant 15 : i32
    %lt3A_474 = arith.cmpi slt, %arg1, %lt3A : i32
    %convert_element_type3A = arith.extui %lt3A_474 : i1 to i32
    %cond3A = arith.constant 0 : i32
    %cond3A_475 = arith.cmpi ne, %convert_element_type3A, %cond3A : i32
    scf.if %cond3A_475 {
      %mul3A_480 = arith.constant 624 : i32
      %mul3A_481 = arith.muli %arg1, %mul3A_480 : i32
      %mul3A_482 = arith.constant 624 : i32
      %mul3A_483 = arith.muli %arg1, %mul3A_482 : i32
      "tpu.region"() ({
        %run_scoped3A = tpu.sem_alloc : memref<!tpu.dma_semaphore, #tpu.memory_space<semaphore_mem>>
        %dma_start3A_484 = arith.constant 0 : i32
        %dma_start3A_485 = tpu.memref_slice %arg6[%arg0, %mul3A_483, %dma_start3A_484] : memref<2x10000x128xf32, #tpu.memory_space<hbm>> -> memref<1x624x128xf32, #tpu.memory_space<hbm>>
        %dma_start3A_486 = tpu.memref_squeeze %dma_start3A_485 : memref<1x624x128xf32, #tpu.memory_space<hbm>> -> memref<624x128xf32, #tpu.memory_space<hbm>>
        %dma_start3A_487 = arith.constant 0 : i32
        %dma_start3A_488 = tpu.memref_slice %arg13[%mul3A_481, %dma_start3A_487] : memref<10240x128xf32, #tpu.memory_space<vmem_shared>> -> memref<624x128xf32, #tpu.memory_space<vmem_shared>>
        tpu.enqueue_dma source(%dma_start3A_488 : memref<624x128xf32, #tpu.memory_space<vmem_shared>>) target(%dma_start3A_486 : memref<624x128xf32, #tpu.memory_space<hbm>>) target_semaphore(%run_scoped3A : memref<!tpu.dma_semaphore, #tpu.memory_space<semaphore_mem>>)
        %dma_wait3A_489 = arith.constant 0 : i32
        %dma_wait3A_490 = tpu.memref_slice %arg6[%arg0, %mul3A_483, %dma_wait3A_489] : memref<2x10000x128xf32, #tpu.memory_space<hbm>> -> memref<1x624x128xf32, #tpu.memory_space<hbm>>
        %dma_wait3A_491 = tpu.memref_squeeze %dma_wait3A_490 : memref<1x624x128xf32, #tpu.memory_space<hbm>> -> memref<624x128xf32, #tpu.memory_space<hbm>>
        %dma_wait3A_492 = arith.constant 0 : i32
        %dma_wait3A_493 = tpu.memref_slice %arg13[%mul3A_481, %dma_wait3A_492] : memref<10240x128xf32, #tpu.memory_space<vmem_shared>> -> memref<624x128xf32, #tpu.memory_space<vmem_shared>>
        tpu.wait_dma2 semaphore(%run_scoped3A : memref<!tpu.dma_semaphore, #tpu.memory_space<semaphore_mem>>) src(%dma_wait3A_493 : memref<624x128xf32, #tpu.memory_space<vmem_shared>>) dst(%dma_wait3A_491 : memref<624x128xf32, #tpu.memory_space<hbm>>)
        tpu.yield
      }) : () -> ()
    } else {
    }
    %eq3A = arith.constant 15 : i32
    %eq3A_476 = arith.cmpi eq, %arg1, %eq3A : i32
    %convert_element_type3A_477 = arith.extui %eq3A_476 : i1 to i32
    %cond3A_478 = arith.constant 0 : i32
    %cond3A_479 = arith.cmpi ne, %convert_element_type3A_477, %cond3A_478 : i32
    scf.if %cond3A_479 {
      "tpu.region"() ({
        %run_scoped3A = tpu.sem_alloc : memref<!tpu.dma_semaphore, #tpu.memory_space<semaphore_mem>>
        %dma_start3A_480 = arith.constant 9360 : i32
        %dma_start3A_481 = arith.constant 0 : i32
        %dma_start3A_482 = tpu.memref_slice %arg6[%arg0, %dma_start3A_480, %dma_start3A_481] : memref<2x10000x128xf32, #tpu.memory_space<hbm>> -> memref<1x640x128xf32, #tpu.memory_space<hbm>>
        %dma_start3A_483 = tpu.memref_squeeze %dma_start3A_482 : memref<1x640x128xf32, #tpu.memory_space<hbm>> -> memref<640x128xf32, #tpu.memory_space<hbm>>
        %dma_start3A_484 = arith.constant 9360 : i32
        %dma_start3A_485 = arith.constant 0 : i32
        %dma_start3A_486 = tpu.memref_slice %arg13[%dma_start3A_484, %dma_start3A_485] : memref<10240x128xf32, #tpu.memory_space<vmem_shared>> -> memref<640x128xf32, #tpu.memory_space<vmem_shared>>
        tpu.enqueue_dma source(%dma_start3A_486 : memref<640x128xf32, #tpu.memory_space<vmem_shared>>) target(%dma_start3A_483 : memref<640x128xf32, #tpu.memory_space<hbm>>) target_semaphore(%run_scoped3A : memref<!tpu.dma_semaphore, #tpu.memory_space<semaphore_mem>>)
        %dma_wait3A_487 = arith.constant 9360 : i32
        %dma_wait3A_488 = arith.constant 0 : i32
        %dma_wait3A_489 = tpu.memref_slice %arg6[%arg0, %dma_wait3A_487, %dma_wait3A_488] : memref<2x10000x128xf32, #tpu.memory_space<hbm>> -> memref<1x640x128xf32, #tpu.memory_space<hbm>>
        %dma_wait3A_490 = tpu.memref_squeeze %dma_wait3A_489 : memref<1x640x128xf32, #tpu.memory_space<hbm>> -> memref<640x128xf32, #tpu.memory_space<hbm>>
        %dma_wait3A_491 = arith.constant 9360 : i32
        %dma_wait3A_492 = arith.constant 0 : i32
        %dma_wait3A_493 = tpu.memref_slice %arg13[%dma_wait3A_491, %dma_wait3A_492] : memref<10240x128xf32, #tpu.memory_space<vmem_shared>> -> memref<640x128xf32, #tpu.memory_space<vmem_shared>>
        tpu.wait_dma2 semaphore(%run_scoped3A : memref<!tpu.dma_semaphore, #tpu.memory_space<semaphore_mem>>) src(%dma_wait3A_493 : memref<640x128xf32, #tpu.memory_space<vmem_shared>>) dst(%dma_wait3A_490 : memref<640x128xf32, #tpu.memory_space<hbm>>)
        tpu.yield
      }) : () -> ()
    } else {
    }
    return
  }
}

#map = affine_map<(d0, d1) -> (0, 0)>
module attributes {stable_mosaic.version = 14 : i64} {
  func.func @deg_kernel(%arg0: i32, %arg1: i32, %arg2: memref<32x5184xi32, #tpu.memory_space<hbm>>, %arg3: memref<32x10240xf32, #tpu.memory_space<hbm>>, %arg4: memref<5184xi32, #tpu.memory_space<vmem>>, %arg5: memref<10240xf32, #tpu.memory_space<vmem>>) attributes {dimension_semantics = [#tpu.dimension_semantics<core_parallel>, #tpu.dimension_semantics<subcore_parallel>], iteration_bounds = array<i64: 2, 16>, scalar_prefetch = 0 : i64, scratch_operands = 2 : i64, tpu.core_type = #tpu.core_type<sc_vector_subcore>, window_params = [{transform_indices = #map}, {transform_indices = #map}]} {
    %mul3A = arith.constant 16 : i32
    %mul3A_0 = arith.muli %arg0, %mul3A : i32
    %add3A = arith.addi %mul3A_0, %arg1 : i32
    "tpu.region"() ({
      %run_scoped3A = tpu.sem_alloc : memref<!tpu.dma_semaphore, #tpu.memory_space<semaphore_mem>>
      %dma_start3A = arith.constant 0 : i32
      %dma_start3A_15 = tpu.memref_slice %arg2[%add3A, %dma_start3A] : memref<32x5184xi32, #tpu.memory_space<hbm>> -> memref<1x5184xi32, #tpu.memory_space<hbm>>
      %dma_start3A_16 = tpu.memref_squeeze %dma_start3A_15 : memref<1x5184xi32, #tpu.memory_space<hbm>> -> memref<5184xi32, #tpu.memory_space<hbm>>
      %dma_start3A_17 = arith.constant 0 : i32
      %dma_start3A_18 = tpu.memref_slice %arg2[%add3A, %dma_start3A_17] : memref<32x5184xi32, #tpu.memory_space<hbm>> -> memref<1x5184xi32, #tpu.memory_space<hbm>>
      %dma_start3A_19 = tpu.memref_squeeze %dma_start3A_18 : memref<1x5184xi32, #tpu.memory_space<hbm>> -> memref<5184xi32, #tpu.memory_space<hbm>>
      tpu.enqueue_dma source(%dma_start3A_19 : memref<5184xi32, #tpu.memory_space<hbm>>) target(%arg4 : memref<5184xi32, #tpu.memory_space<vmem>>) target_semaphore(%run_scoped3A : memref<!tpu.dma_semaphore, #tpu.memory_space<semaphore_mem>>)
      %dma_wait3A = arith.constant 0 : i32
      %dma_wait3A_20 = tpu.memref_slice %arg2[%add3A, %dma_wait3A] : memref<32x5184xi32, #tpu.memory_space<hbm>> -> memref<1x5184xi32, #tpu.memory_space<hbm>>
      %dma_wait3A_21 = tpu.memref_squeeze %dma_wait3A_20 : memref<1x5184xi32, #tpu.memory_space<hbm>> -> memref<5184xi32, #tpu.memory_space<hbm>>
      %dma_wait3A_22 = arith.constant 0 : i32
      %dma_wait3A_23 = tpu.memref_slice %arg2[%add3A, %dma_wait3A_22] : memref<32x5184xi32, #tpu.memory_space<hbm>> -> memref<1x5184xi32, #tpu.memory_space<hbm>>
      %dma_wait3A_24 = tpu.memref_squeeze %dma_wait3A_23 : memref<1x5184xi32, #tpu.memory_space<hbm>> -> memref<5184xi32, #tpu.memory_space<hbm>>
      tpu.wait_dma2 semaphore(%run_scoped3A : memref<!tpu.dma_semaphore, #tpu.memory_space<semaphore_mem>>) src(%dma_wait3A_24 : memref<5184xi32, #tpu.memory_space<hbm>>) dst(%arg4 : memref<5184xi32, #tpu.memory_space<vmem>>)
      tpu.yield
    }) : () -> ()
    %broadcast_in_dim3A = arith.constant 0.000000e+00 : f32
    %broadcast_in_dim3A_1 = vector.broadcast %broadcast_in_dim3A : f32 to vector<16xf32>
    %scan3A = arith.constant 0 : i32
    %scan3A_2 = arith.constant 0 : i32
    %scan3A_3 = arith.constant 640 : i32
    %scan3A_4 = arith.addi %scan3A_2, %scan3A_3 : i32
    %scan3A_5 = arith.constant 1 : i32
    scf.for %scan3A_15 = %scan3A_2 to %scan3A_4 step %scan3A_5  : i32 {
      %mul3A_16 = arith.constant 16 : i32
      %mul3A_17 = arith.muli %scan3A_15, %mul3A_16 : i32
      %swap3A = arith.index_cast %mul3A_17 : i32 to index
      %swap3A_18 = tpu.vector_load %arg5[%swap3A] {strides = array<i32>} : memref<10240xf32, #tpu.memory_space<vmem>>, vector<16xf32>,
      tpu.vector_store %arg5[%swap3A], %broadcast_in_dim3A_1 {strides = array<i32>} : memref<10240xf32, #tpu.memory_space<vmem>>, vector<16xf32>,
    }
    %scan3A_6 = arith.constant 640 : i32
    %broadcast_in_dim3A_7 = arith.constant 1.000000e+00 : f32
    %broadcast_in_dim3A_8 = vector.broadcast %broadcast_in_dim3A_7 : f32 to vector<16xf32>
    %scan3A_9 = arith.constant 0 : i32
    %scan3A_10 = arith.constant 0 : i32
    %scan3A_11 = arith.constant 81 : i32
    %scan3A_12 = arith.addi %scan3A_10, %scan3A_11 : i32
    %scan3A_13 = arith.constant 1 : i32
    scf.for %scan3A_15 = %scan3A_10 to %scan3A_12 step %scan3A_13  : i32 {
      %mul3A_16 = arith.constant 4 : i32
      %mul3A_17 = arith.muli %scan3A_15, %mul3A_16 : i32
      %add3A_18 = arith.constant 0 : i32
      %add3A_19 = arith.addi %mul3A_17, %add3A_18 : i32
      %mul3A_20 = arith.constant 16 : i32
      %mul3A_21 = arith.muli %add3A_19, %mul3A_20 : i32
      %get3A = arith.index_cast %mul3A_21 : i32 to index
      %get3A_22 = tpu.vector_load %arg4[%get3A] {strides = array<i32>} : memref<5184xi32, #tpu.memory_space<vmem>>, vector<16xi32>,
      tpu.vector_store_idx %arg5[%get3A_22], %broadcast_in_dim3A_8 {add = true} : memref<10240xf32, #tpu.memory_space<vmem>>[vector<16xi32>], vector<16xf32>,
      %mul3A_23 = arith.constant 4 : i32
      %mul3A_24 = arith.muli %scan3A_15, %mul3A_23 : i32
      %add3A_25 = arith.constant 1 : i32
      %add3A_26 = arith.addi %mul3A_24, %add3A_25 : i32
      %mul3A_27 = arith.constant 16 : i32
      %mul3A_28 = arith.muli %add3A_26, %mul3A_27 : i32
      %get3A_29 = arith.index_cast %mul3A_28 : i32 to index
      %get3A_30 = tpu.vector_load %arg4[%get3A_29] {strides = array<i32>} : memref<5184xi32, #tpu.memory_space<vmem>>, vector<16xi32>,
      tpu.vector_store_idx %arg5[%get3A_30], %broadcast_in_dim3A_8 {add = true} : memref<10240xf32, #tpu.memory_space<vmem>>[vector<16xi32>], vector<16xf32>,
      %mul3A_31 = arith.constant 4 : i32
      %mul3A_32 = arith.muli %scan3A_15, %mul3A_31 : i32
      %add3A_33 = arith.constant 2 : i32
      %add3A_34 = arith.addi %mul3A_32, %add3A_33 : i32
      %mul3A_35 = arith.constant 16 : i32
      %mul3A_36 = arith.muli %add3A_34, %mul3A_35 : i32
      %get3A_37 = arith.index_cast %mul3A_36 : i32 to index
      %get3A_38 = tpu.vector_load %arg4[%get3A_37] {strides = array<i32>} : memref<5184xi32, #tpu.memory_space<vmem>>, vector<16xi32>,
      tpu.vector_store_idx %arg5[%get3A_38], %broadcast_in_dim3A_8 {add = true} : memref<10240xf32, #tpu.memory_space<vmem>>[vector<16xi32>], vector<16xf32>,
      %mul3A_39 = arith.constant 4 : i32
      %mul3A_40 = arith.muli %scan3A_15, %mul3A_39 : i32
      %add3A_41 = arith.constant 3 : i32
      %add3A_42 = arith.addi %mul3A_40, %add3A_41 : i32
      %mul3A_43 = arith.constant 16 : i32
      %mul3A_44 = arith.muli %add3A_42, %mul3A_43 : i32
      %get3A_45 = arith.index_cast %mul3A_44 : i32 to index
      %get3A_46 = tpu.vector_load %arg4[%get3A_45] {strides = array<i32>} : memref<5184xi32, #tpu.memory_space<vmem>>, vector<16xi32>,
      tpu.vector_store_idx %arg5[%get3A_46], %broadcast_in_dim3A_8 {add = true} : memref<10240xf32, #tpu.memory_space<vmem>>[vector<16xi32>], vector<16xf32>,
    }
    %scan3A_14 = arith.constant 81 : i32
    "tpu.region"() ({
      %run_scoped3A = tpu.sem_alloc : memref<!tpu.dma_semaphore, #tpu.memory_space<semaphore_mem>>
      %dma_start3A = arith.constant 0 : i32
      %dma_start3A_15 = tpu.memref_slice %arg3[%add3A, %dma_start3A] : memref<32x10240xf32, #tpu.memory_space<hbm>> -> memref<1x10240xf32, #tpu.memory_space<hbm>>
      %dma_start3A_16 = tpu.memref_squeeze %dma_start3A_15 : memref<1x10240xf32, #tpu.memory_space<hbm>> -> memref<10240xf32, #tpu.memory_space<hbm>>
      %dma_start3A_17 = arith.constant 0 : i32
      %dma_start3A_18 = tpu.memref_slice %arg3[%add3A, %dma_start3A_17] : memref<32x10240xf32, #tpu.memory_space<hbm>> -> memref<1x10240xf32, #tpu.memory_space<hbm>>
      %dma_start3A_19 = tpu.memref_squeeze %dma_start3A_18 : memref<1x10240xf32, #tpu.memory_space<hbm>> -> memref<10240xf32, #tpu.memory_space<hbm>>
      tpu.enqueue_dma source(%arg5 : memref<10240xf32, #tpu.memory_space<vmem>>) target(%dma_start3A_19 : memref<10240xf32, #tpu.memory_space<hbm>>) target_semaphore(%run_scoped3A : memref<!tpu.dma_semaphore, #tpu.memory_space<semaphore_mem>>)
      %dma_wait3A = arith.constant 0 : i32
      %dma_wait3A_20 = tpu.memref_slice %arg3[%add3A, %dma_wait3A] : memref<32x10240xf32, #tpu.memory_space<hbm>> -> memref<1x10240xf32, #tpu.memory_space<hbm>>
      %dma_wait3A_21 = tpu.memref_squeeze %dma_wait3A_20 : memref<1x10240xf32, #tpu.memory_space<hbm>> -> memref<10240xf32, #tpu.memory_space<hbm>>
      %dma_wait3A_22 = arith.constant 0 : i32
      %dma_wait3A_23 = tpu.memref_slice %arg3[%add3A, %dma_wait3A_22] : memref<32x10240xf32, #tpu.memory_space<hbm>> -> memref<1x10240xf32, #tpu.memory_space<hbm>>
      %dma_wait3A_24 = tpu.memref_squeeze %dma_wait3A_23 : memref<1x10240xf32, #tpu.memory_space<hbm>> -> memref<10240xf32, #tpu.memory_space<hbm>>
      tpu.wait_dma2 semaphore(%run_scoped3A : memref<!tpu.dma_semaphore, #tpu.memory_space<semaphore_mem>>) src(%arg5 : memref<10240xf32, #tpu.memory_space<vmem>>) dst(%dma_wait3A_24 : memref<10240xf32, #tpu.memory_space<hbm>>)
      tpu.yield
    }) : () -> ()
    return
  }
}

#map = affine_map<(d0, d1) -> (0, 0)>
#map1 = affine_map<(d0, d1) -> (0, 0, 0)>
module attributes {stable_mosaic.version = 14 : i64} {
  func.func @hop_kernel(%arg0: i32, %arg1: i32, %arg2: memref<10000x128xf32, #tpu.memory_space<hbm>>, %arg3: memref<32x81x64xi32, #tpu.memory_space<hbm>>, %arg4: memref<32x81x64xi32, #tpu.memory_space<hbm>>, %arg5: memref<16x128xf32, #tpu.memory_space<hbm>>, %arg6: memref<2x10000x128xf32, #tpu.memory_space<hbm>>, %arg7: memref<81x64xi32, #tpu.memory_space<vmem>>, %arg8: memref<81x64xi32, #tpu.memory_space<vmem>>, %arg9: memref<64x128xf32, #tpu.memory_space<vmem>>, %arg10: memref<64x128xf32, #tpu.memory_space<vmem>>, %arg11: memref<64x128xf32, #tpu.memory_space<vmem>>, %arg12: memref<16x128xf32, #tpu.memory_space<vmem>>, %arg13: memref<10240x128xf32, #tpu.memory_space<vmem_shared>>, %arg14: memref<!tpu.dma_semaphore, #tpu.memory_space<semaphore_mem>>, %arg15: memref<!tpu.dma_semaphore, #tpu.memory_space<semaphore_mem>>, %arg16: memref<!tpu.dma_semaphore, #tpu.memory_space<semaphore_mem>>, %arg17: memref<!tpu.dma_semaphore, #tpu.memory_space<semaphore_mem>>, %arg18: memref<!tpu.dma_semaphore, #tpu.memory_space<semaphore_mem>>, %arg19: memref<!tpu.dma_semaphore, #tpu.memory_space<semaphore_mem>>) attributes {dimension_semantics = [#tpu.dimension_semantics<core_parallel>, #tpu.dimension_semantics<subcore_parallel>], iteration_bounds = array<i64: 2, 16>, scalar_prefetch = 0 : i64, scratch_operands = 13 : i64, tpu.core_type = #tpu.core_type<sc_vector_subcore>, window_params = [{transform_indices = #map}, {transform_indices = #map1}, {transform_indices = #map1}, {transform_indices = #map}, {transform_indices = #map1}]} {
    %mul3A = arith.constant 16 : i32
    %mul3A_0 = arith.muli %arg0, %mul3A : i32
    %add3A = arith.addi %mul3A_0, %arg1 : i32
    tpu.enqueue_dma source(%arg5 : memref<16x128xf32, #tpu.memory_space<hbm>>) target(%arg12 : memref<16x128xf32, #tpu.memory_space<vmem>>) target_semaphore(%arg17 : memref<!tpu.dma_semaphore, #tpu.memory_space<semaphore_mem>>)
    %dma_start3A = arith.constant 0 : i32
    %dma_start3A_1 = arith.constant 0 : i32
    %dma_start3A_2 = tpu.memref_slice %arg3[%add3A, %dma_start3A, %dma_start3A_1] : memref<32x81x64xi32, #tpu.memory_space<hbm>> -> memref<1x81x64xi32, #tpu.memory_space<hbm>>
    %dma_start3A_3 = tpu.memref_squeeze %dma_start3A_2 : memref<1x81x64xi32, #tpu.memory_space<hbm>> -> memref<81x64xi32, #tpu.memory_space<hbm>>
    %dma_start3A_4 = arith.constant 0 : i32
    %dma_start3A_5 = arith.constant 0 : i32
    %dma_start3A_6 = tpu.memref_slice %arg3[%add3A, %dma_start3A_4, %dma_start3A_5] : memref<32x81x64xi32, #tpu.memory_space<hbm>> -> memref<1x81x64xi32, #tpu.memory_space<hbm>>
    %dma_start3A_7 = tpu.memref_squeeze %dma_start3A_6 : memref<1x81x64xi32, #tpu.memory_space<hbm>> -> memref<81x64xi32, #tpu.memory_space<hbm>>
    tpu.enqueue_dma source(%dma_start3A_7 : memref<81x64xi32, #tpu.memory_space<hbm>>) target(%arg7 : memref<81x64xi32, #tpu.memory_space<vmem>>) target_semaphore(%arg14 : memref<!tpu.dma_semaphore, #tpu.memory_space<semaphore_mem>>)
    %dma_start3A_8 = arith.constant 0 : i32
    %dma_start3A_9 = arith.constant 0 : i32
    %dma_start3A_10 = tpu.memref_slice %arg4[%add3A, %dma_start3A_8, %dma_start3A_9] : memref<32x81x64xi32, #tpu.memory_space<hbm>> -> memref<1x81x64xi32, #tpu.memory_space<hbm>>
    %dma_start3A_11 = tpu.memref_squeeze %dma_start3A_10 : memref<1x81x64xi32, #tpu.memory_space<hbm>> -> memref<81x64xi32, #tpu.memory_space<hbm>>
    %dma_start3A_12 = arith.constant 0 : i32
    %dma_start3A_13 = arith.constant 0 : i32
    %dma_start3A_14 = tpu.memref_slice %arg4[%add3A, %dma_start3A_12, %dma_start3A_13] : memref<32x81x64xi32, #tpu.memory_space<hbm>> -> memref<1x81x64xi32, #tpu.memory_space<hbm>>
    %dma_start3A_15 = tpu.memref_squeeze %dma_start3A_14 : memref<1x81x64xi32, #tpu.memory_space<hbm>> -> memref<81x64xi32, #tpu.memory_space<hbm>>
    tpu.enqueue_dma source(%dma_start3A_15 : memref<81x64xi32, #tpu.memory_space<hbm>>) target(%arg8 : memref<81x64xi32, #tpu.memory_space<vmem>>) target_semaphore(%arg15 : memref<!tpu.dma_semaphore, #tpu.memory_space<semaphore_mem>>)
    tpu.wait_dma2 semaphore(%arg17 : memref<!tpu.dma_semaphore, #tpu.memory_space<semaphore_mem>>) src(%arg5 : memref<16x128xf32, #tpu.memory_space<hbm>>) dst(%arg12 : memref<16x128xf32, #tpu.memory_space<vmem>>)
    %mul3A_16 = arith.constant 640 : i32
    %mul3A_17 = arith.muli %arg1, %mul3A_16 : i32
    %add3A_18 = arith.constant 0 : i32
    %add3A_19 = arith.addi %mul3A_17, %add3A_18 : i32
    %dma_start3A_20 = arith.constant 0 : i32
    %dma_start3A_21 = tpu.memref_slice %arg13[%add3A_19, %dma_start3A_20] : memref<10240x128xf32, #tpu.memory_space<vmem_shared>> -> memref<16x128xf32, #tpu.memory_space<vmem_shared>>
    %dma_start3A_22 = arith.constant 0 : i32
    %dma_start3A_23 = tpu.memref_slice %arg13[%add3A_19, %dma_start3A_22] : memref<10240x128xf32, #tpu.memory_space<vmem_shared>> -> memref<16x128xf32, #tpu.memory_space<vmem_shared>>
    tpu.enqueue_dma source(%arg12 : memref<16x128xf32, #tpu.memory_space<vmem>>) target(%dma_start3A_23 : memref<16x128xf32, #tpu.memory_space<vmem_shared>>) target_semaphore(%arg18 : memref<!tpu.dma_semaphore, #tpu.memory_space<semaphore_mem>>)
    %add3A_24 = arith.constant 16 : i32
    %add3A_25 = arith.addi %mul3A_17, %add3A_24 : i32
    %dma_start3A_26 = arith.constant 0 : i32
    %dma_start3A_27 = tpu.memref_slice %arg13[%add3A_25, %dma_start3A_26] : memref<10240x128xf32, #tpu.memory_space<vmem_shared>> -> memref<16x128xf32, #tpu.memory_space<vmem_shared>>
    %dma_start3A_28 = arith.constant 0 : i32
    %dma_start3A_29 = tpu.memref_slice %arg13[%add3A_25, %dma_start3A_28] : memref<10240x128xf32, #tpu.memory_space<vmem_shared>> -> memref<16x128xf32, #tpu.memory_space<vmem_shared>>
    tpu.enqueue_dma source(%arg12 : memref<16x128xf32, #tpu.memory_space<vmem>>) target(%dma_start3A_29 : memref<16x128xf32, #tpu.memory_space<vmem_shared>>) target_semaphore(%arg18 : memref<!tpu.dma_semaphore, #tpu.memory_space<semaphore_mem>>)
    %add3A_30 = arith.constant 32 : i32
    %add3A_31 = arith.addi %mul3A_17, %add3A_30 : i32
    %dma_start3A_32 = arith.constant 0 : i32
    %dma_start3A_33 = tpu.memref_slice %arg13[%add3A_31, %dma_start3A_32] : memref<10240x128xf32, #tpu.memory_space<vmem_shared>> -> memref<16x128xf32, #tpu.memory_space<vmem_shared>>
    %dma_start3A_34 = arith.constant 0 : i32
    %dma_start3A_35 = tpu.memref_slice %arg13[%add3A_31, %dma_start3A_34] : memref<10240x128xf32, #tpu.memory_space<vmem_shared>> -> memref<16x128xf32, #tpu.memory_space<vmem_shared>>
    tpu.enqueue_dma source(%arg12 : memref<16x128xf32, #tpu.memory_space<vmem>>) target(%dma_start3A_35 : memref<16x128xf32, #tpu.memory_space<vmem_shared>>) target_semaphore(%arg18 : memref<!tpu.dma_semaphore, #tpu.memory_space<semaphore_mem>>)
    %add3A_36 = arith.constant 48 : i32
    %add3A_37 = arith.addi %mul3A_17, %add3A_36 : i32
    %dma_start3A_38 = arith.constant 0 : i32
    %dma_start3A_39 = tpu.memref_slice %arg13[%add3A_37, %dma_start3A_38] : memref<10240x128xf32, #tpu.memory_space<vmem_shared>> -> memref<16x128xf32, #tpu.memory_space<vmem_shared>>
    %dma_start3A_40 = arith.constant 0 : i32
    %dma_start3A_41 = tpu.memref_slice %arg13[%add3A_37, %dma_start3A_40] : memref<10240x128xf32, #tpu.memory_space<vmem_shared>> -> memref<16x128xf32, #tpu.memory_space<vmem_shared>>
    tpu.enqueue_dma source(%arg12 : memref<16x128xf32, #tpu.memory_space<vmem>>) target(%dma_start3A_41 : memref<16x128xf32, #tpu.memory_space<vmem_shared>>) target_semaphore(%arg18 : memref<!tpu.dma_semaphore, #tpu.memory_space<semaphore_mem>>)
    %add3A_42 = arith.constant 64 : i32
    %add3A_43 = arith.addi %mul3A_17, %add3A_42 : i32
    %dma_start3A_44 = arith.constant 0 : i32
    %dma_start3A_45 = tpu.memref_slice %arg13[%add3A_43, %dma_start3A_44] : memref<10240x128xf32, #tpu.memory_space<vmem_shared>> -> memref<16x128xf32, #tpu.memory_space<vmem_shared>>
    %dma_start3A_46 = arith.constant 0 : i32
    %dma_start3A_47 = tpu.memref_slice %arg13[%add3A_43, %dma_start3A_46] : memref<10240x128xf32, #tpu.memory_space<vmem_shared>> -> memref<16x128xf32, #tpu.memory_space<vmem_shared>>
    tpu.enqueue_dma source(%arg12 : memref<16x128xf32, #tpu.memory_space<vmem>>) target(%dma_start3A_47 : memref<16x128xf32, #tpu.memory_space<vmem_shared>>) target_semaphore(%arg18 : memref<!tpu.dma_semaphore, #tpu.memory_space<semaphore_mem>>)
    %add3A_48 = arith.constant 80 : i32
    %add3A_49 = arith.addi %mul3A_17, %add3A_48 : i32
    %dma_start3A_50 = arith.constant 0 : i32
    %dma_start3A_51 = tpu.memref_slice %arg13[%add3A_49, %dma_start3A_50] : memref<10240x128xf32, #tpu.memory_space<vmem_shared>> -> memref<16x128xf32, #tpu.memory_space<vmem_shared>>
    %dma_start3A_52 = arith.constant 0 : i32
    %dma_start3A_53 = tpu.memref_slice %arg13[%add3A_49, %dma_start3A_52] : memref<10240x128xf32, #tpu.memory_space<vmem_shared>> -> memref<16x128xf32, #tpu.memory_space<vmem_shared>>
    tpu.enqueue_dma source(%arg12 : memref<16x128xf32, #tpu.memory_space<vmem>>) target(%dma_start3A_53 : memref<16x128xf32, #tpu.memory_space<vmem_shared>>) target_semaphore(%arg18 : memref<!tpu.dma_semaphore, #tpu.memory_space<semaphore_mem>>)
    %add3A_54 = arith.constant 96 : i32
    %add3A_55 = arith.addi %mul3A_17, %add3A_54 : i32
    %dma_start3A_56 = arith.constant 0 : i32
    %dma_start3A_57 = tpu.memref_slice %arg13[%add3A_55, %dma_start3A_56] : memref<10240x128xf32, #tpu.memory_space<vmem_shared>> -> memref<16x128xf32, #tpu.memory_space<vmem_shared>>
    %dma_start3A_58 = arith.constant 0 : i32
    %dma_start3A_59 = tpu.memref_slice %arg13[%add3A_55, %dma_start3A_58] : memref<10240x128xf32, #tpu.memory_space<vmem_shared>> -> memref<16x128xf32, #tpu.memory_space<vmem_shared>>
    tpu.enqueue_dma source(%arg12 : memref<16x128xf32, #tpu.memory_space<vmem>>) target(%dma_start3A_59 : memref<16x128xf32, #tpu.memory_space<vmem_shared>>) target_semaphore(%arg18 : memref<!tpu.dma_semaphore, #tpu.memory_space<semaphore_mem>>)
    %add3A_60 = arith.constant 112 : i32
    %add3A_61 = arith.addi %mul3A_17, %add3A_60 : i32
    %dma_start3A_62 = arith.constant 0 : i32
    %dma_start3A_63 = tpu.memref_slice %arg13[%add3A_61, %dma_start3A_62] : memref<10240x128xf32, #tpu.memory_space<vmem_shared>> -> memref<16x128xf32, #tpu.memory_space<vmem_shared>>
    %dma_start3A_64 = arith.constant 0 : i32
    %dma_start3A_65 = tpu.memref_slice %arg13[%add3A_61, %dma_start3A_64] : memref<10240x128xf32, #tpu.memory_space<vmem_shared>> -> memref<16x128xf32, #tpu.memory_space<vmem_shared>>
    tpu.enqueue_dma source(%arg12 : memref<16x128xf32, #tpu.memory_space<vmem>>) target(%dma_start3A_65 : memref<16x128xf32, #tpu.memory_space<vmem_shared>>) target_semaphore(%arg18 : memref<!tpu.dma_semaphore, #tpu.memory_space<semaphore_mem>>)
    %dma_wait3A = arith.constant 0 : i32
    %dma_wait3A_66 = tpu.memref_slice %arg13[%add3A_19, %dma_wait3A] : memref<10240x128xf32, #tpu.memory_space<vmem_shared>> -> memref<16x128xf32, #tpu.memory_space<vmem_shared>>
    %dma_wait3A_67 = arith.constant 0 : i32
    %dma_wait3A_68 = tpu.memref_slice %arg13[%add3A_19, %dma_wait3A_67] : memref<10240x128xf32, #tpu.memory_space<vmem_shared>> -> memref<16x128xf32, #tpu.memory_space<vmem_shared>>
    tpu.wait_dma2 semaphore(%arg18 : memref<!tpu.dma_semaphore, #tpu.memory_space<semaphore_mem>>) src(%arg12 : memref<16x128xf32, #tpu.memory_space<vmem>>) dst(%dma_wait3A_68 : memref<16x128xf32, #tpu.memory_space<vmem_shared>>)
    %dma_wait3A_69 = arith.constant 0 : i32
    %dma_wait3A_70 = tpu.memref_slice %arg13[%add3A_25, %dma_wait3A_69] : memref<10240x128xf32, #tpu.memory_space<vmem_shared>> -> memref<16x128xf32, #tpu.memory_space<vmem_shared>>
    %dma_wait3A_71 = arith.constant 0 : i32
    %dma_wait3A_72 = tpu.memref_slice %arg13[%add3A_25, %dma_wait3A_71] : memref<10240x128xf32, #tpu.memory_space<vmem_shared>> -> memref<16x128xf32, #tpu.memory_space<vmem_shared>>
    tpu.wait_dma2 semaphore(%arg18 : memref<!tpu.dma_semaphore, #tpu.memory_space<semaphore_mem>>) src(%arg12 : memref<16x128xf32, #tpu.memory_space<vmem>>) dst(%dma_wait3A_72 : memref<16x128xf32, #tpu.memory_space<vmem_shared>>)
    %dma_wait3A_73 = arith.constant 0 : i32
    %dma_wait3A_74 = tpu.memref_slice %arg13[%add3A_31, %dma_wait3A_73] : memref<10240x128xf32, #tpu.memory_space<vmem_shared>> -> memref<16x128xf32, #tpu.memory_space<vmem_shared>>
    %dma_wait3A_75 = arith.constant 0 : i32
    %dma_wait3A_76 = tpu.memref_slice %arg13[%add3A_31, %dma_wait3A_75] : memref<10240x128xf32, #tpu.memory_space<vmem_shared>> -> memref<16x128xf32, #tpu.memory_space<vmem_shared>>
    tpu.wait_dma2 semaphore(%arg18 : memref<!tpu.dma_semaphore, #tpu.memory_space<semaphore_mem>>) src(%arg12 : memref<16x128xf32, #tpu.memory_space<vmem>>) dst(%dma_wait3A_76 : memref<16x128xf32, #tpu.memory_space<vmem_shared>>)
    %dma_wait3A_77 = arith.constant 0 : i32
    %dma_wait3A_78 = tpu.memref_slice %arg13[%add3A_37, %dma_wait3A_77] : memref<10240x128xf32, #tpu.memory_space<vmem_shared>> -> memref<16x128xf32, #tpu.memory_space<vmem_shared>>
    %dma_wait3A_79 = arith.constant 0 : i32
    %dma_wait3A_80 = tpu.memref_slice %arg13[%add3A_37, %dma_wait3A_79] : memref<10240x128xf32, #tpu.memory_space<vmem_shared>> -> memref<16x128xf32, #tpu.memory_space<vmem_shared>>
    tpu.wait_dma2 semaphore(%arg18 : memref<!tpu.dma_semaphore, #tpu.memory_space<semaphore_mem>>) src(%arg12 : memref<16x128xf32, #tpu.memory_space<vmem>>) dst(%dma_wait3A_80 : memref<16x128xf32, #tpu.memory_space<vmem_shared>>)
    %dma_wait3A_81 = arith.constant 0 : i32
    %dma_wait3A_82 = tpu.memref_slice %arg13[%add3A_43, %dma_wait3A_81] : memref<10240x128xf32, #tpu.memory_space<vmem_shared>> -> memref<16x128xf32, #tpu.memory_space<vmem_shared>>
    %dma_wait3A_83 = arith.constant 0 : i32
    %dma_wait3A_84 = tpu.memref_slice %arg13[%add3A_43, %dma_wait3A_83] : memref<10240x128xf32, #tpu.memory_space<vmem_shared>> -> memref<16x128xf32, #tpu.memory_space<vmem_shared>>
    tpu.wait_dma2 semaphore(%arg18 : memref<!tpu.dma_semaphore, #tpu.memory_space<semaphore_mem>>) src(%arg12 : memref<16x128xf32, #tpu.memory_space<vmem>>) dst(%dma_wait3A_84 : memref<16x128xf32, #tpu.memory_space<vmem_shared>>)
    %dma_wait3A_85 = arith.constant 0 : i32
    %dma_wait3A_86 = tpu.memref_slice %arg13[%add3A_49, %dma_wait3A_85] : memref<10240x128xf32, #tpu.memory_space<vmem_shared>> -> memref<16x128xf32, #tpu.memory_space<vmem_shared>>
    %dma_wait3A_87 = arith.constant 0 : i32
    %dma_wait3A_88 = tpu.memref_slice %arg13[%add3A_49, %dma_wait3A_87] : memref<10240x128xf32, #tpu.memory_space<vmem_shared>> -> memref<16x128xf32, #tpu.memory_space<vmem_shared>>
    tpu.wait_dma2 semaphore(%arg18 : memref<!tpu.dma_semaphore, #tpu.memory_space<semaphore_mem>>) src(%arg12 : memref<16x128xf32, #tpu.memory_space<vmem>>) dst(%dma_wait3A_88 : memref<16x128xf32, #tpu.memory_space<vmem_shared>>)
    %dma_wait3A_89 = arith.constant 0 : i32
    %dma_wait3A_90 = tpu.memref_slice %arg13[%add3A_55, %dma_wait3A_89] : memref<10240x128xf32, #tpu.memory_space<vmem_shared>> -> memref<16x128xf32, #tpu.memory_space<vmem_shared>>
    %dma_wait3A_91 = arith.constant 0 : i32
    %dma_wait3A_92 = tpu.memref_slice %arg13[%add3A_55, %dma_wait3A_91] : memref<10240x128xf32, #tpu.memory_space<vmem_shared>> -> memref<16x128xf32, #tpu.memory_space<vmem_shared>>
    tpu.wait_dma2 semaphore(%arg18 : memref<!tpu.dma_semaphore, #tpu.memory_space<semaphore_mem>>) src(%arg12 : memref<16x128xf32, #tpu.memory_space<vmem>>) dst(%dma_wait3A_92 : memref<16x128xf32, #tpu.memory_space<vmem_shared>>)
    %dma_wait3A_93 = arith.constant 0 : i32
    %dma_wait3A_94 = tpu.memref_slice %arg13[%add3A_61, %dma_wait3A_93] : memref<10240x128xf32, #tpu.memory_space<vmem_shared>> -> memref<16x128xf32, #tpu.memory_space<vmem_shared>>
    %dma_wait3A_95 = arith.constant 0 : i32
    %dma_wait3A_96 = tpu.memref_slice %arg13[%add3A_61, %dma_wait3A_95] : memref<10240x128xf32, #tpu.memory_space<vmem_shared>> -> memref<16x128xf32, #tpu.memory_space<vmem_shared>>
    tpu.wait_dma2 semaphore(%arg18 : memref<!tpu.dma_semaphore, #tpu.memory_space<semaphore_mem>>) src(%arg12 : memref<16x128xf32, #tpu.memory_space<vmem>>) dst(%dma_wait3A_96 : memref<16x128xf32, #tpu.memory_space<vmem_shared>>)
    %add3A_97 = arith.constant 128 : i32
    %add3A_98 = arith.addi %mul3A_17, %add3A_97 : i32
    %dma_start3A_99 = arith.constant 0 : i32
    %dma_start3A_100 = tpu.memref_slice %arg13[%add3A_98, %dma_start3A_99] : memref<10240x128xf32, #tpu.memory_space<vmem_shared>> -> memref<16x128xf32, #tpu.memory_space<vmem_shared>>
    %dma_start3A_101 = arith.constant 0 : i32
    %dma_start3A_102 = tpu.memref_slice %arg13[%add3A_98, %dma_start3A_101] : memref<10240x128xf32, #tpu.memory_space<vmem_shared>> -> memref<16x128xf32, #tpu.memory_space<vmem_shared>>
    tpu.enqueue_dma source(%arg12 : memref<16x128xf32, #tpu.memory_space<vmem>>) target(%dma_start3A_102 : memref<16x128xf32, #tpu.memory_space<vmem_shared>>) target_semaphore(%arg18 : memref<!tpu.dma_semaphore, #tpu.memory_space<semaphore_mem>>)
    %add3A_103 = arith.constant 144 : i32
    %add3A_104 = arith.addi %mul3A_17, %add3A_103 : i32
    %dma_start3A_105 = arith.constant 0 : i32
    %dma_start3A_106 = tpu.memref_slice %arg13[%add3A_104, %dma_start3A_105] : memref<10240x128xf32, #tpu.memory_space<vmem_shared>> -> memref<16x128xf32, #tpu.memory_space<vmem_shared>>
    %dma_start3A_107 = arith.constant 0 : i32
    %dma_start3A_108 = tpu.memref_slice %arg13[%add3A_104, %dma_start3A_107] : memref<10240x128xf32, #tpu.memory_space<vmem_shared>> -> memref<16x128xf32, #tpu.memory_space<vmem_shared>>
    tpu.enqueue_dma source(%arg12 : memref<16x128xf32, #tpu.memory_space<vmem>>) target(%dma_start3A_108 : memref<16x128xf32, #tpu.memory_space<vmem_shared>>) target_semaphore(%arg18 : memref<!tpu.dma_semaphore, #tpu.memory_space<semaphore_mem>>)
    %add3A_109 = arith.constant 160 : i32
    %add3A_110 = arith.addi %mul3A_17, %add3A_109 : i32
    %dma_start3A_111 = arith.constant 0 : i32
    %dma_start3A_112 = tpu.memref_slice %arg13[%add3A_110, %dma_start3A_111] : memref<10240x128xf32, #tpu.memory_space<vmem_shared>> -> memref<16x128xf32, #tpu.memory_space<vmem_shared>>
    %dma_start3A_113 = arith.constant 0 : i32
    %dma_start3A_114 = tpu.memref_slice %arg13[%add3A_110, %dma_start3A_113] : memref<10240x128xf32, #tpu.memory_space<vmem_shared>> -> memref<16x128xf32, #tpu.memory_space<vmem_shared>>
    tpu.enqueue_dma source(%arg12 : memref<16x128xf32, #tpu.memory_space<vmem>>) target(%dma_start3A_114 : memref<16x128xf32, #tpu.memory_space<vmem_shared>>) target_semaphore(%arg18 : memref<!tpu.dma_semaphore, #tpu.memory_space<semaphore_mem>>)
    %add3A_115 = arith.constant 176 : i32
    %add3A_116 = arith.addi %mul3A_17, %add3A_115 : i32
    %dma_start3A_117 = arith.constant 0 : i32
    %dma_start3A_118 = tpu.memref_slice %arg13[%add3A_116, %dma_start3A_117] : memref<10240x128xf32, #tpu.memory_space<vmem_shared>> -> memref<16x128xf32, #tpu.memory_space<vmem_shared>>
    %dma_start3A_119 = arith.constant 0 : i32
    %dma_start3A_120 = tpu.memref_slice %arg13[%add3A_116, %dma_start3A_119] : memref<10240x128xf32, #tpu.memory_space<vmem_shared>> -> memref<16x128xf32, #tpu.memory_space<vmem_shared>>
    tpu.enqueue_dma source(%arg12 : memref<16x128xf32, #tpu.memory_space<vmem>>) target(%dma_start3A_120 : memref<16x128xf32, #tpu.memory_space<vmem_shared>>) target_semaphore(%arg18 : memref<!tpu.dma_semaphore, #tpu.memory_space<semaphore_mem>>)
    %add3A_121 = arith.constant 192 : i32
    %add3A_122 = arith.addi %mul3A_17, %add3A_121 : i32
    %dma_start3A_123 = arith.constant 0 : i32
    %dma_start3A_124 = tpu.memref_slice %arg13[%add3A_122, %dma_start3A_123] : memref<10240x128xf32, #tpu.memory_space<vmem_shared>> -> memref<16x128xf32, #tpu.memory_space<vmem_shared>>
    %dma_start3A_125 = arith.constant 0 : i32
    %dma_start3A_126 = tpu.memref_slice %arg13[%add3A_122, %dma_start3A_125] : memref<10240x128xf32, #tpu.memory_space<vmem_shared>> -> memref<16x128xf32, #tpu.memory_space<vmem_shared>>
    tpu.enqueue_dma source(%arg12 : memref<16x128xf32, #tpu.memory_space<vmem>>) target(%dma_start3A_126 : memref<16x128xf32, #tpu.memory_space<vmem_shared>>) target_semaphore(%arg18 : memref<!tpu.dma_semaphore, #tpu.memory_space<semaphore_mem>>)
    %add3A_127 = arith.constant 208 : i32
    %add3A_128 = arith.addi %mul3A_17, %add3A_127 : i32
    %dma_start3A_129 = arith.constant 0 : i32
    %dma_start3A_130 = tpu.memref_slice %arg13[%add3A_128, %dma_start3A_129] : memref<10240x128xf32, #tpu.memory_space<vmem_shared>> -> memref<16x128xf32, #tpu.memory_space<vmem_shared>>
    %dma_start3A_131 = arith.constant 0 : i32
    %dma_start3A_132 = tpu.memref_slice %arg13[%add3A_128, %dma_start3A_131] : memref<10240x128xf32, #tpu.memory_space<vmem_shared>> -> memref<16x128xf32, #tpu.memory_space<vmem_shared>>
    tpu.enqueue_dma source(%arg12 : memref<16x128xf32, #tpu.memory_space<vmem>>) target(%dma_start3A_132 : memref<16x128xf32, #tpu.memory_space<vmem_shared>>) target_semaphore(%arg18 : memref<!tpu.dma_semaphore, #tpu.memory_space<semaphore_mem>>)
    %add3A_133 = arith.constant 224 : i32
    %add3A_134 = arith.addi %mul3A_17, %add3A_133 : i32
    %dma_start3A_135 = arith.constant 0 : i32
    %dma_start3A_136 = tpu.memref_slice %arg13[%add3A_134, %dma_start3A_135] : memref<10240x128xf32, #tpu.memory_space<vmem_shared>> -> memref<16x128xf32, #tpu.memory_space<vmem_shared>>
    %dma_start3A_137 = arith.constant 0 : i32
    %dma_start3A_138 = tpu.memref_slice %arg13[%add3A_134, %dma_start3A_137] : memref<10240x128xf32, #tpu.memory_space<vmem_shared>> -> memref<16x128xf32, #tpu.memory_space<vmem_shared>>
    tpu.enqueue_dma source(%arg12 : memref<16x128xf32, #tpu.memory_space<vmem>>) target(%dma_start3A_138 : memref<16x128xf32, #tpu.memory_space<vmem_shared>>) target_semaphore(%arg18 : memref<!tpu.dma_semaphore, #tpu.memory_space<semaphore_mem>>)
    %add3A_139 = arith.constant 240 : i32
    %add3A_140 = arith.addi %mul3A_17, %add3A_139 : i32
    %dma_start3A_141 = arith.constant 0 : i32
    %dma_start3A_142 = tpu.memref_slice %arg13[%add3A_140, %dma_start3A_141] : memref<10240x128xf32, #tpu.memory_space<vmem_shared>> -> memref<16x128xf32, #tpu.memory_space<vmem_shared>>
    %dma_start3A_143 = arith.constant 0 : i32
    %dma_start3A_144 = tpu.memref_slice %arg13[%add3A_140, %dma_start3A_143] : memref<10240x128xf32, #tpu.memory_space<vmem_shared>> -> memref<16x128xf32, #tpu.memory_space<vmem_shared>>
    tpu.enqueue_dma source(%arg12 : memref<16x128xf32, #tpu.memory_space<vmem>>) target(%dma_start3A_144 : memref<16x128xf32, #tpu.memory_space<vmem_shared>>) target_semaphore(%arg18 : memref<!tpu.dma_semaphore, #tpu.memory_space<semaphore_mem>>)
    %dma_wait3A_145 = arith.constant 0 : i32
    %dma_wait3A_146 = tpu.memref_slice %arg13[%add3A_98, %dma_wait3A_145] : memref<10240x128xf32, #tpu.memory_space<vmem_shared>> -> memref<16x128xf32, #tpu.memory_space<vmem_shared>>
    %dma_wait3A_147 = arith.constant 0 : i32
    %dma_wait3A_148 = tpu.memref_slice %arg13[%add3A_98, %dma_wait3A_147] : memref<10240x128xf32, #tpu.memory_space<vmem_shared>> -> memref<16x128xf32, #tpu.memory_space<vmem_shared>>
    tpu.wait_dma2 semaphore(%arg18 : memref<!tpu.dma_semaphore, #tpu.memory_space<semaphore_mem>>) src(%arg12 : memref<16x128xf32, #tpu.memory_space<vmem>>) dst(%dma_wait3A_148 : memref<16x128xf32, #tpu.memory_space<vmem_shared>>)
    %dma_wait3A_149 = arith.constant 0 : i32
    %dma_wait3A_150 = tpu.memref_slice %arg13[%add3A_104, %dma_wait3A_149] : memref<10240x128xf32, #tpu.memory_space<vmem_shared>> -> memref<16x128xf32, #tpu.memory_space<vmem_shared>>
    %dma_wait3A_151 = arith.constant 0 : i32
    %dma_wait3A_152 = tpu.memref_slice %arg13[%add3A_104, %dma_wait3A_151] : memref<10240x128xf32, #tpu.memory_space<vmem_shared>> -> memref<16x128xf32, #tpu.memory_space<vmem_shared>>
    tpu.wait_dma2 semaphore(%arg18 : memref<!tpu.dma_semaphore, #tpu.memory_space<semaphore_mem>>) src(%arg12 : memref<16x128xf32, #tpu.memory_space<vmem>>) dst(%dma_wait3A_152 : memref<16x128xf32, #tpu.memory_space<vmem_shared>>)
    %dma_wait3A_153 = arith.constant 0 : i32
    %dma_wait3A_154 = tpu.memref_slice %arg13[%add3A_110, %dma_wait3A_153] : memref<10240x128xf32, #tpu.memory_space<vmem_shared>> -> memref<16x128xf32, #tpu.memory_space<vmem_shared>>
    %dma_wait3A_155 = arith.constant 0 : i32
    %dma_wait3A_156 = tpu.memref_slice %arg13[%add3A_110, %dma_wait3A_155] : memref<10240x128xf32, #tpu.memory_space<vmem_shared>> -> memref<16x128xf32, #tpu.memory_space<vmem_shared>>
    tpu.wait_dma2 semaphore(%arg18 : memref<!tpu.dma_semaphore, #tpu.memory_space<semaphore_mem>>) src(%arg12 : memref<16x128xf32, #tpu.memory_space<vmem>>) dst(%dma_wait3A_156 : memref<16x128xf32, #tpu.memory_space<vmem_shared>>)
    %dma_wait3A_157 = arith.constant 0 : i32
    %dma_wait3A_158 = tpu.memref_slice %arg13[%add3A_116, %dma_wait3A_157] : memref<10240x128xf32, #tpu.memory_space<vmem_shared>> -> memref<16x128xf32, #tpu.memory_space<vmem_shared>>
    %dma_wait3A_159 = arith.constant 0 : i32
    %dma_wait3A_160 = tpu.memref_slice %arg13[%add3A_116, %dma_wait3A_159] : memref<10240x128xf32, #tpu.memory_space<vmem_shared>> -> memref<16x128xf32, #tpu.memory_space<vmem_shared>>
    tpu.wait_dma2 semaphore(%arg18 : memref<!tpu.dma_semaphore, #tpu.memory_space<semaphore_mem>>) src(%arg12 : memref<16x128xf32, #tpu.memory_space<vmem>>) dst(%dma_wait3A_160 : memref<16x128xf32, #tpu.memory_space<vmem_shared>>)
    %dma_wait3A_161 = arith.constant 0 : i32
    %dma_wait3A_162 = tpu.memref_slice %arg13[%add3A_122, %dma_wait3A_161] : memref<10240x128xf32, #tpu.memory_space<vmem_shared>> -> memref<16x128xf32, #tpu.memory_space<vmem_shared>>
    %dma_wait3A_163 = arith.constant 0 : i32
    %dma_wait3A_164 = tpu.memref_slice %arg13[%add3A_122, %dma_wait3A_163] : memref<10240x128xf32, #tpu.memory_space<vmem_shared>> -> memref<16x128xf32, #tpu.memory_space<vmem_shared>>
    tpu.wait_dma2 semaphore(%arg18 : memref<!tpu.dma_semaphore, #tpu.memory_space<semaphore_mem>>) src(%arg12 : memref<16x128xf32, #tpu.memory_space<vmem>>) dst(%dma_wait3A_164 : memref<16x128xf32, #tpu.memory_space<vmem_shared>>)
    %dma_wait3A_165 = arith.constant 0 : i32
    %dma_wait3A_166 = tpu.memref_slice %arg13[%add3A_128, %dma_wait3A_165] : memref<10240x128xf32, #tpu.memory_space<vmem_shared>> -> memref<16x128xf32, #tpu.memory_space<vmem_shared>>
    %dma_wait3A_167 = arith.constant 0 : i32
    %dma_wait3A_168 = tpu.memref_slice %arg13[%add3A_128, %dma_wait3A_167] : memref<10240x128xf32, #tpu.memory_space<vmem_shared>> -> memref<16x128xf32, #tpu.memory_space<vmem_shared>>
    tpu.wait_dma2 semaphore(%arg18 : memref<!tpu.dma_semaphore, #tpu.memory_space<semaphore_mem>>) src(%arg12 : memref<16x128xf32, #tpu.memory_space<vmem>>) dst(%dma_wait3A_168 : memref<16x128xf32, #tpu.memory_space<vmem_shared>>)
    %dma_wait3A_169 = arith.constant 0 : i32
    %dma_wait3A_170 = tpu.memref_slice %arg13[%add3A_134, %dma_wait3A_169] : memref<10240x128xf32, #tpu.memory_space<vmem_shared>> -> memref<16x128xf32, #tpu.memory_space<vmem_shared>>
    %dma_wait3A_171 = arith.constant 0 : i32
    %dma_wait3A_172 = tpu.memref_slice %arg13[%add3A_134, %dma_wait3A_171] : memref<10240x128xf32, #tpu.memory_space<vmem_shared>> -> memref<16x128xf32, #tpu.memory_space<vmem_shared>>
    tpu.wait_dma2 semaphore(%arg18 : memref<!tpu.dma_semaphore, #tpu.memory_space<semaphore_mem>>) src(%arg12 : memref<16x128xf32, #tpu.memory_space<vmem>>) dst(%dma_wait3A_172 : memref<16x128xf32, #tpu.memory_space<vmem_shared>>)
    %dma_wait3A_173 = arith.constant 0 : i32
    %dma_wait3A_174 = tpu.memref_slice %arg13[%add3A_140, %dma_wait3A_173] : memref<10240x128xf32, #tpu.memory_space<vmem_shared>> -> memref<16x128xf32, #tpu.memory_space<vmem_shared>>
    %dma_wait3A_175 = arith.constant 0 : i32
    %dma_wait3A_176 = tpu.memref_slice %arg13[%add3A_140, %dma_wait3A_175] : memref<10240x128xf32, #tpu.memory_space<vmem_shared>> -> memref<16x128xf32, #tpu.memory_space<vmem_shared>>
    tpu.wait_dma2 semaphore(%arg18 : memref<!tpu.dma_semaphore, #tpu.memory_space<semaphore_mem>>) src(%arg12 : memref<16x128xf32, #tpu.memory_space<vmem>>) dst(%dma_wait3A_176 : memref<16x128xf32, #tpu.memory_space<vmem_shared>>)
    %add3A_177 = arith.constant 256 : i32
    %add3A_178 = arith.addi %mul3A_17, %add3A_177 : i32
    %dma_start3A_179 = arith.constant 0 : i32
    %dma_start3A_180 = tpu.memref_slice %arg13[%add3A_178, %dma_start3A_179] : memref<10240x128xf32, #tpu.memory_space<vmem_shared>> -> memref<16x128xf32, #tpu.memory_space<vmem_shared>>
    %dma_start3A_181 = arith.constant 0 : i32
    %dma_start3A_182 = tpu.memref_slice %arg13[%add3A_178, %dma_start3A_181] : memref<10240x128xf32, #tpu.memory_space<vmem_shared>> -> memref<16x128xf32, #tpu.memory_space<vmem_shared>>
    tpu.enqueue_dma source(%arg12 : memref<16x128xf32, #tpu.memory_space<vmem>>) target(%dma_start3A_182 : memref<16x128xf32, #tpu.memory_space<vmem_shared>>) target_semaphore(%arg18 : memref<!tpu.dma_semaphore, #tpu.memory_space<semaphore_mem>>)
    %add3A_183 = arith.constant 272 : i32
    %add3A_184 = arith.addi %mul3A_17, %add3A_183 : i32
    %dma_start3A_185 = arith.constant 0 : i32
    %dma_start3A_186 = tpu.memref_slice %arg13[%add3A_184, %dma_start3A_185] : memref<10240x128xf32, #tpu.memory_space<vmem_shared>> -> memref<16x128xf32, #tpu.memory_space<vmem_shared>>
    %dma_start3A_187 = arith.constant 0 : i32
    %dma_start3A_188 = tpu.memref_slice %arg13[%add3A_184, %dma_start3A_187] : memref<10240x128xf32, #tpu.memory_space<vmem_shared>> -> memref<16x128xf32, #tpu.memory_space<vmem_shared>>
    tpu.enqueue_dma source(%arg12 : memref<16x128xf32, #tpu.memory_space<vmem>>) target(%dma_start3A_188 : memref<16x128xf32, #tpu.memory_space<vmem_shared>>) target_semaphore(%arg18 : memref<!tpu.dma_semaphore, #tpu.memory_space<semaphore_mem>>)
    %add3A_189 = arith.constant 288 : i32
    %add3A_190 = arith.addi %mul3A_17, %add3A_189 : i32
    %dma_start3A_191 = arith.constant 0 : i32
    %dma_start3A_192 = tpu.memref_slice %arg13[%add3A_190, %dma_start3A_191] : memref<10240x128xf32, #tpu.memory_space<vmem_shared>> -> memref<16x128xf32, #tpu.memory_space<vmem_shared>>
    %dma_start3A_193 = arith.constant 0 : i32
    %dma_start3A_194 = tpu.memref_slice %arg13[%add3A_190, %dma_start3A_193] : memref<10240x128xf32, #tpu.memory_space<vmem_shared>> -> memref<16x128xf32, #tpu.memory_space<vmem_shared>>
    tpu.enqueue_dma source(%arg12 : memref<16x128xf32, #tpu.memory_space<vmem>>) target(%dma_start3A_194 : memref<16x128xf32, #tpu.memory_space<vmem_shared>>) target_semaphore(%arg18 : memref<!tpu.dma_semaphore, #tpu.memory_space<semaphore_mem>>)
    %add3A_195 = arith.constant 304 : i32
    %add3A_196 = arith.addi %mul3A_17, %add3A_195 : i32
    %dma_start3A_197 = arith.constant 0 : i32
    %dma_start3A_198 = tpu.memref_slice %arg13[%add3A_196, %dma_start3A_197] : memref<10240x128xf32, #tpu.memory_space<vmem_shared>> -> memref<16x128xf32, #tpu.memory_space<vmem_shared>>
    %dma_start3A_199 = arith.constant 0 : i32
    %dma_start3A_200 = tpu.memref_slice %arg13[%add3A_196, %dma_start3A_199] : memref<10240x128xf32, #tpu.memory_space<vmem_shared>> -> memref<16x128xf32, #tpu.memory_space<vmem_shared>>
    tpu.enqueue_dma source(%arg12 : memref<16x128xf32, #tpu.memory_space<vmem>>) target(%dma_start3A_200 : memref<16x128xf32, #tpu.memory_space<vmem_shared>>) target_semaphore(%arg18 : memref<!tpu.dma_semaphore, #tpu.memory_space<semaphore_mem>>)
    %add3A_201 = arith.constant 320 : i32
    %add3A_202 = arith.addi %mul3A_17, %add3A_201 : i32
    %dma_start3A_203 = arith.constant 0 : i32
    %dma_start3A_204 = tpu.memref_slice %arg13[%add3A_202, %dma_start3A_203] : memref<10240x128xf32, #tpu.memory_space<vmem_shared>> -> memref<16x128xf32, #tpu.memory_space<vmem_shared>>
    %dma_start3A_205 = arith.constant 0 : i32
    %dma_start3A_206 = tpu.memref_slice %arg13[%add3A_202, %dma_start3A_205] : memref<10240x128xf32, #tpu.memory_space<vmem_shared>> -> memref<16x128xf32, #tpu.memory_space<vmem_shared>>
    tpu.enqueue_dma source(%arg12 : memref<16x128xf32, #tpu.memory_space<vmem>>) target(%dma_start3A_206 : memref<16x128xf32, #tpu.memory_space<vmem_shared>>) target_semaphore(%arg18 : memref<!tpu.dma_semaphore, #tpu.memory_space<semaphore_mem>>)
    %add3A_207 = arith.constant 336 : i32
    %add3A_208 = arith.addi %mul3A_17, %add3A_207 : i32
    %dma_start3A_209 = arith.constant 0 : i32
    %dma_start3A_210 = tpu.memref_slice %arg13[%add3A_208, %dma_start3A_209] : memref<10240x128xf32, #tpu.memory_space<vmem_shared>> -> memref<16x128xf32, #tpu.memory_space<vmem_shared>>
    %dma_start3A_211 = arith.constant 0 : i32
    %dma_start3A_212 = tpu.memref_slice %arg13[%add3A_208, %dma_start3A_211] : memref<10240x128xf32, #tpu.memory_space<vmem_shared>> -> memref<16x128xf32, #tpu.memory_space<vmem_shared>>
    tpu.enqueue_dma source(%arg12 : memref<16x128xf32, #tpu.memory_space<vmem>>) target(%dma_start3A_212 : memref<16x128xf32, #tpu.memory_space<vmem_shared>>) target_semaphore(%arg18 : memref<!tpu.dma_semaphore, #tpu.memory_space<semaphore_mem>>)
    %add3A_213 = arith.constant 352 : i32
    %add3A_214 = arith.addi %mul3A_17, %add3A_213 : i32
    %dma_start3A_215 = arith.constant 0 : i32
    %dma_start3A_216 = tpu.memref_slice %arg13[%add3A_214, %dma_start3A_215] : memref<10240x128xf32, #tpu.memory_space<vmem_shared>> -> memref<16x128xf32, #tpu.memory_space<vmem_shared>>
    %dma_start3A_217 = arith.constant 0 : i32
    %dma_start3A_218 = tpu.memref_slice %arg13[%add3A_214, %dma_start3A_217] : memref<10240x128xf32, #tpu.memory_space<vmem_shared>> -> memref<16x128xf32, #tpu.memory_space<vmem_shared>>
    tpu.enqueue_dma source(%arg12 : memref<16x128xf32, #tpu.memory_space<vmem>>) target(%dma_start3A_218 : memref<16x128xf32, #tpu.memory_space<vmem_shared>>) target_semaphore(%arg18 : memref<!tpu.dma_semaphore, #tpu.memory_space<semaphore_mem>>)
    %add3A_219 = arith.constant 368 : i32
    %add3A_220 = arith.addi %mul3A_17, %add3A_219 : i32
    %dma_start3A_221 = arith.constant 0 : i32
    %dma_start3A_222 = tpu.memref_slice %arg13[%add3A_220, %dma_start3A_221] : memref<10240x128xf32, #tpu.memory_space<vmem_shared>> -> memref<16x128xf32, #tpu.memory_space<vmem_shared>>
    %dma_start3A_223 = arith.constant 0 : i32
    %dma_start3A_224 = tpu.memref_slice %arg13[%add3A_220, %dma_start3A_223] : memref<10240x128xf32, #tpu.memory_space<vmem_shared>> -> memref<16x128xf32, #tpu.memory_space<vmem_shared>>
    tpu.enqueue_dma source(%arg12 : memref<16x128xf32, #tpu.memory_space<vmem>>) target(%dma_start3A_224 : memref<16x128xf32, #tpu.memory_space<vmem_shared>>) target_semaphore(%arg18 : memref<!tpu.dma_semaphore, #tpu.memory_space<semaphore_mem>>)
    %dma_wait3A_225 = arith.constant 0 : i32
    %dma_wait3A_226 = tpu.memref_slice %arg13[%add3A_178, %dma_wait3A_225] : memref<10240x128xf32, #tpu.memory_space<vmem_shared>> -> memref<16x128xf32, #tpu.memory_space<vmem_shared>>
    %dma_wait3A_227 = arith.constant 0 : i32
    %dma_wait3A_228 = tpu.memref_slice %arg13[%add3A_178, %dma_wait3A_227] : memref<10240x128xf32, #tpu.memory_space<vmem_shared>> -> memref<16x128xf32, #tpu.memory_space<vmem_shared>>
    tpu.wait_dma2 semaphore(%arg18 : memref<!tpu.dma_semaphore, #tpu.memory_space<semaphore_mem>>) src(%arg12 : memref<16x128xf32, #tpu.memory_space<vmem>>) dst(%dma_wait3A_228 : memref<16x128xf32, #tpu.memory_space<vmem_shared>>)
    %dma_wait3A_229 = arith.constant 0 : i32
    %dma_wait3A_230 = tpu.memref_slice %arg13[%add3A_184, %dma_wait3A_229] : memref<10240x128xf32, #tpu.memory_space<vmem_shared>> -> memref<16x128xf32, #tpu.memory_space<vmem_shared>>
    %dma_wait3A_231 = arith.constant 0 : i32
    %dma_wait3A_232 = tpu.memref_slice %arg13[%add3A_184, %dma_wait3A_231] : memref<10240x128xf32, #tpu.memory_space<vmem_shared>> -> memref<16x128xf32, #tpu.memory_space<vmem_shared>>
    tpu.wait_dma2 semaphore(%arg18 : memref<!tpu.dma_semaphore, #tpu.memory_space<semaphore_mem>>) src(%arg12 : memref<16x128xf32, #tpu.memory_space<vmem>>) dst(%dma_wait3A_232 : memref<16x128xf32, #tpu.memory_space<vmem_shared>>)
    %dma_wait3A_233 = arith.constant 0 : i32
    %dma_wait3A_234 = tpu.memref_slice %arg13[%add3A_190, %dma_wait3A_233] : memref<10240x128xf32, #tpu.memory_space<vmem_shared>> -> memref<16x128xf32, #tpu.memory_space<vmem_shared>>
    %dma_wait3A_235 = arith.constant 0 : i32
    %dma_wait3A_236 = tpu.memref_slice %arg13[%add3A_190, %dma_wait3A_235] : memref<10240x128xf32, #tpu.memory_space<vmem_shared>> -> memref<16x128xf32, #tpu.memory_space<vmem_shared>>
    tpu.wait_dma2 semaphore(%arg18 : memref<!tpu.dma_semaphore, #tpu.memory_space<semaphore_mem>>) src(%arg12 : memref<16x128xf32, #tpu.memory_space<vmem>>) dst(%dma_wait3A_236 : memref<16x128xf32, #tpu.memory_space<vmem_shared>>)
    %dma_wait3A_237 = arith.constant 0 : i32
    %dma_wait3A_238 = tpu.memref_slice %arg13[%add3A_196, %dma_wait3A_237] : memref<10240x128xf32, #tpu.memory_space<vmem_shared>> -> memref<16x128xf32, #tpu.memory_space<vmem_shared>>
    %dma_wait3A_239 = arith.constant 0 : i32
    %dma_wait3A_240 = tpu.memref_slice %arg13[%add3A_196, %dma_wait3A_239] : memref<10240x128xf32, #tpu.memory_space<vmem_shared>> -> memref<16x128xf32, #tpu.memory_space<vmem_shared>>
    tpu.wait_dma2 semaphore(%arg18 : memref<!tpu.dma_semaphore, #tpu.memory_space<semaphore_mem>>) src(%arg12 : memref<16x128xf32, #tpu.memory_space<vmem>>) dst(%dma_wait3A_240 : memref<16x128xf32, #tpu.memory_space<vmem_shared>>)
    %dma_wait3A_241 = arith.constant 0 : i32
    %dma_wait3A_242 = tpu.memref_slice %arg13[%add3A_202, %dma_wait3A_241] : memref<10240x128xf32, #tpu.memory_space<vmem_shared>> -> memref<16x128xf32, #tpu.memory_space<vmem_shared>>
    %dma_wait3A_243 = arith.constant 0 : i32
    %dma_wait3A_244 = tpu.memref_slice %arg13[%add3A_202, %dma_wait3A_243] : memref<10240x128xf32, #tpu.memory_space<vmem_shared>> -> memref<16x128xf32, #tpu.memory_space<vmem_shared>>
    tpu.wait_dma2 semaphore(%arg18 : memref<!tpu.dma_semaphore, #tpu.memory_space<semaphore_mem>>) src(%arg12 : memref<16x128xf32, #tpu.memory_space<vmem>>) dst(%dma_wait3A_244 : memref<16x128xf32, #tpu.memory_space<vmem_shared>>)
    %dma_wait3A_245 = arith.constant 0 : i32
    %dma_wait3A_246 = tpu.memref_slice %arg13[%add3A_208, %dma_wait3A_245] : memref<10240x128xf32, #tpu.memory_space<vmem_shared>> -> memref<16x128xf32, #tpu.memory_space<vmem_shared>>
    %dma_wait3A_247 = arith.constant 0 : i32
    %dma_wait3A_248 = tpu.memref_slice %arg13[%add3A_208, %dma_wait3A_247] : memref<10240x128xf32, #tpu.memory_space<vmem_shared>> -> memref<16x128xf32, #tpu.memory_space<vmem_shared>>
    tpu.wait_dma2 semaphore(%arg18 : memref<!tpu.dma_semaphore, #tpu.memory_space<semaphore_mem>>) src(%arg12 : memref<16x128xf32, #tpu.memory_space<vmem>>) dst(%dma_wait3A_248 : memref<16x128xf32, #tpu.memory_space<vmem_shared>>)
    %dma_wait3A_249 = arith.constant 0 : i32
    %dma_wait3A_250 = tpu.memref_slice %arg13[%add3A_214, %dma_wait3A_249] : memref<10240x128xf32, #tpu.memory_space<vmem_shared>> -> memref<16x128xf32, #tpu.memory_space<vmem_shared>>
    %dma_wait3A_251 = arith.constant 0 : i32
    %dma_wait3A_252 = tpu.memref_slice %arg13[%add3A_214, %dma_wait3A_251] : memref<10240x128xf32, #tpu.memory_space<vmem_shared>> -> memref<16x128xf32, #tpu.memory_space<vmem_shared>>
    tpu.wait_dma2 semaphore(%arg18 : memref<!tpu.dma_semaphore, #tpu.memory_space<semaphore_mem>>) src(%arg12 : memref<16x128xf32, #tpu.memory_space<vmem>>) dst(%dma_wait3A_252 : memref<16x128xf32, #tpu.memory_space<vmem_shared>>)
    %dma_wait3A_253 = arith.constant 0 : i32
    %dma_wait3A_254 = tpu.memref_slice %arg13[%add3A_220, %dma_wait3A_253] : memref<10240x128xf32, #tpu.memory_space<vmem_shared>> -> memref<16x128xf32, #tpu.memory_space<vmem_shared>>
    %dma_wait3A_255 = arith.constant 0 : i32
    %dma_wait3A_256 = tpu.memref_slice %arg13[%add3A_220, %dma_wait3A_255] : memref<10240x128xf32, #tpu.memory_space<vmem_shared>> -> memref<16x128xf32, #tpu.memory_space<vmem_shared>>
    tpu.wait_dma2 semaphore(%arg18 : memref<!tpu.dma_semaphore, #tpu.memory_space<semaphore_mem>>) src(%arg12 : memref<16x128xf32, #tpu.memory_space<vmem>>) dst(%dma_wait3A_256 : memref<16x128xf32, #tpu.memory_space<vmem_shared>>)
    %add3A_257 = arith.constant 384 : i32
    %add3A_258 = arith.addi %mul3A_17, %add3A_257 : i32
    %dma_start3A_259 = arith.constant 0 : i32
    %dma_start3A_260 = tpu.memref_slice %arg13[%add3A_258, %dma_start3A_259] : memref<10240x128xf32, #tpu.memory_space<vmem_shared>> -> memref<16x128xf32, #tpu.memory_space<vmem_shared>>
    %dma_start3A_261 = arith.constant 0 : i32
    %dma_start3A_262 = tpu.memref_slice %arg13[%add3A_258, %dma_start3A_261] : memref<10240x128xf32, #tpu.memory_space<vmem_shared>> -> memref<16x128xf32, #tpu.memory_space<vmem_shared>>
    tpu.enqueue_dma source(%arg12 : memref<16x128xf32, #tpu.memory_space<vmem>>) target(%dma_start3A_262 : memref<16x128xf32, #tpu.memory_space<vmem_shared>>) target_semaphore(%arg18 : memref<!tpu.dma_semaphore, #tpu.memory_space<semaphore_mem>>)
    %add3A_263 = arith.constant 400 : i32
    %add3A_264 = arith.addi %mul3A_17, %add3A_263 : i32
    %dma_start3A_265 = arith.constant 0 : i32
    %dma_start3A_266 = tpu.memref_slice %arg13[%add3A_264, %dma_start3A_265] : memref<10240x128xf32, #tpu.memory_space<vmem_shared>> -> memref<16x128xf32, #tpu.memory_space<vmem_shared>>
    %dma_start3A_267 = arith.constant 0 : i32
    %dma_start3A_268 = tpu.memref_slice %arg13[%add3A_264, %dma_start3A_267] : memref<10240x128xf32, #tpu.memory_space<vmem_shared>> -> memref<16x128xf32, #tpu.memory_space<vmem_shared>>
    tpu.enqueue_dma source(%arg12 : memref<16x128xf32, #tpu.memory_space<vmem>>) target(%dma_start3A_268 : memref<16x128xf32, #tpu.memory_space<vmem_shared>>) target_semaphore(%arg18 : memref<!tpu.dma_semaphore, #tpu.memory_space<semaphore_mem>>)
    %add3A_269 = arith.constant 416 : i32
    %add3A_270 = arith.addi %mul3A_17, %add3A_269 : i32
    %dma_start3A_271 = arith.constant 0 : i32
    %dma_start3A_272 = tpu.memref_slice %arg13[%add3A_270, %dma_start3A_271] : memref<10240x128xf32, #tpu.memory_space<vmem_shared>> -> memref<16x128xf32, #tpu.memory_space<vmem_shared>>
    %dma_start3A_273 = arith.constant 0 : i32
    %dma_start3A_274 = tpu.memref_slice %arg13[%add3A_270, %dma_start3A_273] : memref<10240x128xf32, #tpu.memory_space<vmem_shared>> -> memref<16x128xf32, #tpu.memory_space<vmem_shared>>
    tpu.enqueue_dma source(%arg12 : memref<16x128xf32, #tpu.memory_space<vmem>>) target(%dma_start3A_274 : memref<16x128xf32, #tpu.memory_space<vmem_shared>>) target_semaphore(%arg18 : memref<!tpu.dma_semaphore, #tpu.memory_space<semaphore_mem>>)
    %add3A_275 = arith.constant 432 : i32
    %add3A_276 = arith.addi %mul3A_17, %add3A_275 : i32
    %dma_start3A_277 = arith.constant 0 : i32
    %dma_start3A_278 = tpu.memref_slice %arg13[%add3A_276, %dma_start3A_277] : memref<10240x128xf32, #tpu.memory_space<vmem_shared>> -> memref<16x128xf32, #tpu.memory_space<vmem_shared>>
    %dma_start3A_279 = arith.constant 0 : i32
    %dma_start3A_280 = tpu.memref_slice %arg13[%add3A_276, %dma_start3A_279] : memref<10240x128xf32, #tpu.memory_space<vmem_shared>> -> memref<16x128xf32, #tpu.memory_space<vmem_shared>>
    tpu.enqueue_dma source(%arg12 : memref<16x128xf32, #tpu.memory_space<vmem>>) target(%dma_start3A_280 : memref<16x128xf32, #tpu.memory_space<vmem_shared>>) target_semaphore(%arg18 : memref<!tpu.dma_semaphore, #tpu.memory_space<semaphore_mem>>)
    %add3A_281 = arith.constant 448 : i32
    %add3A_282 = arith.addi %mul3A_17, %add3A_281 : i32
    %dma_start3A_283 = arith.constant 0 : i32
    %dma_start3A_284 = tpu.memref_slice %arg13[%add3A_282, %dma_start3A_283] : memref<10240x128xf32, #tpu.memory_space<vmem_shared>> -> memref<16x128xf32, #tpu.memory_space<vmem_shared>>
    %dma_start3A_285 = arith.constant 0 : i32
    %dma_start3A_286 = tpu.memref_slice %arg13[%add3A_282, %dma_start3A_285] : memref<10240x128xf32, #tpu.memory_space<vmem_shared>> -> memref<16x128xf32, #tpu.memory_space<vmem_shared>>
    tpu.enqueue_dma source(%arg12 : memref<16x128xf32, #tpu.memory_space<vmem>>) target(%dma_start3A_286 : memref<16x128xf32, #tpu.memory_space<vmem_shared>>) target_semaphore(%arg18 : memref<!tpu.dma_semaphore, #tpu.memory_space<semaphore_mem>>)
    %add3A_287 = arith.constant 464 : i32
    %add3A_288 = arith.addi %mul3A_17, %add3A_287 : i32
    %dma_start3A_289 = arith.constant 0 : i32
    %dma_start3A_290 = tpu.memref_slice %arg13[%add3A_288, %dma_start3A_289] : memref<10240x128xf32, #tpu.memory_space<vmem_shared>> -> memref<16x128xf32, #tpu.memory_space<vmem_shared>>
    %dma_start3A_291 = arith.constant 0 : i32
    %dma_start3A_292 = tpu.memref_slice %arg13[%add3A_288, %dma_start3A_291] : memref<10240x128xf32, #tpu.memory_space<vmem_shared>> -> memref<16x128xf32, #tpu.memory_space<vmem_shared>>
    tpu.enqueue_dma source(%arg12 : memref<16x128xf32, #tpu.memory_space<vmem>>) target(%dma_start3A_292 : memref<16x128xf32, #tpu.memory_space<vmem_shared>>) target_semaphore(%arg18 : memref<!tpu.dma_semaphore, #tpu.memory_space<semaphore_mem>>)
    %add3A_293 = arith.constant 480 : i32
    %add3A_294 = arith.addi %mul3A_17, %add3A_293 : i32
    %dma_start3A_295 = arith.constant 0 : i32
    %dma_start3A_296 = tpu.memref_slice %arg13[%add3A_294, %dma_start3A_295] : memref<10240x128xf32, #tpu.memory_space<vmem_shared>> -> memref<16x128xf32, #tpu.memory_space<vmem_shared>>
    %dma_start3A_297 = arith.constant 0 : i32
    %dma_start3A_298 = tpu.memref_slice %arg13[%add3A_294, %dma_start3A_297] : memref<10240x128xf32, #tpu.memory_space<vmem_shared>> -> memref<16x128xf32, #tpu.memory_space<vmem_shared>>
    tpu.enqueue_dma source(%arg12 : memref<16x128xf32, #tpu.memory_space<vmem>>) target(%dma_start3A_298 : memref<16x128xf32, #tpu.memory_space<vmem_shared>>) target_semaphore(%arg18 : memref<!tpu.dma_semaphore, #tpu.memory_space<semaphore_mem>>)
    %add3A_299 = arith.constant 496 : i32
    %add3A_300 = arith.addi %mul3A_17, %add3A_299 : i32
    %dma_start3A_301 = arith.constant 0 : i32
    %dma_start3A_302 = tpu.memref_slice %arg13[%add3A_300, %dma_start3A_301] : memref<10240x128xf32, #tpu.memory_space<vmem_shared>> -> memref<16x128xf32, #tpu.memory_space<vmem_shared>>
    %dma_start3A_303 = arith.constant 0 : i32
    %dma_start3A_304 = tpu.memref_slice %arg13[%add3A_300, %dma_start3A_303] : memref<10240x128xf32, #tpu.memory_space<vmem_shared>> -> memref<16x128xf32, #tpu.memory_space<vmem_shared>>
    tpu.enqueue_dma source(%arg12 : memref<16x128xf32, #tpu.memory_space<vmem>>) target(%dma_start3A_304 : memref<16x128xf32, #tpu.memory_space<vmem_shared>>) target_semaphore(%arg18 : memref<!tpu.dma_semaphore, #tpu.memory_space<semaphore_mem>>)
    %dma_wait3A_305 = arith.constant 0 : i32
    %dma_wait3A_306 = tpu.memref_slice %arg13[%add3A_258, %dma_wait3A_305] : memref<10240x128xf32, #tpu.memory_space<vmem_shared>> -> memref<16x128xf32, #tpu.memory_space<vmem_shared>>
    %dma_wait3A_307 = arith.constant 0 : i32
    %dma_wait3A_308 = tpu.memref_slice %arg13[%add3A_258, %dma_wait3A_307] : memref<10240x128xf32, #tpu.memory_space<vmem_shared>> -> memref<16x128xf32, #tpu.memory_space<vmem_shared>>
    tpu.wait_dma2 semaphore(%arg18 : memref<!tpu.dma_semaphore, #tpu.memory_space<semaphore_mem>>) src(%arg12 : memref<16x128xf32, #tpu.memory_space<vmem>>) dst(%dma_wait3A_308 : memref<16x128xf32, #tpu.memory_space<vmem_shared>>)
    %dma_wait3A_309 = arith.constant 0 : i32
    %dma_wait3A_310 = tpu.memref_slice %arg13[%add3A_264, %dma_wait3A_309] : memref<10240x128xf32, #tpu.memory_space<vmem_shared>> -> memref<16x128xf32, #tpu.memory_space<vmem_shared>>
    %dma_wait3A_311 = arith.constant 0 : i32
    %dma_wait3A_312 = tpu.memref_slice %arg13[%add3A_264, %dma_wait3A_311] : memref<10240x128xf32, #tpu.memory_space<vmem_shared>> -> memref<16x128xf32, #tpu.memory_space<vmem_shared>>
    tpu.wait_dma2 semaphore(%arg18 : memref<!tpu.dma_semaphore, #tpu.memory_space<semaphore_mem>>) src(%arg12 : memref<16x128xf32, #tpu.memory_space<vmem>>) dst(%dma_wait3A_312 : memref<16x128xf32, #tpu.memory_space<vmem_shared>>)
    %dma_wait3A_313 = arith.constant 0 : i32
    %dma_wait3A_314 = tpu.memref_slice %arg13[%add3A_270, %dma_wait3A_313] : memref<10240x128xf32, #tpu.memory_space<vmem_shared>> -> memref<16x128xf32, #tpu.memory_space<vmem_shared>>
    %dma_wait3A_315 = arith.constant 0 : i32
    %dma_wait3A_316 = tpu.memref_slice %arg13[%add3A_270, %dma_wait3A_315] : memref<10240x128xf32, #tpu.memory_space<vmem_shared>> -> memref<16x128xf32, #tpu.memory_space<vmem_shared>>
    tpu.wait_dma2 semaphore(%arg18 : memref<!tpu.dma_semaphore, #tpu.memory_space<semaphore_mem>>) src(%arg12 : memref<16x128xf32, #tpu.memory_space<vmem>>) dst(%dma_wait3A_316 : memref<16x128xf32, #tpu.memory_space<vmem_shared>>)
    %dma_wait3A_317 = arith.constant 0 : i32
    %dma_wait3A_318 = tpu.memref_slice %arg13[%add3A_276, %dma_wait3A_317] : memref<10240x128xf32, #tpu.memory_space<vmem_shared>> -> memref<16x128xf32, #tpu.memory_space<vmem_shared>>
    %dma_wait3A_319 = arith.constant 0 : i32
    %dma_wait3A_320 = tpu.memref_slice %arg13[%add3A_276, %dma_wait3A_319] : memref<10240x128xf32, #tpu.memory_space<vmem_shared>> -> memref<16x128xf32, #tpu.memory_space<vmem_shared>>
    tpu.wait_dma2 semaphore(%arg18 : memref<!tpu.dma_semaphore, #tpu.memory_space<semaphore_mem>>) src(%arg12 : memref<16x128xf32, #tpu.memory_space<vmem>>) dst(%dma_wait3A_320 : memref<16x128xf32, #tpu.memory_space<vmem_shared>>)
    %dma_wait3A_321 = arith.constant 0 : i32
    %dma_wait3A_322 = tpu.memref_slice %arg13[%add3A_282, %dma_wait3A_321] : memref<10240x128xf32, #tpu.memory_space<vmem_shared>> -> memref<16x128xf32, #tpu.memory_space<vmem_shared>>
    %dma_wait3A_323 = arith.constant 0 : i32
    %dma_wait3A_324 = tpu.memref_slice %arg13[%add3A_282, %dma_wait3A_323] : memref<10240x128xf32, #tpu.memory_space<vmem_shared>> -> memref<16x128xf32, #tpu.memory_space<vmem_shared>>
    tpu.wait_dma2 semaphore(%arg18 : memref<!tpu.dma_semaphore, #tpu.memory_space<semaphore_mem>>) src(%arg12 : memref<16x128xf32, #tpu.memory_space<vmem>>) dst(%dma_wait3A_324 : memref<16x128xf32, #tpu.memory_space<vmem_shared>>)
    %dma_wait3A_325 = arith.constant 0 : i32
    %dma_wait3A_326 = tpu.memref_slice %arg13[%add3A_288, %dma_wait3A_325] : memref<10240x128xf32, #tpu.memory_space<vmem_shared>> -> memref<16x128xf32, #tpu.memory_space<vmem_shared>>
    %dma_wait3A_327 = arith.constant 0 : i32
    %dma_wait3A_328 = tpu.memref_slice %arg13[%add3A_288, %dma_wait3A_327] : memref<10240x128xf32, #tpu.memory_space<vmem_shared>> -> memref<16x128xf32, #tpu.memory_space<vmem_shared>>
    tpu.wait_dma2 semaphore(%arg18 : memref<!tpu.dma_semaphore, #tpu.memory_space<semaphore_mem>>) src(%arg12 : memref<16x128xf32, #tpu.memory_space<vmem>>) dst(%dma_wait3A_328 : memref<16x128xf32, #tpu.memory_space<vmem_shared>>)
    %dma_wait3A_329 = arith.constant 0 : i32
    %dma_wait3A_330 = tpu.memref_slice %arg13[%add3A_294, %dma_wait3A_329] : memref<10240x128xf32, #tpu.memory_space<vmem_shared>> -> memref<16x128xf32, #tpu.memory_space<vmem_shared>>
    %dma_wait3A_331 = arith.constant 0 : i32
    %dma_wait3A_332 = tpu.memref_slice %arg13[%add3A_294, %dma_wait3A_331] : memref<10240x128xf32, #tpu.memory_space<vmem_shared>> -> memref<16x128xf32, #tpu.memory_space<vmem_shared>>
    tpu.wait_dma2 semaphore(%arg18 : memref<!tpu.dma_semaphore, #tpu.memory_space<semaphore_mem>>) src(%arg12 : memref<16x128xf32, #tpu.memory_space<vmem>>) dst(%dma_wait3A_332 : memref<16x128xf32, #tpu.memory_space<vmem_shared>>)
    %dma_wait3A_333 = arith.constant 0 : i32
    %dma_wait3A_334 = tpu.memref_slice %arg13[%add3A_300, %dma_wait3A_333] : memref<10240x128xf32, #tpu.memory_space<vmem_shared>> -> memref<16x128xf32, #tpu.memory_space<vmem_shared>>
    %dma_wait3A_335 = arith.constant 0 : i32
    %dma_wait3A_336 = tpu.memref_slice %arg13[%add3A_300, %dma_wait3A_335] : memref<10240x128xf32, #tpu.memory_space<vmem_shared>> -> memref<16x128xf32, #tpu.memory_space<vmem_shared>>
    tpu.wait_dma2 semaphore(%arg18 : memref<!tpu.dma_semaphore, #tpu.memory_space<semaphore_mem>>) src(%arg12 : memref<16x128xf32, #tpu.memory_space<vmem>>) dst(%dma_wait3A_336 : memref<16x128xf32, #tpu.memory_space<vmem_shared>>)
    %add3A_337 = arith.constant 512 : i32
    %add3A_338 = arith.addi %mul3A_17, %add3A_337 : i32
    %dma_start3A_339 = arith.constant 0 : i32
    %dma_start3A_340 = tpu.memref_slice %arg13[%add3A_338, %dma_start3A_339] : memref<10240x128xf32, #tpu.memory_space<vmem_shared>> -> memref<16x128xf32, #tpu.memory_space<vmem_shared>>
    %dma_start3A_341 = arith.constant 0 : i32
    %dma_start3A_342 = tpu.memref_slice %arg13[%add3A_338, %dma_start3A_341] : memref<10240x128xf32, #tpu.memory_space<vmem_shared>> -> memref<16x128xf32, #tpu.memory_space<vmem_shared>>
    tpu.enqueue_dma source(%arg12 : memref<16x128xf32, #tpu.memory_space<vmem>>) target(%dma_start3A_342 : memref<16x128xf32, #tpu.memory_space<vmem_shared>>) target_semaphore(%arg18 : memref<!tpu.dma_semaphore, #tpu.memory_space<semaphore_mem>>)
    %add3A_343 = arith.constant 528 : i32
    %add3A_344 = arith.addi %mul3A_17, %add3A_343 : i32
    %dma_start3A_345 = arith.constant 0 : i32
    %dma_start3A_346 = tpu.memref_slice %arg13[%add3A_344, %dma_start3A_345] : memref<10240x128xf32, #tpu.memory_space<vmem_shared>> -> memref<16x128xf32, #tpu.memory_space<vmem_shared>>
    %dma_start3A_347 = arith.constant 0 : i32
    %dma_start3A_348 = tpu.memref_slice %arg13[%add3A_344, %dma_start3A_347] : memref<10240x128xf32, #tpu.memory_space<vmem_shared>> -> memref<16x128xf32, #tpu.memory_space<vmem_shared>>
    tpu.enqueue_dma source(%arg12 : memref<16x128xf32, #tpu.memory_space<vmem>>) target(%dma_start3A_348 : memref<16x128xf32, #tpu.memory_space<vmem_shared>>) target_semaphore(%arg18 : memref<!tpu.dma_semaphore, #tpu.memory_space<semaphore_mem>>)
    %add3A_349 = arith.constant 544 : i32
    %add3A_350 = arith.addi %mul3A_17, %add3A_349 : i32
    %dma_start3A_351 = arith.constant 0 : i32
    %dma_start3A_352 = tpu.memref_slice %arg13[%add3A_350, %dma_start3A_351] : memref<10240x128xf32, #tpu.memory_space<vmem_shared>> -> memref<16x128xf32, #tpu.memory_space<vmem_shared>>
    %dma_start3A_353 = arith.constant 0 : i32
    %dma_start3A_354 = tpu.memref_slice %arg13[%add3A_350, %dma_start3A_353] : memref<10240x128xf32, #tpu.memory_space<vmem_shared>> -> memref<16x128xf32, #tpu.memory_space<vmem_shared>>
    tpu.enqueue_dma source(%arg12 : memref<16x128xf32, #tpu.memory_space<vmem>>) target(%dma_start3A_354 : memref<16x128xf32, #tpu.memory_space<vmem_shared>>) target_semaphore(%arg18 : memref<!tpu.dma_semaphore, #tpu.memory_space<semaphore_mem>>)
    %add3A_355 = arith.constant 560 : i32
    %add3A_356 = arith.addi %mul3A_17, %add3A_355 : i32
    %dma_start3A_357 = arith.constant 0 : i32
    %dma_start3A_358 = tpu.memref_slice %arg13[%add3A_356, %dma_start3A_357] : memref<10240x128xf32, #tpu.memory_space<vmem_shared>> -> memref<16x128xf32, #tpu.memory_space<vmem_shared>>
    %dma_start3A_359 = arith.constant 0 : i32
    %dma_start3A_360 = tpu.memref_slice %arg13[%add3A_356, %dma_start3A_359] : memref<10240x128xf32, #tpu.memory_space<vmem_shared>> -> memref<16x128xf32, #tpu.memory_space<vmem_shared>>
    tpu.enqueue_dma source(%arg12 : memref<16x128xf32, #tpu.memory_space<vmem>>) target(%dma_start3A_360 : memref<16x128xf32, #tpu.memory_space<vmem_shared>>) target_semaphore(%arg18 : memref<!tpu.dma_semaphore, #tpu.memory_space<semaphore_mem>>)
    %add3A_361 = arith.constant 576 : i32
    %add3A_362 = arith.addi %mul3A_17, %add3A_361 : i32
    %dma_start3A_363 = arith.constant 0 : i32
    %dma_start3A_364 = tpu.memref_slice %arg13[%add3A_362, %dma_start3A_363] : memref<10240x128xf32, #tpu.memory_space<vmem_shared>> -> memref<16x128xf32, #tpu.memory_space<vmem_shared>>
    %dma_start3A_365 = arith.constant 0 : i32
    %dma_start3A_366 = tpu.memref_slice %arg13[%add3A_362, %dma_start3A_365] : memref<10240x128xf32, #tpu.memory_space<vmem_shared>> -> memref<16x128xf32, #tpu.memory_space<vmem_shared>>
    tpu.enqueue_dma source(%arg12 : memref<16x128xf32, #tpu.memory_space<vmem>>) target(%dma_start3A_366 : memref<16x128xf32, #tpu.memory_space<vmem_shared>>) target_semaphore(%arg18 : memref<!tpu.dma_semaphore, #tpu.memory_space<semaphore_mem>>)
    %add3A_367 = arith.constant 592 : i32
    %add3A_368 = arith.addi %mul3A_17, %add3A_367 : i32
    %dma_start3A_369 = arith.constant 0 : i32
    %dma_start3A_370 = tpu.memref_slice %arg13[%add3A_368, %dma_start3A_369] : memref<10240x128xf32, #tpu.memory_space<vmem_shared>> -> memref<16x128xf32, #tpu.memory_space<vmem_shared>>
    %dma_start3A_371 = arith.constant 0 : i32
    %dma_start3A_372 = tpu.memref_slice %arg13[%add3A_368, %dma_start3A_371] : memref<10240x128xf32, #tpu.memory_space<vmem_shared>> -> memref<16x128xf32, #tpu.memory_space<vmem_shared>>
    tpu.enqueue_dma source(%arg12 : memref<16x128xf32, #tpu.memory_space<vmem>>) target(%dma_start3A_372 : memref<16x128xf32, #tpu.memory_space<vmem_shared>>) target_semaphore(%arg18 : memref<!tpu.dma_semaphore, #tpu.memory_space<semaphore_mem>>)
    %add3A_373 = arith.constant 608 : i32
    %add3A_374 = arith.addi %mul3A_17, %add3A_373 : i32
    %dma_start3A_375 = arith.constant 0 : i32
    %dma_start3A_376 = tpu.memref_slice %arg13[%add3A_374, %dma_start3A_375] : memref<10240x128xf32, #tpu.memory_space<vmem_shared>> -> memref<16x128xf32, #tpu.memory_space<vmem_shared>>
    %dma_start3A_377 = arith.constant 0 : i32
    %dma_start3A_378 = tpu.memref_slice %arg13[%add3A_374, %dma_start3A_377] : memref<10240x128xf32, #tpu.memory_space<vmem_shared>> -> memref<16x128xf32, #tpu.memory_space<vmem_shared>>
    tpu.enqueue_dma source(%arg12 : memref<16x128xf32, #tpu.memory_space<vmem>>) target(%dma_start3A_378 : memref<16x128xf32, #tpu.memory_space<vmem_shared>>) target_semaphore(%arg18 : memref<!tpu.dma_semaphore, #tpu.memory_space<semaphore_mem>>)
    %add3A_379 = arith.constant 624 : i32
    %add3A_380 = arith.addi %mul3A_17, %add3A_379 : i32
    %dma_start3A_381 = arith.constant 0 : i32
    %dma_start3A_382 = tpu.memref_slice %arg13[%add3A_380, %dma_start3A_381] : memref<10240x128xf32, #tpu.memory_space<vmem_shared>> -> memref<16x128xf32, #tpu.memory_space<vmem_shared>>
    %dma_start3A_383 = arith.constant 0 : i32
    %dma_start3A_384 = tpu.memref_slice %arg13[%add3A_380, %dma_start3A_383] : memref<10240x128xf32, #tpu.memory_space<vmem_shared>> -> memref<16x128xf32, #tpu.memory_space<vmem_shared>>
    tpu.enqueue_dma source(%arg12 : memref<16x128xf32, #tpu.memory_space<vmem>>) target(%dma_start3A_384 : memref<16x128xf32, #tpu.memory_space<vmem_shared>>) target_semaphore(%arg18 : memref<!tpu.dma_semaphore, #tpu.memory_space<semaphore_mem>>)
    %dma_wait3A_385 = arith.constant 0 : i32
    %dma_wait3A_386 = tpu.memref_slice %arg13[%add3A_338, %dma_wait3A_385] : memref<10240x128xf32, #tpu.memory_space<vmem_shared>> -> memref<16x128xf32, #tpu.memory_space<vmem_shared>>
    %dma_wait3A_387 = arith.constant 0 : i32
    %dma_wait3A_388 = tpu.memref_slice %arg13[%add3A_338, %dma_wait3A_387] : memref<10240x128xf32, #tpu.memory_space<vmem_shared>> -> memref<16x128xf32, #tpu.memory_space<vmem_shared>>
    tpu.wait_dma2 semaphore(%arg18 : memref<!tpu.dma_semaphore, #tpu.memory_space<semaphore_mem>>) src(%arg12 : memref<16x128xf32, #tpu.memory_space<vmem>>) dst(%dma_wait3A_388 : memref<16x128xf32, #tpu.memory_space<vmem_shared>>)
    %dma_wait3A_389 = arith.constant 0 : i32
    %dma_wait3A_390 = tpu.memref_slice %arg13[%add3A_344, %dma_wait3A_389] : memref<10240x128xf32, #tpu.memory_space<vmem_shared>> -> memref<16x128xf32, #tpu.memory_space<vmem_shared>>
    %dma_wait3A_391 = arith.constant 0 : i32
    %dma_wait3A_392 = tpu.memref_slice %arg13[%add3A_344, %dma_wait3A_391] : memref<10240x128xf32, #tpu.memory_space<vmem_shared>> -> memref<16x128xf32, #tpu.memory_space<vmem_shared>>
    tpu.wait_dma2 semaphore(%arg18 : memref<!tpu.dma_semaphore, #tpu.memory_space<semaphore_mem>>) src(%arg12 : memref<16x128xf32, #tpu.memory_space<vmem>>) dst(%dma_wait3A_392 : memref<16x128xf32, #tpu.memory_space<vmem_shared>>)
    %dma_wait3A_393 = arith.constant 0 : i32
    %dma_wait3A_394 = tpu.memref_slice %arg13[%add3A_350, %dma_wait3A_393] : memref<10240x128xf32, #tpu.memory_space<vmem_shared>> -> memref<16x128xf32, #tpu.memory_space<vmem_shared>>
    %dma_wait3A_395 = arith.constant 0 : i32
    %dma_wait3A_396 = tpu.memref_slice %arg13[%add3A_350, %dma_wait3A_395] : memref<10240x128xf32, #tpu.memory_space<vmem_shared>> -> memref<16x128xf32, #tpu.memory_space<vmem_shared>>
    tpu.wait_dma2 semaphore(%arg18 : memref<!tpu.dma_semaphore, #tpu.memory_space<semaphore_mem>>) src(%arg12 : memref<16x128xf32, #tpu.memory_space<vmem>>) dst(%dma_wait3A_396 : memref<16x128xf32, #tpu.memory_space<vmem_shared>>)
    %dma_wait3A_397 = arith.constant 0 : i32
    %dma_wait3A_398 = tpu.memref_slice %arg13[%add3A_356, %dma_wait3A_397] : memref<10240x128xf32, #tpu.memory_space<vmem_shared>> -> memref<16x128xf32, #tpu.memory_space<vmem_shared>>
    %dma_wait3A_399 = arith.constant 0 : i32
    %dma_wait3A_400 = tpu.memref_slice %arg13[%add3A_356, %dma_wait3A_399] : memref<10240x128xf32, #tpu.memory_space<vmem_shared>> -> memref<16x128xf32, #tpu.memory_space<vmem_shared>>
    tpu.wait_dma2 semaphore(%arg18 : memref<!tpu.dma_semaphore, #tpu.memory_space<semaphore_mem>>) src(%arg12 : memref<16x128xf32, #tpu.memory_space<vmem>>) dst(%dma_wait3A_400 : memref<16x128xf32, #tpu.memory_space<vmem_shared>>)
    %dma_wait3A_401 = arith.constant 0 : i32
    %dma_wait3A_402 = tpu.memref_slice %arg13[%add3A_362, %dma_wait3A_401] : memref<10240x128xf32, #tpu.memory_space<vmem_shared>> -> memref<16x128xf32, #tpu.memory_space<vmem_shared>>
    %dma_wait3A_403 = arith.constant 0 : i32
    %dma_wait3A_404 = tpu.memref_slice %arg13[%add3A_362, %dma_wait3A_403] : memref<10240x128xf32, #tpu.memory_space<vmem_shared>> -> memref<16x128xf32, #tpu.memory_space<vmem_shared>>
    tpu.wait_dma2 semaphore(%arg18 : memref<!tpu.dma_semaphore, #tpu.memory_space<semaphore_mem>>) src(%arg12 : memref<16x128xf32, #tpu.memory_space<vmem>>) dst(%dma_wait3A_404 : memref<16x128xf32, #tpu.memory_space<vmem_shared>>)
    %dma_wait3A_405 = arith.constant 0 : i32
    %dma_wait3A_406 = tpu.memref_slice %arg13[%add3A_368, %dma_wait3A_405] : memref<10240x128xf32, #tpu.memory_space<vmem_shared>> -> memref<16x128xf32, #tpu.memory_space<vmem_shared>>
    %dma_wait3A_407 = arith.constant 0 : i32
    %dma_wait3A_408 = tpu.memref_slice %arg13[%add3A_368, %dma_wait3A_407] : memref<10240x128xf32, #tpu.memory_space<vmem_shared>> -> memref<16x128xf32, #tpu.memory_space<vmem_shared>>
    tpu.wait_dma2 semaphore(%arg18 : memref<!tpu.dma_semaphore, #tpu.memory_space<semaphore_mem>>) src(%arg12 : memref<16x128xf32, #tpu.memory_space<vmem>>) dst(%dma_wait3A_408 : memref<16x128xf32, #tpu.memory_space<vmem_shared>>)
    %dma_wait3A_409 = arith.constant 0 : i32
    %dma_wait3A_410 = tpu.memref_slice %arg13[%add3A_374, %dma_wait3A_409] : memref<10240x128xf32, #tpu.memory_space<vmem_shared>> -> memref<16x128xf32, #tpu.memory_space<vmem_shared>>
    %dma_wait3A_411 = arith.constant 0 : i32
    %dma_wait3A_412 = tpu.memref_slice %arg13[%add3A_374, %dma_wait3A_411] : memref<10240x128xf32, #tpu.memory_space<vmem_shared>> -> memref<16x128xf32, #tpu.memory_space<vmem_shared>>
    tpu.wait_dma2 semaphore(%arg18 : memref<!tpu.dma_semaphore, #tpu.memory_space<semaphore_mem>>) src(%arg12 : memref<16x128xf32, #tpu.memory_space<vmem>>) dst(%dma_wait3A_412 : memref<16x128xf32, #tpu.memory_space<vmem_shared>>)
    %dma_wait3A_413 = arith.constant 0 : i32
    %dma_wait3A_414 = tpu.memref_slice %arg13[%add3A_380, %dma_wait3A_413] : memref<10240x128xf32, #tpu.memory_space<vmem_shared>> -> memref<16x128xf32, #tpu.memory_space<vmem_shared>>
    %dma_wait3A_415 = arith.constant 0 : i32
    %dma_wait3A_416 = tpu.memref_slice %arg13[%add3A_380, %dma_wait3A_415] : memref<10240x128xf32, #tpu.memory_space<vmem_shared>> -> memref<16x128xf32, #tpu.memory_space<vmem_shared>>
    tpu.wait_dma2 semaphore(%arg18 : memref<!tpu.dma_semaphore, #tpu.memory_space<semaphore_mem>>) src(%arg12 : memref<16x128xf32, #tpu.memory_space<vmem>>) dst(%dma_wait3A_416 : memref<16x128xf32, #tpu.memory_space<vmem_shared>>)
    %dma_wait3A_417 = arith.constant 0 : i32
    %dma_wait3A_418 = arith.constant 0 : i32
    %dma_wait3A_419 = tpu.memref_slice %arg3[%add3A, %dma_wait3A_417, %dma_wait3A_418] : memref<32x81x64xi32, #tpu.memory_space<hbm>> -> memref<1x81x64xi32, #tpu.memory_space<hbm>>
    %dma_wait3A_420 = tpu.memref_squeeze %dma_wait3A_419 : memref<1x81x64xi32, #tpu.memory_space<hbm>> -> memref<81x64xi32, #tpu.memory_space<hbm>>
    %dma_wait3A_421 = arith.constant 0 : i32
    %dma_wait3A_422 = arith.constant 0 : i32
    %dma_wait3A_423 = tpu.memref_slice %arg3[%add3A, %dma_wait3A_421, %dma_wait3A_422] : memref<32x81x64xi32, #tpu.memory_space<hbm>> -> memref<1x81x64xi32, #tpu.memory_space<hbm>>
    %dma_wait3A_424 = tpu.memref_squeeze %dma_wait3A_423 : memref<1x81x64xi32, #tpu.memory_space<hbm>> -> memref<81x64xi32, #tpu.memory_space<hbm>>
    tpu.wait_dma2 semaphore(%arg14 : memref<!tpu.dma_semaphore, #tpu.memory_space<semaphore_mem>>) src(%dma_wait3A_424 : memref<81x64xi32, #tpu.memory_space<hbm>>) dst(%arg7 : memref<81x64xi32, #tpu.memory_space<vmem>>)
    %dma_wait3A_425 = arith.constant 0 : i32
    %dma_wait3A_426 = arith.constant 0 : i32
    %dma_wait3A_427 = tpu.memref_slice %arg4[%add3A, %dma_wait3A_425, %dma_wait3A_426] : memref<32x81x64xi32, #tpu.memory_space<hbm>> -> memref<1x81x64xi32, #tpu.memory_space<hbm>>
    %dma_wait3A_428 = tpu.memref_squeeze %dma_wait3A_427 : memref<1x81x64xi32, #tpu.memory_space<hbm>> -> memref<81x64xi32, #tpu.memory_space<hbm>>
    %dma_wait3A_429 = arith.constant 0 : i32
    %dma_wait3A_430 = arith.constant 0 : i32
    %dma_wait3A_431 = tpu.memref_slice %arg4[%add3A, %dma_wait3A_429, %dma_wait3A_430] : memref<32x81x64xi32, #tpu.memory_space<hbm>> -> memref<1x81x64xi32, #tpu.memory_space<hbm>>
    %dma_wait3A_432 = tpu.memref_squeeze %dma_wait3A_431 : memref<1x81x64xi32, #tpu.memory_space<hbm>> -> memref<81x64xi32, #tpu.memory_space<hbm>>
    tpu.wait_dma2 semaphore(%arg15 : memref<!tpu.dma_semaphore, #tpu.memory_space<semaphore_mem>>) src(%dma_wait3A_432 : memref<81x64xi32, #tpu.memory_space<hbm>>) dst(%arg8 : memref<81x64xi32, #tpu.memory_space<vmem>>)
    %barrier3A = arith.constant 0 : index
    tpu.barrier barrier_id(%barrier3A)
    %dma_start3A_433 = arith.constant 0 : i32
    %dma_start3A_434 = arith.constant 0 : i32
    %dma_start3A_435 = tpu.memref_slice %arg7[%dma_start3A_433, %dma_start3A_434] : memref<81x64xi32, #tpu.memory_space<vmem>> -> memref<1x64xi32, #tpu.memory_space<vmem>>
    %dma_start3A_436 = tpu.memref_squeeze %dma_start3A_435 : memref<1x64xi32, #tpu.memory_space<vmem>> -> memref<64xi32, #tpu.memory_space<vmem>>
    %dma_start3A_437 = arith.constant 0 : i32
    %dma_start3A_438 = arith.constant 0 : i32
    %dma_start3A_439 = tpu.memref_slice %arg2[%dma_start3A_437, %dma_start3A_438] : memref<10000x128xf32, #tpu.memory_space<hbm>> -> memref<10000x128xf32, #tpu.memory_space<hbm>>
    tpu.enqueue_indirect_dma source(%dma_start3A_439 : memref<10000x128xf32, #tpu.memory_space<hbm>>) target(%arg9 : memref<64x128xf32, #tpu.memory_space<vmem>>) offsets(%dma_start3A_436 : memref<64xi32, #tpu.memory_space<vmem>>) semaphore(%arg14 : memref<!tpu.dma_semaphore, #tpu.memory_space<semaphore_mem>>)
    %dma_start3A_440 = arith.constant 1 : i32
    %dma_start3A_441 = arith.constant 0 : i32
    %dma_start3A_442 = tpu.memref_slice %arg7[%dma_start3A_440, %dma_start3A_441] : memref<81x64xi32, #tpu.memory_space<vmem>> -> memref<1x64xi32, #tpu.memory_space<vmem>>
    %dma_start3A_443 = tpu.memref_squeeze %dma_start3A_442 : memref<1x64xi32, #tpu.memory_space<vmem>> -> memref<64xi32, #tpu.memory_space<vmem>>
    %dma_start3A_444 = arith.constant 0 : i32
    %dma_start3A_445 = arith.constant 0 : i32
    %dma_start3A_446 = tpu.memref_slice %arg2[%dma_start3A_444, %dma_start3A_445] : memref<10000x128xf32, #tpu.memory_space<hbm>> -> memref<10000x128xf32, #tpu.memory_space<hbm>>
    tpu.enqueue_indirect_dma source(%dma_start3A_446 : memref<10000x128xf32, #tpu.memory_space<hbm>>) target(%arg10 : memref<64x128xf32, #tpu.memory_space<vmem>>) offsets(%dma_start3A_443 : memref<64xi32, #tpu.memory_space<vmem>>) semaphore(%arg15 : memref<!tpu.dma_semaphore, #tpu.memory_space<semaphore_mem>>)
    %scan3A = arith.constant 0 : i32
    %scan3A_447 = arith.constant 0 : i32
    %scan3A_448 = arith.constant 27 : i32
    %scan3A_449 = arith.addi %scan3A_447, %scan3A_448 : i32
    %scan3A_450 = arith.constant 1 : i32
    scf.for %scan3A_480 = %scan3A_447 to %scan3A_449 step %scan3A_450  : i32 {
      %mul3A_481 = arith.constant 3 : i32
      %mul3A_482 = arith.muli %scan3A_480, %mul3A_481 : i32
      %add3A_483 = arith.constant 0 : i32
      %add3A_484 = arith.addi %mul3A_482, %add3A_483 : i32
      %add3A_485 = arith.constant 3 : i32
      %add3A_486 = arith.addi %add3A_484, %add3A_485 : i32
      %sub3A = arith.constant 1 : i32
      %sub3A_487 = arith.subi %add3A_486, %sub3A : i32
      %lt3A_488 = arith.constant 81 : i32
      %lt3A_489 = arith.cmpi slt, %sub3A_487, %lt3A_488 : i32
      %ge3A = arith.constant 1 : i32
      %ge3A_490 = arith.cmpi sge, %add3A_484, %ge3A : i32
      %and3A = arith.andi %lt3A_489, %ge3A_490 : i1
      %convert_element_type3A_491 = arith.extui %and3A : i1 to i32
      %cond3A_492 = arith.constant 0 : i32
      %cond3A_493 = arith.cmpi ne, %convert_element_type3A_491, %cond3A_492 : i32
      scf.if %cond3A_493 {
        %sub3A_582 = arith.constant 1 : i32
        %sub3A_583 = arith.subi %add3A_484, %sub3A_582 : i32
        %dma_wait3A_584 = arith.constant 0 : i32
        %dma_wait3A_585 = tpu.memref_slice %arg8[%sub3A_583, %dma_wait3A_584] : memref<81x64xi32, #tpu.memory_space<vmem>> -> memref<1x64xi32, #tpu.memory_space<vmem>>
        %dma_wait3A_586 = tpu.memref_squeeze %dma_wait3A_585 : memref<1x64xi32, #tpu.memory_space<vmem>> -> memref<64xi32, #tpu.memory_space<vmem>>
        %dma_wait3A_587 = arith.constant 0 : i32
        %dma_wait3A_588 = arith.constant 0 : i32
        %dma_wait3A_589 = tpu.memref_slice %arg13[%dma_wait3A_587, %dma_wait3A_588] : memref<10240x128xf32, #tpu.memory_space<vmem_shared>> -> memref<10240x128xf32, #tpu.memory_space<vmem_shared>>
        tpu.wait_indirect_dma semaphore(%arg19 : memref<!tpu.dma_semaphore, #tpu.memory_space<semaphore_mem>>) src(%arg11 : memref<64x128xf32, #tpu.memory_space<vmem>>) dst(%dma_wait3A_589 : memref<10240x128xf32, #tpu.memory_space<vmem_shared>>)
        %dma_start3A_590 = arith.constant 0 : i32
        %dma_start3A_591 = tpu.memref_slice %arg7[%sub3A_487, %dma_start3A_590] : memref<81x64xi32, #tpu.memory_space<vmem>> -> memref<1x64xi32, #tpu.memory_space<vmem>>
        %dma_start3A_592 = tpu.memref_squeeze %dma_start3A_591 : memref<1x64xi32, #tpu.memory_space<vmem>> -> memref<64xi32, #tpu.memory_space<vmem>>
        %dma_start3A_593 = arith.constant 0 : i32
        %dma_start3A_594 = arith.constant 0 : i32
        %dma_start3A_595 = tpu.memref_slice %arg2[%dma_start3A_593, %dma_start3A_594] : memref<10000x128xf32, #tpu.memory_space<hbm>> -> memref<10000x128xf32, #tpu.memory_space<hbm>>
        tpu.enqueue_indirect_dma source(%dma_start3A_595 : memref<10000x128xf32, #tpu.memory_space<hbm>>) target(%arg11 : memref<64x128xf32, #tpu.memory_space<vmem>>) offsets(%dma_start3A_592 : memref<64xi32, #tpu.memory_space<vmem>>) semaphore(%arg16 : memref<!tpu.dma_semaphore, #tpu.memory_space<semaphore_mem>>)
      } else {
      }
      %lt3A_494 = arith.constant 81 : i32
      %lt3A_495 = arith.cmpi slt, %sub3A_487, %lt3A_494 : i32
      %lt3A_496 = arith.constant 1 : i32
      %lt3A_497 = arith.cmpi slt, %add3A_484, %lt3A_496 : i32
      %and3A_498 = arith.andi %lt3A_495, %lt3A_497 : i1
      %convert_element_type3A_499 = arith.extui %and3A_498 : i1 to i32
      %cond3A_500 = arith.constant 0 : i32
      %cond3A_501 = arith.cmpi ne, %convert_element_type3A_499, %cond3A_500 : i32
      scf.if %cond3A_501 {
        %dma_start3A_582 = arith.constant 0 : i32
        %dma_start3A_583 = tpu.memref_slice %arg7[%sub3A_487, %dma_start3A_582] : memref<81x64xi32, #tpu.memory_space<vmem>> -> memref<1x64xi32, #tpu.memory_space<vmem>>
        %dma_start3A_584 = tpu.memref_squeeze %dma_start3A_583 : memref<1x64xi32, #tpu.memory_space<vmem>> -> memref<64xi32, #tpu.memory_space<vmem>>
        %dma_start3A_585 = arith.constant 0 : i32
        %dma_start3A_586 = arith.constant 0 : i32
        %dma_start3A_587 = tpu.memref_slice %arg2[%dma_start3A_585, %dma_start3A_586] : memref<10000x128xf32, #tpu.memory_space<hbm>> -> memref<10000x128xf32, #tpu.memory_space<hbm>>
        tpu.enqueue_indirect_dma source(%dma_start3A_587 : memref<10000x128xf32, #tpu.memory_space<hbm>>) target(%arg11 : memref<64x128xf32, #tpu.memory_space<vmem>>) offsets(%dma_start3A_584 : memref<64xi32, #tpu.memory_space<vmem>>) semaphore(%arg16 : memref<!tpu.dma_semaphore, #tpu.memory_space<semaphore_mem>>)
      } else {
      }
      %dma_wait3A_502 = arith.constant 0 : i32
      %dma_wait3A_503 = tpu.memref_slice %arg7[%add3A_484, %dma_wait3A_502] : memref<81x64xi32, #tpu.memory_space<vmem>> -> memref<1x64xi32, #tpu.memory_space<vmem>>
      %dma_wait3A_504 = tpu.memref_squeeze %dma_wait3A_503 : memref<1x64xi32, #tpu.memory_space<vmem>> -> memref<64xi32, #tpu.memory_space<vmem>>
      %dma_wait3A_505 = arith.constant 0 : i32
      %dma_wait3A_506 = arith.constant 0 : i32
      %dma_wait3A_507 = tpu.memref_slice %arg2[%dma_wait3A_505, %dma_wait3A_506] : memref<10000x128xf32, #tpu.memory_space<hbm>> -> memref<10000x128xf32, #tpu.memory_space<hbm>>
      tpu.wait_indirect_dma semaphore(%arg14 : memref<!tpu.dma_semaphore, #tpu.memory_space<semaphore_mem>>) src(%dma_wait3A_507 : memref<10000x128xf32, #tpu.memory_space<hbm>>) dst(%arg9 : memref<64x128xf32, #tpu.memory_space<vmem>>)
      %dma_start3A_508 = arith.constant 0 : i32
      %dma_start3A_509 = tpu.memref_slice %arg8[%add3A_484, %dma_start3A_508] : memref<81x64xi32, #tpu.memory_space<vmem>> -> memref<1x64xi32, #tpu.memory_space<vmem>>
      %dma_start3A_510 = tpu.memref_squeeze %dma_start3A_509 : memref<1x64xi32, #tpu.memory_space<vmem>> -> memref<64xi32, #tpu.memory_space<vmem>>
      %dma_start3A_511 = arith.constant 0 : i32
      %dma_start3A_512 = arith.constant 0 : i32
      %dma_start3A_513 = tpu.memref_slice %arg13[%dma_start3A_511, %dma_start3A_512] : memref<10240x128xf32, #tpu.memory_space<vmem_shared>> -> memref<10240x128xf32, #tpu.memory_space<vmem_shared>>
      tpu.enqueue_indirect_dma source(%arg9 : memref<64x128xf32, #tpu.memory_space<vmem>>) target(%dma_start3A_513 : memref<10240x128xf32, #tpu.memory_space<vmem_shared>>) offsets(%dma_start3A_510 : memref<64xi32, #tpu.memory_space<vmem>>) semaphore(%arg17 : memref<!tpu.dma_semaphore, #tpu.memory_space<semaphore_mem>>) {add = true}
      %add3A_514 = arith.constant 1 : i32
      %add3A_515 = arith.addi %mul3A_482, %add3A_514 : i32
      %add3A_516 = arith.constant 3 : i32
      %add3A_517 = arith.addi %add3A_515, %add3A_516 : i32
      %sub3A_518 = arith.constant 1 : i32
      %sub3A_519 = arith.subi %add3A_517, %sub3A_518 : i32
      %lt3A_520 = arith.constant 81 : i32
      %lt3A_521 = arith.cmpi slt, %sub3A_519, %lt3A_520 : i32
      %ge3A_522 = arith.constant 1 : i32
      %ge3A_523 = arith.cmpi sge, %add3A_515, %ge3A_522 : i32
      %and3A_524 = arith.andi %lt3A_521, %ge3A_523 : i1
      %convert_element_type3A_525 = arith.extui %and3A_524 : i1 to i32
      %cond3A_526 = arith.constant 0 : i32
      %cond3A_527 = arith.cmpi ne, %convert_element_type3A_525, %cond3A_526 : i32
      scf.if %cond3A_527 {
        %sub3A_582 = arith.constant 1 : i32
        %sub3A_583 = arith.subi %add3A_515, %sub3A_582 : i32
        %dma_wait3A_584 = arith.constant 0 : i32
        %dma_wait3A_585 = tpu.memref_slice %arg8[%sub3A_583, %dma_wait3A_584] : memref<81x64xi32, #tpu.memory_space<vmem>> -> memref<1x64xi32, #tpu.memory_space<vmem>>
        %dma_wait3A_586 = tpu.memref_squeeze %dma_wait3A_585 : memref<1x64xi32, #tpu.memory_space<vmem>> -> memref<64xi32, #tpu.memory_space<vmem>>
        %dma_wait3A_587 = arith.constant 0 : i32
        %dma_wait3A_588 = arith.constant 0 : i32
        %dma_wait3A_589 = tpu.memref_slice %arg13[%dma_wait3A_587, %dma_wait3A_588] : memref<10240x128xf32, #tpu.memory_space<vmem_shared>> -> memref<10240x128xf32, #tpu.memory_space<vmem_shared>>
        tpu.wait_indirect_dma semaphore(%arg17 : memref<!tpu.dma_semaphore, #tpu.memory_space<semaphore_mem>>) src(%arg9 : memref<64x128xf32, #tpu.memory_space<vmem>>) dst(%dma_wait3A_589 : memref<10240x128xf32, #tpu.memory_space<vmem_shared>>)
        %dma_start3A_590 = arith.constant 0 : i32
        %dma_start3A_591 = tpu.memref_slice %arg7[%sub3A_519, %dma_start3A_590] : memref<81x64xi32, #tpu.memory_space<vmem>> -> memref<1x64xi32, #tpu.memory_space<vmem>>
        %dma_start3A_592 = tpu.memref_squeeze %dma_start3A_591 : memref<1x64xi32, #tpu.memory_space<vmem>> -> memref<64xi32, #tpu.memory_space<vmem>>
        %dma_start3A_593 = arith.constant 0 : i32
        %dma_start3A_594 = arith.constant 0 : i32
        %dma_start3A_595 = tpu.memref_slice %arg2[%dma_start3A_593, %dma_start3A_594] : memref<10000x128xf32, #tpu.memory_space<hbm>> -> memref<10000x128xf32, #tpu.memory_space<hbm>>
        tpu.enqueue_indirect_dma source(%dma_start3A_595 : memref<10000x128xf32, #tpu.memory_space<hbm>>) target(%arg9 : memref<64x128xf32, #tpu.memory_space<vmem>>) offsets(%dma_start3A_592 : memref<64xi32, #tpu.memory_space<vmem>>) semaphore(%arg14 : memref<!tpu.dma_semaphore, #tpu.memory_space<semaphore_mem>>)
      } else {
      }
      %lt3A_528 = arith.constant 81 : i32
      %lt3A_529 = arith.cmpi slt, %sub3A_519, %lt3A_528 : i32
      %lt3A_530 = arith.constant 1 : i32
      %lt3A_531 = arith.cmpi slt, %add3A_515, %lt3A_530 : i32
      %and3A_532 = arith.andi %lt3A_529, %lt3A_531 : i1
      %convert_element_type3A_533 = arith.extui %and3A_532 : i1 to i32
      %cond3A_534 = arith.constant 0 : i32
      %cond3A_535 = arith.cmpi ne, %convert_element_type3A_533, %cond3A_534 : i32
      scf.if %cond3A_535 {
        %dma_start3A_582 = arith.constant 0 : i32
        %dma_start3A_583 = tpu.memref_slice %arg7[%sub3A_519, %dma_start3A_582] : memref<81x64xi32, #tpu.memory_space<vmem>> -> memref<1x64xi32, #tpu.memory_space<vmem>>
        %dma_start3A_584 = tpu.memref_squeeze %dma_start3A_583 : memref<1x64xi32, #tpu.memory_space<vmem>> -> memref<64xi32, #tpu.memory_space<vmem>>
        %dma_start3A_585 = arith.constant 0 : i32
        %dma_start3A_586 = arith.constant 0 : i32
        %dma_start3A_587 = tpu.memref_slice %arg2[%dma_start3A_585, %dma_start3A_586] : memref<10000x128xf32, #tpu.memory_space<hbm>> -> memref<10000x128xf32, #tpu.memory_space<hbm>>
        tpu.enqueue_indirect_dma source(%dma_start3A_587 : memref<10000x128xf32, #tpu.memory_space<hbm>>) target(%arg9 : memref<64x128xf32, #tpu.memory_space<vmem>>) offsets(%dma_start3A_584 : memref<64xi32, #tpu.memory_space<vmem>>) semaphore(%arg14 : memref<!tpu.dma_semaphore, #tpu.memory_space<semaphore_mem>>)
      } else {
      }
      %dma_wait3A_536 = arith.constant 0 : i32
      %dma_wait3A_537 = tpu.memref_slice %arg7[%add3A_515, %dma_wait3A_536] : memref<81x64xi32, #tpu.memory_space<vmem>> -> memref<1x64xi32, #tpu.memory_space<vmem>>
      %dma_wait3A_538 = tpu.memref_squeeze %dma_wait3A_537 : memref<1x64xi32, #tpu.memory_space<vmem>> -> memref<64xi32, #tpu.memory_space<vmem>>
      %dma_wait3A_539 = arith.constant 0 : i32
      %dma_wait3A_540 = arith.constant 0 : i32
      %dma_wait3A_541 = tpu.memref_slice %arg2[%dma_wait3A_539, %dma_wait3A_540] : memref<10000x128xf32, #tpu.memory_space<hbm>> -> memref<10000x128xf32, #tpu.memory_space<hbm>>
      tpu.wait_indirect_dma semaphore(%arg15 : memref<!tpu.dma_semaphore, #tpu.memory_space<semaphore_mem>>) src(%dma_wait3A_541 : memref<10000x128xf32, #tpu.memory_space<hbm>>) dst(%arg10 : memref<64x128xf32, #tpu.memory_space<vmem>>)
      %dma_start3A_542 = arith.constant 0 : i32
      %dma_start3A_543 = tpu.memref_slice %arg8[%add3A_515, %dma_start3A_542] : memref<81x64xi32, #tpu.memory_space<vmem>> -> memref<1x64xi32, #tpu.memory_space<vmem>>
      %dma_start3A_544 = tpu.memref_squeeze %dma_start3A_543 : memref<1x64xi32, #tpu.memory_space<vmem>> -> memref<64xi32, #tpu.memory_space<vmem>>
      %dma_start3A_545 = arith.constant 0 : i32
      %dma_start3A_546 = arith.constant 0 : i32
      %dma_start3A_547 = tpu.memref_slice %arg13[%dma_start3A_545, %dma_start3A_546] : memref<10240x128xf32, #tpu.memory_space<vmem_shared>> -> memref<10240x128xf32, #tpu.memory_space<vmem_shared>>
      tpu.enqueue_indirect_dma source(%arg10 : memref<64x128xf32, #tpu.memory_space<vmem>>) target(%dma_start3A_547 : memref<10240x128xf32, #tpu.memory_space<vmem_shared>>) offsets(%dma_start3A_544 : memref<64xi32, #tpu.memory_space<vmem>>) semaphore(%arg18 : memref<!tpu.dma_semaphore, #tpu.memory_space<semaphore_mem>>) {add = true}
      %add3A_548 = arith.constant 2 : i32
      %add3A_549 = arith.addi %mul3A_482, %add3A_548 : i32
      %add3A_550 = arith.constant 3 : i32
      %add3A_551 = arith.addi %add3A_549, %add3A_550 : i32
      %sub3A_552 = arith.constant 1 : i32
      %sub3A_553 = arith.subi %add3A_551, %sub3A_552 : i32
      %lt3A_554 = arith.constant 81 : i32
      %lt3A_555 = arith.cmpi slt, %sub3A_553, %lt3A_554 : i32
      %ge3A_556 = arith.constant 1 : i32
      %ge3A_557 = arith.cmpi sge, %add3A_549, %ge3A_556 : i32
      %and3A_558 = arith.andi %lt3A_555, %ge3A_557 : i1
      %convert_element_type3A_559 = arith.extui %and3A_558 : i1 to i32
      %cond3A_560 = arith.constant 0 : i32
      %cond3A_561 = arith.cmpi ne, %convert_element_type3A_559, %cond3A_560 : i32
      scf.if %cond3A_561 {
        %sub3A_582 = arith.constant 1 : i32
        %sub3A_583 = arith.subi %add3A_549, %sub3A_582 : i32
        %dma_wait3A_584 = arith.constant 0 : i32
        %dma_wait3A_585 = tpu.memref_slice %arg8[%sub3A_583, %dma_wait3A_584] : memref<81x64xi32, #tpu.memory_space<vmem>> -> memref<1x64xi32, #tpu.memory_space<vmem>>
        %dma_wait3A_586 = tpu.memref_squeeze %dma_wait3A_585 : memref<1x64xi32, #tpu.memory_space<vmem>> -> memref<64xi32, #tpu.memory_space<vmem>>
        %dma_wait3A_587 = arith.constant 0 : i32
        %dma_wait3A_588 = arith.constant 0 : i32
        %dma_wait3A_589 = tpu.memref_slice %arg13[%dma_wait3A_587, %dma_wait3A_588] : memref<10240x128xf32, #tpu.memory_space<vmem_shared>> -> memref<10240x128xf32, #tpu.memory_space<vmem_shared>>
        tpu.wait_indirect_dma semaphore(%arg18 : memref<!tpu.dma_semaphore, #tpu.memory_space<semaphore_mem>>) src(%arg10 : memref<64x128xf32, #tpu.memory_space<vmem>>) dst(%dma_wait3A_589 : memref<10240x128xf32, #tpu.memory_space<vmem_shared>>)
        %dma_start3A_590 = arith.constant 0 : i32
        %dma_start3A_591 = tpu.memref_slice %arg7[%sub3A_553, %dma_start3A_590] : memref<81x64xi32, #tpu.memory_space<vmem>> -> memref<1x64xi32, #tpu.memory_space<vmem>>
        %dma_start3A_592 = tpu.memref_squeeze %dma_start3A_591 : memref<1x64xi32, #tpu.memory_space<vmem>> -> memref<64xi32, #tpu.memory_space<vmem>>
        %dma_start3A_593 = arith.constant 0 : i32
        %dma_start3A_594 = arith.constant 0 : i32
        %dma_start3A_595 = tpu.memref_slice %arg2[%dma_start3A_593, %dma_start3A_594] : memref<10000x128xf32, #tpu.memory_space<hbm>> -> memref<10000x128xf32, #tpu.memory_space<hbm>>
        tpu.enqueue_indirect_dma source(%dma_start3A_595 : memref<10000x128xf32, #tpu.memory_space<hbm>>) target(%arg10 : memref<64x128xf32, #tpu.memory_space<vmem>>) offsets(%dma_start3A_592 : memref<64xi32, #tpu.memory_space<vmem>>) semaphore(%arg15 : memref<!tpu.dma_semaphore, #tpu.memory_space<semaphore_mem>>)
      } else {
      }
      %lt3A_562 = arith.constant 81 : i32
      %lt3A_563 = arith.cmpi slt, %sub3A_553, %lt3A_562 : i32
      %lt3A_564 = arith.constant 1 : i32
      %lt3A_565 = arith.cmpi slt, %add3A_549, %lt3A_564 : i32
      %and3A_566 = arith.andi %lt3A_563, %lt3A_565 : i1
      %convert_element_type3A_567 = arith.extui %and3A_566 : i1 to i32
      %cond3A_568 = arith.constant 0 : i32
      %cond3A_569 = arith.cmpi ne, %convert_element_type3A_567, %cond3A_568 : i32
      scf.if %cond3A_569 {
        %dma_start3A_582 = arith.constant 0 : i32
        %dma_start3A_583 = tpu.memref_slice %arg7[%sub3A_553, %dma_start3A_582] : memref<81x64xi32, #tpu.memory_space<vmem>> -> memref<1x64xi32, #tpu.memory_space<vmem>>
        %dma_start3A_584 = tpu.memref_squeeze %dma_start3A_583 : memref<1x64xi32, #tpu.memory_space<vmem>> -> memref<64xi32, #tpu.memory_space<vmem>>
        %dma_start3A_585 = arith.constant 0 : i32
        %dma_start3A_586 = arith.constant 0 : i32
        %dma_start3A_587 = tpu.memref_slice %arg2[%dma_start3A_585, %dma_start3A_586] : memref<10000x128xf32, #tpu.memory_space<hbm>> -> memref<10000x128xf32, #tpu.memory_space<hbm>>
        tpu.enqueue_indirect_dma source(%dma_start3A_587 : memref<10000x128xf32, #tpu.memory_space<hbm>>) target(%arg10 : memref<64x128xf32, #tpu.memory_space<vmem>>) offsets(%dma_start3A_584 : memref<64xi32, #tpu.memory_space<vmem>>) semaphore(%arg15 : memref<!tpu.dma_semaphore, #tpu.memory_space<semaphore_mem>>)
      } else {
      }
      %dma_wait3A_570 = arith.constant 0 : i32
      %dma_wait3A_571 = tpu.memref_slice %arg7[%add3A_549, %dma_wait3A_570] : memref<81x64xi32, #tpu.memory_space<vmem>> -> memref<1x64xi32, #tpu.memory_space<vmem>>
      %dma_wait3A_572 = tpu.memref_squeeze %dma_wait3A_571 : memref<1x64xi32, #tpu.memory_space<vmem>> -> memref<64xi32, #tpu.memory_space<vmem>>
      %dma_wait3A_573 = arith.constant 0 : i32
      %dma_wait3A_574 = arith.constant 0 : i32
      %dma_wait3A_575 = tpu.memref_slice %arg2[%dma_wait3A_573, %dma_wait3A_574] : memref<10000x128xf32, #tpu.memory_space<hbm>> -> memref<10000x128xf32, #tpu.memory_space<hbm>>
      tpu.wait_indirect_dma semaphore(%arg16 : memref<!tpu.dma_semaphore, #tpu.memory_space<semaphore_mem>>) src(%dma_wait3A_575 : memref<10000x128xf32, #tpu.memory_space<hbm>>) dst(%arg11 : memref<64x128xf32, #tpu.memory_space<vmem>>)
      %dma_start3A_576 = arith.constant 0 : i32
      %dma_start3A_577 = tpu.memref_slice %arg8[%add3A_549, %dma_start3A_576] : memref<81x64xi32, #tpu.memory_space<vmem>> -> memref<1x64xi32, #tpu.memory_space<vmem>>
      %dma_start3A_578 = tpu.memref_squeeze %dma_start3A_577 : memref<1x64xi32, #tpu.memory_space<vmem>> -> memref<64xi32, #tpu.memory_space<vmem>>
      %dma_start3A_579 = arith.constant 0 : i32
      %dma_start3A_580 = arith.constant 0 : i32
      %dma_start3A_581 = tpu.memref_slice %arg13[%dma_start3A_579, %dma_start3A_580] : memref<10240x128xf32, #tpu.memory_space<vmem_shared>> -> memref<10240x128xf32, #tpu.memory_space<vmem_shared>>
      tpu.enqueue_indirect_dma source(%arg11 : memref<64x128xf32, #tpu.memory_space<vmem>>) target(%dma_start3A_581 : memref<10240x128xf32, #tpu.memory_space<vmem_shared>>) offsets(%dma_start3A_578 : memref<64xi32, #tpu.memory_space<vmem>>) semaphore(%arg19 : memref<!tpu.dma_semaphore, #tpu.memory_space<semaphore_mem>>) {add = true}
    }
    %scan3A_451 = arith.constant 27 : i32
    %dma_wait3A_452 = arith.constant 78 : i32
    %dma_wait3A_453 = arith.constant 0 : i32
    %dma_wait3A_454 = tpu.memref_slice %arg8[%dma_wait3A_452, %dma_wait3A_453] : memref<81x64xi32, #tpu.memory_space<vmem>> -> memref<1x64xi32, #tpu.memory_space<vmem>>
    %dma_wait3A_455 = tpu.memref_squeeze %dma_wait3A_454 : memref<1x64xi32, #tpu.memory_space<vmem>> -> memref<64xi32, #tpu.memory_space<vmem>>
    %dma_wait3A_456 = arith.constant 0 : i32
    %dma_wait3A_457 = arith.constant 0 : i32
    %dma_wait3A_458 = tpu.memref_slice %arg13[%dma_wait3A_456, %dma_wait3A_457] : memref<10240x128xf32, #tpu.memory_space<vmem_shared>> -> memref<10240x128xf32, #tpu.memory_space<vmem_shared>>
    tpu.wait_indirect_dma semaphore(%arg17 : memref<!tpu.dma_semaphore, #tpu.memory_space<semaphore_mem>>) src(%arg9 : memref<64x128xf32, #tpu.memory_space<vmem>>) dst(%dma_wait3A_458 : memref<10240x128xf32, #tpu.memory_space<vmem_shared>>)
    %dma_wait3A_459 = arith.constant 79 : i32
    %dma_wait3A_460 = arith.constant 0 : i32
    %dma_wait3A_461 = tpu.memref_slice %arg8[%dma_wait3A_459, %dma_wait3A_460] : memref<81x64xi32, #tpu.memory_space<vmem>> -> memref<1x64xi32, #tpu.memory_space<vmem>>
    %dma_wait3A_462 = tpu.memref_squeeze %dma_wait3A_461 : memref<1x64xi32, #tpu.memory_space<vmem>> -> memref<64xi32, #tpu.memory_space<vmem>>
    %dma_wait3A_463 = arith.constant 0 : i32
    %dma_wait3A_464 = arith.constant 0 : i32
    %dma_wait3A_465 = tpu.memref_slice %arg13[%dma_wait3A_463, %dma_wait3A_464] : memref<10240x128xf32, #tpu.memory_space<vmem_shared>> -> memref<10240x128xf32, #tpu.memory_space<vmem_shared>>
    tpu.wait_indirect_dma semaphore(%arg18 : memref<!tpu.dma_semaphore, #tpu.memory_space<semaphore_mem>>) src(%arg10 : memref<64x128xf32, #tpu.memory_space<vmem>>) dst(%dma_wait3A_465 : memref<10240x128xf32, #tpu.memory_space<vmem_shared>>)
    %dma_wait3A_466 = arith.constant 80 : i32
    %dma_wait3A_467 = arith.constant 0 : i32
    %dma_wait3A_468 = tpu.memref_slice %arg8[%dma_wait3A_466, %dma_wait3A_467] : memref<81x64xi32, #tpu.memory_space<vmem>> -> memref<1x64xi32, #tpu.memory_space<vmem>>
    %dma_wait3A_469 = tpu.memref_squeeze %dma_wait3A_468 : memref<1x64xi32, #tpu.memory_space<vmem>> -> memref<64xi32, #tpu.memory_space<vmem>>
    %dma_wait3A_470 = arith.constant 0 : i32
    %dma_wait3A_471 = arith.constant 0 : i32
    %dma_wait3A_472 = tpu.memref_slice %arg13[%dma_wait3A_470, %dma_wait3A_471] : memref<10240x128xf32, #tpu.memory_space<vmem_shared>> -> memref<10240x128xf32, #tpu.memory_space<vmem_shared>>
    tpu.wait_indirect_dma semaphore(%arg19 : memref<!tpu.dma_semaphore, #tpu.memory_space<semaphore_mem>>) src(%arg11 : memref<64x128xf32, #tpu.memory_space<vmem>>) dst(%dma_wait3A_472 : memref<10240x128xf32, #tpu.memory_space<vmem_shared>>)
    %barrier3A_473 = arith.constant 0 : index
    tpu.barrier barrier_id(%barrier3A_473)
    %lt3A = arith.constant 15 : i32
    %lt3A_474 = arith.cmpi slt, %arg1, %lt3A : i32
    %convert_element_type3A = arith.extui %lt3A_474 : i1 to i32
    %cond3A = arith.constant 0 : i32
    %cond3A_475 = arith.cmpi ne, %convert_element_type3A, %cond3A : i32
    scf.if %cond3A_475 {
      %mul3A_480 = arith.constant 624 : i32
      %mul3A_481 = arith.muli %arg1, %mul3A_480 : i32
      %mul3A_482 = arith.constant 624 : i32
      %mul3A_483 = arith.muli %arg1, %mul3A_482 : i32
      "tpu.region"() ({
        %run_scoped3A = tpu.sem_alloc : memref<!tpu.dma_semaphore, #tpu.memory_space<semaphore_mem>>
        %dma_start3A_484 = arith.constant 0 : i32
        %dma_start3A_485 = tpu.memref_slice %arg6[%arg0, %mul3A_483, %dma_start3A_484] : memref<2x10000x128xf32, #tpu.memory_space<hbm>> -> memref<1x624x128xf32, #tpu.memory_space<hbm>>
        %dma_start3A_486 = tpu.memref_squeeze %dma_start3A_485 : memref<1x624x128xf32, #tpu.memory_space<hbm>> -> memref<624x128xf32, #tpu.memory_space<hbm>>
        %dma_start3A_487 = arith.constant 0 : i32
        %dma_start3A_488 = tpu.memref_slice %arg13[%mul3A_481, %dma_start3A_487] : memref<10240x128xf32, #tpu.memory_space<vmem_shared>> -> memref<624x128xf32, #tpu.memory_space<vmem_shared>>
        tpu.enqueue_dma source(%dma_start3A_488 : memref<624x128xf32, #tpu.memory_space<vmem_shared>>) target(%dma_start3A_486 : memref<624x128xf32, #tpu.memory_space<hbm>>) target_semaphore(%run_scoped3A : memref<!tpu.dma_semaphore, #tpu.memory_space<semaphore_mem>>)
        %dma_wait3A_489 = arith.constant 0 : i32
        %dma_wait3A_490 = tpu.memref_slice %arg6[%arg0, %mul3A_483, %dma_wait3A_489] : memref<2x10000x128xf32, #tpu.memory_space<hbm>> -> memref<1x624x128xf32, #tpu.memory_space<hbm>>
        %dma_wait3A_491 = tpu.memref_squeeze %dma_wait3A_490 : memref<1x624x128xf32, #tpu.memory_space<hbm>> -> memref<624x128xf32, #tpu.memory_space<hbm>>
        %dma_wait3A_492 = arith.constant 0 : i32
        %dma_wait3A_493 = tpu.memref_slice %arg13[%mul3A_481, %dma_wait3A_492] : memref<10240x128xf32, #tpu.memory_space<vmem_shared>> -> memref<624x128xf32, #tpu.memory_space<vmem_shared>>
        tpu.wait_dma2 semaphore(%run_scoped3A : memref<!tpu.dma_semaphore, #tpu.memory_space<semaphore_mem>>) src(%dma_wait3A_493 : memref<624x128xf32, #tpu.memory_space<vmem_shared>>) dst(%dma_wait3A_491 : memref<624x128xf32, #tpu.memory_space<hbm>>)
        tpu.yield
      }) : () -> ()
    } else {
    }
    %eq3A = arith.constant 15 : i32
    %eq3A_476 = arith.cmpi eq, %arg1, %eq3A : i32
    %convert_element_type3A_477 = arith.extui %eq3A_476 : i1 to i32
    %cond3A_478 = arith.constant 0 : i32
    %cond3A_479 = arith.cmpi ne, %convert_element_type3A_477, %cond3A_478 : i32
    scf.if %cond3A_479 {
      "tpu.region"() ({
        %run_scoped3A = tpu.sem_alloc : memref<!tpu.dma_semaphore, #tpu.memory_space<semaphore_mem>>
        %dma_start3A_480 = arith.constant 9360 : i32
        %dma_start3A_481 = arith.constant 0 : i32
        %dma_start3A_482 = tpu.memref_slice %arg6[%arg0, %dma_start3A_480, %dma_start3A_481] : memref<2x10000x128xf32, #tpu.memory_space<hbm>> -> memref<1x640x128xf32, #tpu.memory_space<hbm>>
        %dma_start3A_483 = tpu.memref_squeeze %dma_start3A_482 : memref<1x640x128xf32, #tpu.memory_space<hbm>> -> memref<640x128xf32, #tpu.memory_space<hbm>>
        %dma_start3A_484 = arith.constant 9360 : i32
        %dma_start3A_485 = arith.constant 0 : i32
        %dma_start3A_486 = tpu.memref_slice %arg13[%dma_start3A_484, %dma_start3A_485] : memref<10240x128xf32, #tpu.memory_space<vmem_shared>> -> memref<640x128xf32, #tpu.memory_space<vmem_shared>>
        tpu.enqueue_dma source(%dma_start3A_486 : memref<640x128xf32, #tpu.memory_space<vmem_shared>>) target(%dma_start3A_483 : memref<640x128xf32, #tpu.memory_space<hbm>>) target_semaphore(%run_scoped3A : memref<!tpu.dma_semaphore, #tpu.memory_space<semaphore_mem>>)
        %dma_wait3A_487 = arith.constant 9360 : i32
        %dma_wait3A_488 = arith.constant 0 : i32
        %dma_wait3A_489 = tpu.memref_slice %arg6[%arg0, %dma_wait3A_487, %dma_wait3A_488] : memref<2x10000x128xf32, #tpu.memory_space<hbm>> -> memref<1x640x128xf32, #tpu.memory_space<hbm>>
        %dma_wait3A_490 = tpu.memref_squeeze %dma_wait3A_489 : memref<1x640x128xf32, #tpu.memory_space<hbm>> -> memref<640x128xf32, #tpu.memory_space<hbm>>
        %dma_wait3A_491 = arith.constant 9360 : i32
        %dma_wait3A_492 = arith.constant 0 : i32
        %dma_wait3A_493 = tpu.memref_slice %arg13[%dma_wait3A_491, %dma_wait3A_492] : memref<10240x128xf32, #tpu.memory_space<vmem_shared>> -> memref<640x128xf32, #tpu.memory_space<vmem_shared>>
        tpu.wait_dma2 semaphore(%run_scoped3A : memref<!tpu.dma_semaphore, #tpu.memory_space<semaphore_mem>>) src(%dma_wait3A_493 : memref<640x128xf32, #tpu.memory_space<vmem_shared>>) dst(%dma_wait3A_490 : memref<640x128xf32, #tpu.memory_space<hbm>>)
        tpu.yield
      }) : () -> ()
    } else {
    }
    return
  }
}

module attributes {stable_mosaic.version = 14 : i64} {
  func.func @_mm_norm_body(%arg0: i32, %arg1: memref<32x10240xf32, #tpu.memory_space<vmem>>, %arg2: memref<10240x256xf32, #tpu.memory_space<vmem>>, %arg3: memref<256x128xf32, #tpu.memory_space<vmem>>, %arg4: memref<10240x128xf32, #tpu.memory_space<vmem>>, %arg5: memref<10240xf32, #tpu.memory_space<vmem>>) attributes {dimension_semantics = [#tpu.dimension_semantics<arbitrary>], iteration_bounds = array<i64: 1>, scalar_prefetch = 0 : i64, scratch_operands = 0 : i64, tpu.core_type = #tpu.core_type<tc>, window_params = [{transform_indices = @transform_0, window_bounds = array<i64: 32, 10240>}, {transform_indices = @transform_1, window_bounds = array<i64: 10240, 256>}, {pipeline_mode = #tpu.pipeline_mode<synchronous>, transform_indices = @transform_2, window_bounds = array<i64: 256, 128>}, {transform_indices = @transform_3, window_bounds = array<i64: 10240, 128>}, {pipeline_mode = #tpu.pipeline_mode<synchronous>, transform_indices = @transform_4, window_bounds = array<i64: 10240>}]} {
    %get3A = arith.constant 0 : index
    %get3A_0 = arith.constant 0 : index
    %get3A_1 = vector.load %arg1[%get3A, %get3A_0] : memref<32x10240xf32, #tpu.memory_space<vmem>>, vector<32x10240xf32>
    %reduce_sum3A = arith.constant dense<0.000000e+00> : vector<10240xf32>
    %reduce_sum3A_2 = vector.multi_reduction <add>, %get3A_1, %reduce_sum3A [0] : vector<32x10240xf32> to vector<10240xf32>
    %max3A = arith.constant 1.000000e+00 : f32
    %max3A_3 = vector.broadcast %max3A : f32 to vector<10240xf32>
    %max3A_4 = arith.maximumf %reduce_sum3A_2, %max3A_3 : vector<10240xf32>
    %rsqrt3A = math.rsqrt %max3A_4 : vector<10240xf32>
    %get3A_5 = arith.constant 0 : index
    %get3A_6 = arith.constant 0 : index
    %get3A_7 = vector.load %arg2[%get3A_5, %get3A_6] : memref<10240x256xf32, #tpu.memory_space<vmem>>, vector<10240x256xf32>
    %get3A_8 = arith.constant 0 : index
    %get3A_9 = arith.constant 0 : index
    %get3A_10 = vector.load %arg3[%get3A_8, %get3A_9] : memref<256x128xf32, #tpu.memory_space<vmem>>, vector<256x128xf32>
    %dot_general3A = arith.constant dense<0.000000e+00> : vector<10240x128xf32>
    %dot_general3A_11 = tpu.matmul %get3A_7, %get3A_10, %dot_general3A {dimension_numbers = #tpu.dot_dimension_numbers<[1], [0], [0], [1], [0, 0, 1, 1], [], []>, transpose_lhs_hint = false} : vector<10240x256xf32>, vector<256x128xf32>, vector<10240x128xf32> -> vector<10240x128xf32>
    %broadcast_in_dim3A = vector.shape_cast %rsqrt3A : vector<10240xf32> to vector<10240x1xf32>
    %mul3A = vector.broadcast %broadcast_in_dim3A : vector<10240x1xf32> to vector<10240x128xf32>
    %mul3A_12 = arith.mulf %dot_general3A_11, %mul3A : vector<10240x128xf32>
    %swap3A = arith.constant 0 : index
    %swap3A_13 = arith.constant 0 : index
    %swap3A_14 = vector.load %arg4[%swap3A, %swap3A_13] : memref<10240x128xf32, #tpu.memory_space<vmem>>, vector<10240x128xf32>
    tpu.vector_store %arg4[%swap3A, %swap3A_13], %mul3A_12 {strides = array<i32>} : memref<10240x128xf32, #tpu.memory_space<vmem>>, vector<10240x128xf32>,
    %mul3A_15 = arith.constant 10240 : i32
    %mul3A_16 = arith.muli %arg0, %mul3A_15 : i32
    %swap3A_17 = arith.index_cast %mul3A_16 : i32 to index
    %swap3A_18 = vector.load %arg5[%swap3A_17] : memref<10240xf32, #tpu.memory_space<vmem>>, vector<10240xf32>
    tpu.vector_store %arg5[%swap3A_17], %rsqrt3A {strides = array<i32>} : memref<10240xf32, #tpu.memory_space<vmem>>, vector<10240xf32>,
    return
  }
  func.func @transform_0(%arg0: i32) -> (i32, i32) {
    %c0_i32 = arith.constant 0 : i32
    %c0_i32_0 = arith.constant 0 : i32
    return %c0_i32, %arg0 : i32, i32
  }
  func.func @transform_1(%arg0: i32) -> (i32, i32) {
    %c0_i32 = arith.constant 0 : i32
    %c0_i32_0 = arith.constant 0 : i32
    return %arg0, %c0_i32 : i32, i32
  }
  func.func @transform_2(%arg0: i32) -> (i32, i32) {
    %c0_i32 = arith.constant 0 : i32
    %c0_i32_0 = arith.constant 0 : i32
    %c0_i32_1 = arith.constant 0 : i32
    return %c0_i32, %c0_i32_0 : i32, i32
  }
  func.func @transform_3(%arg0: i32) -> (i32, i32) {
    %c0_i32 = arith.constant 0 : i32
    %c0_i32_0 = arith.constant 0 : i32
    return %arg0, %c0_i32 : i32, i32
  }
  func.func @transform_4(%arg0: i32) -> i32 {
    %c0_i32 = arith.constant 0 : i32
    %c0_i32_0 = arith.constant 0 : i32
    return %c0_i32 : i32
  }
}

module attributes {stable_mosaic.version = 14 : i64} {
  func.func @_mid_body(%arg0: i32, %arg1: memref<2x10240x128xf32, #tpu.memory_space<vmem>>, %arg2: memref<10240xf32, #tpu.memory_space<vmem>>, %arg3: memref<10240x128xf32, #tpu.memory_space<vmem>>) attributes {dimension_semantics = [#tpu.dimension_semantics<arbitrary>], iteration_bounds = array<i64: 1>, scalar_prefetch = 0 : i64, scratch_operands = 0 : i64, tpu.core_type = #tpu.core_type<tc>, window_params = [{transform_indices = @transform_0, window_bounds = array<i64: 2, 10240, 128>}, {pipeline_mode = #tpu.pipeline_mode<synchronous>, transform_indices = @transform_1, window_bounds = array<i64: 10240>}, {transform_indices = @transform_2, window_bounds = array<i64: 10240, 128>}]} {
    %mul3A = arith.constant 10240 : i32
    %mul3A_0 = arith.muli %arg0, %mul3A : i32
    %get3A = arith.index_cast %mul3A_0 : i32 to index
    %get3A_1 = vector.load %arg2[%get3A] : memref<10240xf32, #tpu.memory_space<vmem>>, vector<10240xf32>
    %get3A_2 = arith.constant 0 : index
    %get3A_3 = arith.constant 0 : index
    %get3A_4 = arith.constant 0 : index
    %get3A_5 = vector.load %arg1[%get3A_2, %get3A_3, %get3A_4] : memref<2x10240x128xf32, #tpu.memory_space<vmem>>, vector<1x10240x128xf32>
    %get3A_6 = vector.shape_cast %get3A_5 : vector<1x10240x128xf32> to vector<10240x128xf32>
    %get3A_7 = arith.constant 1 : index
    %get3A_8 = arith.constant 0 : index
    %get3A_9 = arith.constant 0 : index
    %get3A_10 = vector.load %arg1[%get3A_7, %get3A_8, %get3A_9] : memref<2x10240x128xf32, #tpu.memory_space<vmem>>, vector<1x10240x128xf32>
    %get3A_11 = vector.shape_cast %get3A_10 : vector<1x10240x128xf32> to vector<10240x128xf32>
    %add3A = arith.addf %get3A_6, %get3A_11 : vector<10240x128xf32>
    %mul3A_12 = arith.mulf %get3A_1, %get3A_1 : vector<10240xf32>
    %broadcast_in_dim3A = vector.shape_cast %mul3A_12 : vector<10240xf32> to vector<10240x1xf32>
    %mul3A_13 = vector.broadcast %broadcast_in_dim3A : vector<10240x1xf32> to vector<10240x128xf32>
    %mul3A_14 = arith.mulf %add3A, %mul3A_13 : vector<10240x128xf32>
    %swap3A = arith.constant 0 : index
    %swap3A_15 = arith.constant 0 : index
    %swap3A_16 = vector.load %arg3[%swap3A, %swap3A_15] : memref<10240x128xf32, #tpu.memory_space<vmem>>, vector<10240x128xf32>
    tpu.vector_store %arg3[%swap3A, %swap3A_15], %mul3A_14 {strides = array<i32>} : memref<10240x128xf32, #tpu.memory_space<vmem>>, vector<10240x128xf32>,
    return
  }
  func.func @transform_0(%arg0: i32) -> (i32, i32, i32) {
    %c0_i32 = arith.constant 0 : i32
    %c0_i32_0 = arith.constant 0 : i32
    %c0_i32_1 = arith.constant 0 : i32
    return %c0_i32, %arg0, %c0_i32_0 : i32, i32, i32
  }
  func.func @transform_1(%arg0: i32) -> i32 {
    %c0_i32 = arith.constant 0 : i32
    %c0_i32_0 = arith.constant 0 : i32
    return %c0_i32 : i32
  }
  func.func @transform_2(%arg0: i32) -> (i32, i32) {
    %c0_i32 = arith.constant 0 : i32
    %c0_i32_0 = arith.constant 0 : i32
    return %arg0, %c0_i32 : i32, i32
  }
}

module attributes {stable_mosaic.version = 14 : i64} {
  func.func @_fin_body(%arg0: i32, %arg1: memref<2x10240x128xf32, #tpu.memory_space<vmem>>, %arg2: memref<10240xf32, #tpu.memory_space<vmem>>, %arg3: memref<128xf32, #tpu.memory_space<vmem>>, %arg4: memref<10240x128xf32, #tpu.memory_space<vmem>>) attributes {dimension_semantics = [#tpu.dimension_semantics<arbitrary>], iteration_bounds = array<i64: 1>, scalar_prefetch = 0 : i64, scratch_operands = 0 : i64, tpu.core_type = #tpu.core_type<tc>, window_params = [{transform_indices = @transform_0, window_bounds = array<i64: 2, 10240, 128>}, {pipeline_mode = #tpu.pipeline_mode<synchronous>, transform_indices = @transform_1, window_bounds = array<i64: 10240>}, {pipeline_mode = #tpu.pipeline_mode<synchronous>, transform_indices = @transform_2, window_bounds = array<i64: 128>}, {transform_indices = @transform_3, window_bounds = array<i64: 10240, 128>}]} {
    %mul3A = arith.constant 10240 : i32
    %mul3A_0 = arith.muli %arg0, %mul3A : i32
    %get3A = arith.index_cast %mul3A_0 : i32 to index
    %get3A_1 = vector.load %arg2[%get3A] : memref<10240xf32, #tpu.memory_space<vmem>>, vector<10240xf32>
    %get3A_2 = arith.constant 0 : index
    %get3A_3 = arith.constant 0 : index
    %get3A_4 = arith.constant 0 : index
    %get3A_5 = vector.load %arg1[%get3A_2, %get3A_3, %get3A_4] : memref<2x10240x128xf32, #tpu.memory_space<vmem>>, vector<1x10240x128xf32>
    %get3A_6 = vector.shape_cast %get3A_5 : vector<1x10240x128xf32> to vector<10240x128xf32>
    %get3A_7 = arith.constant 1 : index
    %get3A_8 = arith.constant 0 : index
    %get3A_9 = arith.constant 0 : index
    %get3A_10 = vector.load %arg1[%get3A_7, %get3A_8, %get3A_9] : memref<2x10240x128xf32, #tpu.memory_space<vmem>>, vector<1x10240x128xf32>
    %get3A_11 = vector.shape_cast %get3A_10 : vector<1x10240x128xf32> to vector<10240x128xf32>
    %add3A = arith.addf %get3A_6, %get3A_11 : vector<10240x128xf32>
    %broadcast_in_dim3A = vector.shape_cast %get3A_1 : vector<10240xf32> to vector<10240x1xf32>
    %mul3A_12 = vector.broadcast %broadcast_in_dim3A : vector<10240x1xf32> to vector<10240x128xf32>
    %mul3A_13 = arith.mulf %add3A, %mul3A_12 : vector<10240x128xf32>
    %get3A_14 = arith.constant 0 : index
    %get3A_15 = vector.load %arg3[%get3A_14] : memref<128xf32, #tpu.memory_space<vmem>>, vector<128xf32>
    %broadcast_in_dim3A_16 = vector.shape_cast %get3A_15 : vector<128xf32> to vector<1x128xf32>
    %add3A_17 = vector.broadcast %broadcast_in_dim3A_16 : vector<1x128xf32> to vector<10240x128xf32>
    %add3A_18 = arith.addf %mul3A_13, %add3A_17 : vector<10240x128xf32>
    %swap3A = arith.constant 0 : index
    %swap3A_19 = arith.constant 0 : index
    %swap3A_20 = vector.load %arg4[%swap3A, %swap3A_19] : memref<10240x128xf32, #tpu.memory_space<vmem>>, vector<10240x128xf32>
    tpu.vector_store %arg4[%swap3A, %swap3A_19], %add3A_18 {strides = array<i32>} : memref<10240x128xf32, #tpu.memory_space<vmem>>, vector<10240x128xf32>,
    return
  }
  func.func @transform_0(%arg0: i32) -> (i32, i32, i32) {
    %c0_i32 = arith.constant 0 : i32
    %c0_i32_0 = arith.constant 0 : i32
    %c0_i32_1 = arith.constant 0 : i32
    return %c0_i32, %arg0, %c0_i32_0 : i32, i32, i32
  }
  func.func @transform_1(%arg0: i32) -> i32 {
    %c0_i32 = arith.constant 0 : i32
    %c0_i32_0 = arith.constant 0 : i32
    return %c0_i32 : i32
  }
  func.func @transform_2(%arg0: i32) -> i32 {
    %c0_i32 = arith.constant 0 : i32
    %c0_i32_0 = arith.constant 0 : i32
    return %c0_i32 : i32
  }
  func.func @transform_3(%arg0: i32) -> (i32, i32) {
    %c0_i32 = arith.constant 0 : i32
    %c0_i32_0 = arith.constant 0 : i32
    return %arg0, %c0_i32 : i32, i32
  }
}

</mosaic_0001>

<sc_bundles>
// kernel: kernel.11.cloned.1.call-start
scs
__scs_entry_jumppad:
0x0: {  	(pc) =	sbr.rel $0x88, $3  }
0x1: {  	(tag) =	ssettag $0x0;
	lr =	simm.s32 $0x1  }
0x2: {  	[smem:$0x3F9D] =	sst lr;
	_ =	strace $0xD0000000  }
0x3: {  	_ = 	snop  }
0x4: {  	_ = 	snop  }
0x5: {  	_ = 	snop  }
0x6: {  	_ = 	snop  }
0x7: {  	_ = 	snop  }
__scs_overlays_trampoline_lowered:
0x8: {  	[smem:$0x3FAC] =	sst s0  }
0x9: {  	[smem:$0x3FAD] =	sst s1  }
0xa: {  	[smem:$0x3FAE] =	sst s2  }
0xb: {  	[smem:$0x3FAF] =	sst s3  }
0xc: {  	[smem:$0x3FB0] =	sst s4  }
0xd: {  	[smem:$0x3FB1] =	sst s5  }
0xe: {  	[smem:$0x3FB2] =	sst s6  }
0xf: {  	[smem:$0x3FB3] =	sst s7  }
0x10: {  	[smem:$0x3FB4] =	sst s8  }
0x11: {  	[smem:$0x3FB5] =	sst s9;
	s0 =	simm.s32 @!p0 $0x0  }
0x12: {  	s1 =	sld [smem:$0x3F9B];
	s0 =	simm.s32 @p0 $0x1  }
0x13: {  	[smem:$0x3FB6] =	sst s0;
	s0 =	simm.s32 @!p1 $0x0  }
0x14: {  	s2 =	sld [smem:$0x3F9A];
	s0 =	simm.s32 @p1 $0x1  }
0x15: {  	[smem:$0x3FB7] =	sst s0;
	s0 =	simm.s32 @!p2 $0x0  }
0x16: {  	s3 =	sld [smem:$0x3FDB];
	s0 =	simm.s32 @p2 $0x1  }
0x17: {  	s4 =	simm.s32 $0x1BF5;
	[smem:$0x3FB9] =	sst s0  }
0x18: {  	s0 =	sld [smem:$0x3F9C];
	_ =	swait.ge [sflag:s4], $0x0  }
0x19: {  	s7 =	sld [smem:$0x3F9D]  }
0x1a: {  	s8 =	sadd.s32 $0xFFFFE003, lr  }
0x1b: {  	s9 =	sadd.s32 $0xFFFFFEF7, lr;
	s5 =	simm.s32 $0xFFFFFFFF;
	p2 =	slt.u32 s8, $0xFFFFF086  }
0x1c: {  	p1 =	slt.u32 s9, $0xF7A;
	s5 =	simm.s32 @!p2 $0x0  }
0x1d: {  	s5 =	simm.s32 @p1 $0x1;
	p0 =	seq.s32 s7, s2  }
0x1e: {  	s7 =	smul.u32 @!p0 $0xF7A, s2;
	p2 =	seq.s32 @!p0 s5, $0x0  }
0x1f: {  	s9 =	smul.u32 $0xF7A, s1;
	s8 =	simm.s32 @!p0 $0x1BF5;
	p2 =	por !p2, p0  }
0x20: {  	[sflag:s8] =	ssyncset.s32 @!p0 $0xFFFFF086;
	s6 =	sadd.s32 @!p0 s3, s7;
	s7 =	simm.s32 @!p0 $0x108  }
0x21: {  	s3 =	sadd.s32 s3, s9;
	s6 =	sadd.s32 @!p0 $0x88, s6;
	s7 =	simm.s32 @p2 $0x1082  }
0x22: {  	[simem:s7], [sflag:s8] =	dma.local @!p0 [hbm:s6], $0xF7A  }
0x23: {  	s9 =	sor.u32 $0xD0000000, s2;
	s6 =	simm.s32 $0x108;
	_ =	swait.ge @!p0 [sflag:s8], $0x0  }
0x24: {  	s3 =	sadd.s32 $0x88, s3;
	s6 =	simm.s32 @!p1 $0x1082;
	[sflag:s4] =	ssyncset.s32 $0xFFFFF086  }
0x25: {  	[simem:s6], [sflag:s4] =	dma.local [hbm:s3], $0xF7A  }
0x26: {  	[smem:$0x3F9D] =	sst s1;
	(tag) =	ssettag s2;
	_ =	strace s9  }
0x27: {  	s1 =	sld [smem:$0x3FAD]  }
0x28: {  	s2 =	sld [smem:$0x3FAE]  }
0x29: {  	s4 =	sld [smem:$0x3FB0]  }
0x2a: {  	p0 =	seq.s32 s5, $0x0;
	s5 =	sld [smem:$0x3FB1]  }
0x2b: {  	s6 =	sld [smem:$0x3FB2]  }
0x2c: {  	s7 =	sld [smem:$0x3FB3]  }
0x2d: {  	s3 =	simm.s32 $0x108;
	s8 =	sld [smem:$0x3FB4]  }
0x2e: {  	s3 =	simm.s32 @!p0 $0x1082;
	s9 =	sld [smem:$0x3FB5]  }
0x2f: {  	lr =	sadd.s32 s0, s3;
	s0 =	sld [smem:$0x3FAC]  }
0x30: {  	s3 =	sld [smem:$0x3FAF]  }
0x31: {  	[smem:$0x3FB8] =	sst s10  }
0x32: {  	s10 =	sld [smem:$0x3FB6];
	_ =	sdelay $0x3  }
0x33: {  	p0 =	seq.s32 s10, $0x1;
	s10 =	sld [smem:$0x3FB8];
	_ =	sdelay $0x3  }
0x34: {  	[smem:$0x3FB8] =	sst s10  }
0x35: {  	s10 =	sld [smem:$0x3FB7];
	_ =	sdelay $0x3  }
0x36: {  	p1 =	seq.s32 s10, $0x1;
	s10 =	sld [smem:$0x3FB8];
	_ =	sdelay $0x3  }
0x37: {  	[smem:$0x3FB8] =	sst s10  }
0x38: {  	s10 =	sld [smem:$0x3FB9]  }
0x39: {  	_ = 	snop;
	(pc) =	sbr.ind lr, $3  }
0x3a: {  	_ = 	snop  }
0x3b: {  	_ = 	snop  }
0x3c: {  	p2 =	seq.s32 s10, $0x1;
	s10 =	sld [smem:$0x3FB8]  }
0x3d: {  	_ =	shalt  }
0x3e: {  	_ =	shalt  }
0x3f: {  	_ =	shalt  }
0x40: {  	_ =	shalt  }
0x41: {  	_ =	shalt  }
0x42: {  	_ =	shalt  }
0x43: {  	_ =	shalt  }
0x44: {  	_ =	shalt  }
0x45: {  	_ =	shalt  }
0x46: {  	_ =	shalt  }
0x47: {  	_ =	shalt  }
0x48: {  	_ =	shalt  }
0x49: {  	_ =	shalt  }
0x4a: {  	_ =	shalt  }
0x4b: {  	_ =	shalt  }
0x4c: {  	_ =	shalt  }
0x4d: {  	_ =	shalt  }
0x4e: {  	_ =	shalt  }
0x4f: {  	_ =	shalt  }
0x50: {  	_ =	shalt  }
0x51: {  	_ =	shalt  }
0x52: {  	_ =	shalt  }
0x53: {  	_ =	shalt  }
0x54: {  	_ =	shalt  }
0x55: {  	_ =	shalt  }
0x56: {  	_ =	shalt  }
0x57: {  	_ =	shalt  }
0x58: {  	_ =	shalt  }
0x59: {  	_ =	shalt  }
0x5a: {  	_ =	shalt  }
0x5b: {  	_ =	shalt  }
0x5c: {  	_ =	shalt  }
0x5d: {  	_ =	shalt  }
0x5e: {  	_ =	shalt  }
0x5f: {  	_ =	shalt  }
0x60: {  	_ =	shalt  }
0x61: {  	_ =	shalt  }
0x62: {  	_ =	shalt  }
0x63: {  	_ =	shalt  }
0x64: {  	_ =	shalt  }
0x65: {  	_ =	shalt  }
0x66: {  	_ =	shalt  }
0x67: {  	_ =	shalt  }
0x68: {  	_ =	shalt  }
0x69: {  	_ =	shalt  }
0x6a: {  	_ =	shalt  }
0x6b: {  	_ =	shalt  }
0x6c: {  	_ =	shalt  }
0x6d: {  	_ =	shalt  }
0x6e: {  	_ =	shalt  }
0x6f: {  	_ =	shalt  }
0x70: {  	_ =	shalt  }
0x71: {  	_ =	shalt  }
0x72: {  	_ =	shalt  }
0x73: {  	_ =	shalt  }
0x74: {  	_ =	shalt  }
0x75: {  	_ =	shalt  }
0x76: {  	_ =	shalt  }
0x77: {  	_ =	shalt  }
0x78: {  	_ =	shalt  }
0x79: {  	_ =	shalt  }
0x7a: {  	_ =	shalt  }
0x7b: {  	_ =	shalt  }
0x7c: {  	_ =	shalt  }
0x7d: {  	_ =	shalt  }
0x7e: {  	_ =	shalt  }
0x7f: {  	_ =	shalt  }
0x80: {  	_ =	shalt  }
0x81: {  	_ =	shalt  }
0x82: {  	_ =	shalt  }
0x83: {  	_ =	shalt  }
0x84: {  	_ =	shalt  }
0x85: {  	_ =	shalt  }
0x86: {  	_ =	shalt  }
0x87: {  	_ =	shalt  }
.Lfunc_end0:
.L_simem_size_0:
called_computation.1_lowered:
.L_overlay_start_0:
0x88: {  	s2 =	sld [smem:$0x3FD9]  }
0x89: {  	s3 =	sld [smem:$0x3FFE];
	_ =	sdelay $0x1  }
0x8a: {  	s1 =	srdreg.scid  }
0x8b: {  	s0 =	sand.u32 $0x1, s1  }
0x8c: {  	s17 =	sshll.u32 s0, $0xA;
	s2 =	sadd.s32 s3, s2  }
0x8d: {  	s2 =	sadd.s32 s2, s17  }
0x8e: {  	[smem:$0x3FC4] =	sst s2  }
0x8f: {  	_ = 	snop  }
0x90: {  	s2 =	sld [smem:$0x3FD0];
	(tm) =	ssettm $0x1  }
0x91: {  	s18 =	sld [smem:$0x3FFB];
	_ =	sdelay $0x3  }
0x92: {  	_ =	strace s18  }
0x93: {  	s3 =	sld [smem:$0x3FFC];
	_ =	sdelay $0x3  }
0x94: {  	_ =	strace s3  }
0x95: {  	s3 =	sld [smem:$0x3FFD];
	_ =	sdelay $0x3  }
0x96: {  	_ =	strace s3  }
0x97: {  	_ =	strace $0x8FFFFFFF  }
0x98: {  	s19 =	sld [smem:$0x3FDB];
	_ =	sdelay $0x1  }
0x99: {  	s4 =	simm.s32 $_scs_section_size  }
0x9a: {  	s5 =	simm.s32 $_size__tile_overlayer_lowered;
	s6 =	simm.s32 $_tile_overlayer_lowered  }
0x9b: {  	s22 =	simm.s32 $0x1BFF;
	s21 =	sshll.u32 s6, $0x1;
	s3 =	sadd.s32 s4, s19  }
0x9c: {  	s7 =	simm.s32 $0x0;
	s20 =	sshll.u32 s5, $0x1;
	s5 =	sadd.s32 s21, s3  }
0x9d: {  	[timem:s7], [sflag:s22] =	dma.local [hbm:s5], s20  }
0x9e: {  	_ =	swait.ge [sflag:s22], s20  }
0x9f: {  	s4 =	ssub.s32 $0x0, s20;
	[sflag:s22] =	ssyncset.done $0x0  }
0xa0: {  	[sflag:s22] =	ssyncadd.s32 s4;
	_ =	sdelay $0x1  }
0xa1: {  	s23 =	simm.s32 $0x1B8B  }
0xa2: {  	_ =	swait.ge [sflag:s23], $0x1  }
0xa3: {  	[sflag:s23] =	ssyncset.done $0x0  }
0xa4: {  	s25 =	simm.s32 $0x1B8E;
	s24 =	sld [smem:$0x3FFE];
	[sflag:s23] =	ssyncadd.s32 $0xFFFFFFFF  }
0xa5: {  	s26 =	simm.s32 $execute0_lowered;
	[smem:$0x3FD2] =	sst s25  }
0xa6: {  	s5 =	sshll.u32 s26, $0x1;
	_ =	strace $0x80000049;
	[dreg:$0x1] =	wrdreg $0xFFFFFFFF  }
0xa7: {  	s28 =	simm.s32 $_size_execute0_lowered;
	s3 =	sadd.s32 s3, s5;
	[dreg:$0x0] =	wrdreg $0x0  }
0xa8: {  	s5 =	sshll.u32 s28, $0x1;
	[dreg:$0x2] =	wrdreg s3  }
0xa9: {  	[dreg:$0x3] =	wrdreg s5  }
0xaa: {  	[dreg:$0x4] =	wrdreg $0xC0  }
0xab: {  	_ =	task [dreg:s7], $0x5FFFF  }
0xac: {  	[dreg:$0x1] =	wrdreg $0xFFFFFFFF  }
0xad: {  	[dreg:$0x0] =	wrdreg $0x60  }
0xae: {  	[dreg:$0x2] =	wrdreg s2  }
0xaf: {  	[dreg:$0x3] =	wrdreg s24  }
0xb0: {  	[dreg:$0x4] =	wrdreg $0xC0000  }
0xb1: {  	[dreg:$0x5] =	wrdreg $0x9  }
0xb2: {  	_ =	task.clear_ibuf [dreg:s7], $0x6FFFF;
	_ =	strace $0x90000049  }
0xb3: {  	s29 =	simm.s32 $0x9;
	_ =	strace $0x8000004B  }
0xb4: {  	_ =	swait.ge [sflag:s29], $0x1  }
0xb5: {  	[sflag:s29] =	ssyncadd.s32 $0xFFFFFFFF  }
0xb6: {  	_ =	strace $0x9000004B  }
0xb7: {  	_ =	sfence  }
0xb8: {  	s30 =	sld [smem:$0x0];
	_ =	sdelay $0x2  }
0xb9: {  	s31 =	sshll.u32 s1, $0xD;
	s1 =	sshrl.u32 s1, $0x2  }
0xba: {  	s3 =	sand.u32 $0x4000, s31;
	s1 =	sadd.s32 s1, s30  }
0xbb: {  	s0 =	sor.u32 s3, s0;
	s1 =	sshll.u32 s1, $0x11  }
0xbc: {  	s0 =	sor.u32 s1, s0  }
0xbd: {  	s0 =	sadd.s32 $0x8F2B, s0  }
0xbe: {  	[sflag:s0] =	ssyncadd.remote.s32 $0x1  }
0xbf: {  	_ =	sfence.sel $0xFFFF  }
0xc0: {  	[dreg:$0x0] =	wrdreg $0xFFFFFFFF;
	(pc) =	sbr.abs _section_cstart, $3  }
0xc1: {  	[dreg:$0x1] =	wrdreg $0xFFFFFFFF  }
0xc2: {  	_ =	task.clear_ibuf [dreg:s7], $0x2FFFF;
	_ =	strace $0x9FFFFFFF  }
0xc3: {  	(tm) =	ssettm $0x7FFFFFFF  }
tec
execute0_lowered:
.L_overlay_start_1:
0x0: {  	(tag) =	ssettag $0x1  }
0x1: {  	s0 =	srdreg.scid  }
0x2: {  	s1 =	rddreg [dreg:$0x0];
	s9 =	stileid.u32  }
0x3: {  	s2 =	rddreg [dreg:$0x1];
	s0 =	sand.u32 $0x1, s0;
	s6 =	smul.u32 $0x50000, s9  }
0x4: {  	s3 =	rddreg [dreg:$0x2];
	s4 =	sshll.u32 s0, $0x4  }
0x5: {  	s5 =	sor.u32 s9, s4;
	s4 =	simm.s32 $0x0;
	s6 =	sshrl.u32 s6, $0x2  }
0x6: {  	s8 =	sadd.s32 $0x1800, s2;
	[smem:$0x7FF] =	sst s4;
	s6 =	sadd.s32 s6, s3  }
0x7: {  	_ =	strace $0x8000004A;
	[dreg:$0x4] =	wrdreg s8;
	s14 =	sadd.s32 $0x800, s6  }
0x8: {  	s15 =	sadd.s32 $0x1000, s6;
	[dreg:$0x7] =	wrdreg s14  }
0x9: {  	s16 =	sadd.s32 $0x1800, s6;
	[dreg:$0x8] =	wrdreg s15  }
0xa: {  	s17 =	sadd.s32 $0x2000, s6;
	[dreg:$0x9] =	wrdreg s16  }
0xb: {  	s18 =	sadd.s32 $0x2800, s6;
	[dreg:$0xa] =	wrdreg s17  }
0xc: {  	s19 =	sadd.s32 $0x3000, s6;
	[dreg:$0xb] =	wrdreg s18  }
0xd: {  	s20 =	sadd.s32 $0x3800, s6;
	[dreg:$0xc] =	wrdreg s19  }
0xe: {  	s21 =	sadd.s32 $0x4000, s6;
	[dreg:$0xd] =	wrdreg s20  }
0xf: {  	s28 =	simm.s32 $0x2C00;
	s23 =	sadd.s32 $0x4800, s6;
	[dreg:$0xe] =	wrdreg s21  }
0x10: {  	s29 =	simm.s32 $0x4;
	s24 =	sadd.s32 $0x5000, s6;
	[dreg:$0xf] =	wrdreg s23  }
0x11: {  	s25 =	smul.u32 $0x4E000, s9;
	s10 =	sadd.s32 $0x5800, s6;
	[dreg:$0x10] =	wrdreg s24  }
0x12: {  	s7 =	ssub.s32 $0x2, s0;
	s26 =	sadd.s32 $0x6000, s6;
	[dreg:$0x11] =	wrdreg s10  }
0x13: {  	s12 =	sshrl.u32 s7, $0x1;
	s11 =	sadd.s32 $0x6800, s6;
	[dreg:$0x12] =	wrdreg s26  }
0x14: {  	s7 =	ssub.s32 s7, s12;
	s12 =	sadd.s32 $0x7000, s6;
	[dreg:$0x18] =	wrdreg s11  }
0x15: {  	s8 =	sshrl.u32 s25, $0x2;
	s25 =	sadd.s32 $0xD800, s6;
	[dreg:$0x19] =	wrdreg s12  }
0x16: {  	s30 =	simm.s32 $0x5;
	s10 =	smax.u32 s7, $0x1;
	[smem:$0x7FC] =	sst s25  }
0x17: {  	s31 =	simm.s32 $0x1;
	s14 =	sadd.s32 $0x8000, s6;
	[dreg:$0x15] =	wrdreg s10  }
0x18: {  	s22 =	smul.u32 $0x13800, s9;
	s15 =	sadd.s32 $0x8800, s6;
	[dreg:$0x1b] =	wrdreg s14  }
0x19: {  	p0 =	seq.s32 s9, $0xF;
	s16 =	sadd.s32 $0x9000, s6;
	[dreg:$0x1c] =	wrdreg s15  }
0x1a: {  	s0 =	smul.u32 $0x138800, s0;
	s17 =	sadd.s32 $0x9800, s6;
	[dreg:$0x1d] =	wrdreg s16  }
0x1b: {  	s5 =	smul.u32 $0x580, s5;
	s18 =	sadd.s32 $0xA000, s6;
	[dreg:$0x1e] =	wrdreg s17  }
0x1c: {  	s9 =	simm.s32 $0x3;
	s19 =	sadd.s32 $0xA800, s6;
	[dreg:$0x1f] =	wrdreg s18  }
0x1d: {  	s5 =	sadd.s32 s5, s2;
	s20 =	sadd.s32 $0xB000, s6;
	[smem:$0x7F6] =	sst s19  }
0x1e: {  	s2 =	sadd.s32 $0x1CA00, s2;
	s21 =	sadd.s32 $0xB800, s6;
	[smem:$0x7F7] =	sst s20  }
0x1f: {  	s23 =	sadd.s32 $0xC800, s6;
	s24 =	sadd.s32 $0xD000, s6;
	[smem:$0x7F8] =	sst s21  }
0x20: {  	s26 =	sadd.s32 $0xE000, s6;
	s25 =	sadd.s32 $0x13800, s6;
	[smem:$0x7FA] =	sst s23  }
0x21: {  	s7 =	simm.s32 $0x7800;
	s11 =	simm.s32 $0x0;
	[smem:$0x7FB] =	sst s24  }
0x22: {  	s13 =	sadd.s32 $0x11A00, s5;
	s5 =	sadd.s32 $0x6A00, s5;
	[smem:$0x7FD] =	sst s26  }
0x23: {  	s15 =	sadd.s32 $0xE800, s6;
	s16 =	sadd.s32 $0xF000, s6;
	s17 =	sadd.s32 $0xF800, s6  }
0x24: {  	s18 =	sadd.s32 $0x10000, s6;
	s19 =	sadd.s32 $0x10800, s6;
	s20 =	sadd.s32 $0x11000, s6  }
0x25: {  	s21 =	sadd.s32 $0x11800, s6;
	s23 =	sadd.s32 $0x12800, s6;
	s24 =	sadd.s32 $0x13000, s6  }
0x26: {  	s26 =	simm.s32 $0xB800;
	s10 =	simm.s32 $0x6;
	[dreg:$0x5] =	wrdreg s13  }
0x27: {  	[dreg:$0x6] =	wrdreg s5;
	s5 =	sadd.s32 s22, s0;
	s13 =	sadd.s32 $0x7800, s6  }
0x28: {  	s0 =	sshrl.u32 s0, $0x3;
	s22 =	sadd.s32 $0xC000, s6;
	[dreg:$0x1a] =	wrdreg s13  }
0x29: {  	s5 =	sshrl.u32 s5, $0x3;
	s0 =	sadd.s32 s2, s0;
	[smem:$0x7F9] =	sst s22  }
0x2a: {  	s22 =	sadd.s32 $0x12000, s6;
	s5 =	sadd.s32 s2, s5;
	s0 =	sadd.s32 $0x24900, s0  }
0x2b: {  	s2 =	simm.s32 $0x2;
	[dreg:$0x14] =	wrdreg s0;
	s0 =	sadd.s32 $0x124800, s3  }
0x2c: {  	[dreg:$0x13] =	wrdreg s5;
	s5 =	sadd.s32 s8, s3;
	s0 =	sshrl.u32 @p0 s0, $0x3  }
0x2d: {  	s8 =	simm.s32 $0x9800;
	[dreg:$0x16] =	wrdreg s0;
	s0 =	sshrl.u32 @!p0 s5, $0x3  }
0x2e: {  	s5 =	simm.s32 $0x5800;
	[dreg:$0x17] =	wrdreg s0;
	s0 =	simm.s32 $0x40  }
.LBB2_1:
0x2f: {  	s12 =	rddreg [dreg:$0x4]  }
0x30: {  	[tilespmem:s26], [sflag:$0x4] =	stream.linear.gather [hbm4b:s12+s4], $0x800, $0x38;
	v63 =	vld [tilespmem:$0x0]  }
0x31: {  	s14 =	rddreg [dreg:$0x5]  }
0x32: {  	[tilespmem:s4], [sflag:$0x1] =	stream.linear.gather [hbm4b:s14+s4], $0x2880, $0x38;
	v63 =	vld [tilespmem:$0x0]  }
0x33: {  	s13 =	rddreg [dreg:$0x6]  }
0x34: {  	[tilespmem:s28], [sflag:$0x2] =	stream.linear.gather [hbm4b:s13+s4], $0x2880, $0x38;
	v63 =	vld [tilespmem:$0x0]  }
0x35: {  	_ =	swait.ge [sflag:s29], $0x800  }
0x36: {  	[sflag:s29] =	ssyncset.done $0x0  }
0x37: {  	[sflag:s29] =	ssyncadd.s32 $0xFFFFF800  }
0x38: {  	[spmem:s6] =	stream.linear.scatter [tilespmem:s26], [sflag:$0x5], $0x800, $0x38;
	v63 =	vld [tilespmem:$0x0]  }
0x39: {  	s14 =	rddreg [dreg:$0x7]  }
0x3a: {  	[spmem:s14] =	stream.linear.scatter [tilespmem:s26], [sflag:$0x5], $0x800, $0x38;
	v63 =	vld [tilespmem:$0x0]  }
0x3b: {  	s13 =	rddreg [dreg:$0x8]  }
0x3c: {  	[spmem:s13] =	stream.linear.scatter [tilespmem:s26], [sflag:$0x5], $0x800, $0x38;
	v63 =	vld [tilespmem:$0x0]  }
0x3d: {  	s14 =	rddreg [dreg:$0x9]  }
0x3e: {  	[spmem:s14] =	stream.linear.scatter [tilespmem:s26], [sflag:$0x5], $0x800, $0x38;
	v63 =	vld [tilespmem:$0x0]  }
0x3f: {  	s13 =	rddreg [dreg:$0xa]  }
0x40: {  	[spmem:s13] =	stream.linear.scatter [tilespmem:s26], [sflag:$0x5], $0x800, $0x38;
	v63 =	vld [tilespmem:$0x0]  }
0x41: {  	s14 =	rddreg [dreg:$0xb]  }
0x42: {  	[spmem:s14] =	stream.linear.scatter [tilespmem:s26], [sflag:$0x5], $0x800, $0x38;
	v63 =	vld [tilespmem:$0x0]  }
0x43: {  	s13 =	rddreg [dreg:$0xc]  }
0x44: {  	[spmem:s13] =	stream.linear.scatter [tilespmem:s26], [sflag:$0x5], $0x800, $0x38;
	v63 =	vld [tilespmem:$0x0]  }
0x45: {  	s14 =	rddreg [dreg:$0xd]  }
0x46: {  	[spmem:s14] =	stream.linear.scatter [tilespmem:s26], [sflag:$0x5], $0x800, $0x38;
	v63 =	vld [tilespmem:$0x0]  }
0x47: {  	_ =	swait.ge [sflag:s30], $0x800  }
0x48: {  	[sflag:s30] =	ssyncset.done $0x0  }
0x49: {  	[sflag:s30] =	ssyncadd.s32 $0xFFFFF800  }
0x4a: {  	_ =	swait.ge [sflag:s30], $0x800  }
0x4b: {  	[sflag:s30] =	ssyncset.done $0x0  }
0x4c: {  	[sflag:s30] =	ssyncadd.s32 $0xFFFFF800  }
0x4d: {  	_ =	swait.ge [sflag:s30], $0x800  }
0x4e: {  	[sflag:s30] =	ssyncset.done $0x0  }
0x4f: {  	[sflag:s30] =	ssyncadd.s32 $0xFFFFF800  }
0x50: {  	_ =	swait.ge [sflag:s30], $0x800  }
0x51: {  	[sflag:s30] =	ssyncset.done $0x0  }
0x52: {  	[sflag:s30] =	ssyncadd.s32 $0xFFFFF800  }
0x53: {  	_ =	swait.ge [sflag:s30], $0x800  }
0x54: {  	[sflag:s30] =	ssyncset.done $0x0  }
0x55: {  	[sflag:s30] =	ssyncadd.s32 $0xFFFFF800  }
0x56: {  	_ =	swait.ge [sflag:s30], $0x800  }
0x57: {  	[sflag:s30] =	ssyncset.done $0x0  }
0x58: {  	[sflag:s30] =	ssyncadd.s32 $0xFFFFF800  }
0x59: {  	_ =	swait.ge [sflag:s30], $0x800  }
0x5a: {  	[sflag:s30] =	ssyncset.done $0x0  }
0x5b: {  	[sflag:s30] =	ssyncadd.s32 $0xFFFFF800  }
0x5c: {  	_ =	swait.ge [sflag:s30], $0x800  }
0x5d: {  	[sflag:s30] =	ssyncset.done $0x0  }
0x5e: {  	s13 =	rddreg [dreg:$0xe];
	[sflag:s30] =	ssyncadd.s32 $0xFFFFF800  }
0x5f: {  	[spmem:s13] =	stream.linear.scatter [tilespmem:s26], [sflag:$0x5], $0x800, $0x38;
	v63 =	vld [tilespmem:$0x0]  }
0x60: {  	s14 =	rddreg [dreg:$0xf]  }
0x61: {  	[spmem:s14] =	stream.linear.scatter [tilespmem:s26], [sflag:$0x5], $0x800, $0x38;
	v63 =	vld [tilespmem:$0x0]  }
0x62: {  	s13 =	rddreg [dreg:$0x10]  }
0x63: {  	[spmem:s13] =	stream.linear.scatter [tilespmem:s26], [sflag:$0x5], $0x800, $0x38;
	v63 =	vld [tilespmem:$0x0]  }
0x64: {  	s14 =	rddreg [dreg:$0x11]  }
0x65: {  	[spmem:s14] =	stream.linear.scatter [tilespmem:s26], [sflag:$0x5], $0x800, $0x38;
	v63 =	vld [tilespmem:$0x0]  }
0x66: {  	s13 =	rddreg [dreg:$0x12]  }
0x67: {  	[spmem:s13] =	stream.linear.scatter [tilespmem:s26], [sflag:$0x5], $0x800, $0x38;
	v63 =	vld [tilespmem:$0x0]  }
0x68: {  	s14 =	rddreg [dreg:$0x18]  }
0x69: {  	[spmem:s14] =	stream.linear.scatter [tilespmem:s26], [sflag:$0x5], $0x800, $0x38;
	v63 =	vld [tilespmem:$0x0]  }
0x6a: {  	s13 =	rddreg [dreg:$0x19]  }
0x6b: {  	[spmem:s13] =	stream.linear.scatter [tilespmem:s26], [sflag:$0x5], $0x800, $0x38;
	v63 =	vld [tilespmem:$0x0]  }
0x6c: {  	s14 =	rddreg [dreg:$0x1a]  }
0x6d: {  	[spmem:s14] =	stream.linear.scatter [tilespmem:s26], [sflag:$0x5], $0x800, $0x38;
	v63 =	vld [tilespmem:$0x0]  }
0x6e: {  	_ =	swait.ge [sflag:s30], $0x800  }
0x6f: {  	[sflag:s30] =	ssyncset.done $0x0  }
0x70: {  	[sflag:s30] =	ssyncadd.s32 $0xFFFFF800  }
0x71: {  	_ =	swait.ge [sflag:s30], $0x800  }
0x72: {  	[sflag:s30] =	ssyncset.done $0x0  }
0x73: {  	[sflag:s30] =	ssyncadd.s32 $0xFFFFF800  }
0x74: {  	_ =	swait.ge [sflag:s30], $0x800  }
0x75: {  	[sflag:s30] =	ssyncset.done $0x0  }
0x76: {  	[sflag:s30] =	ssyncadd.s32 $0xFFFFF800  }
0x77: {  	_ =	swait.ge [sflag:s30], $0x800  }
0x78: {  	[sflag:s30] =	ssyncset.done $0x0  }
0x79: {  	[sflag:s30] =	ssyncadd.s32 $0xFFFFF800  }
0x7a: {  	_ =	swait.ge [sflag:s30], $0x800  }
0x7b: {  	[sflag:s30] =	ssyncset.done $0x0  }
0x7c: {  	[sflag:s30] =	ssyncadd.s32 $0xFFFFF800  }
0x7d: {  	_ =	swait.ge [sflag:s30], $0x800  }
0x7e: {  	[sflag:s30] =	ssyncset.done $0x0  }
0x7f: {  	[sflag:s30] =	ssyncadd.s32 $0xFFFFF800  }
0x80: {  	_ =	swait.ge [sflag:s30], $0x800  }
0x81: {  	[sflag:s30] =	ssyncset.done $0x0  }
0x82: {  	[sflag:s30] =	ssyncadd.s32 $0xFFFFF800  }
0x83: {  	_ =	swait.ge [sflag:s30], $0x800  }
0x84: {  	[sflag:s30] =	ssyncset.done $0x0;
	s13 =	rddreg [dreg:$0x1b]  }
0x85: {  	s14 =	rddreg [dreg:$0x1c];
	[sflag:s30] =	ssyncadd.s32 $0xFFFFF800  }
0x86: {  	[spmem:s13] =	stream.linear.scatter [tilespmem:s26], [sflag:$0x5], $0x800, $0x38;
	v63 =	vld [tilespmem:$0x0]  }
0x87: {  	s13 =	rddreg [dreg:$0x1d]  }
0x88: {  	[spmem:s14] =	stream.linear.scatter [tilespmem:s26], [sflag:$0x5], $0x800, $0x38;
	v63 =	vld [tilespmem:$0x0]  }
0x89: {  	s14 =	rddreg [dreg:$0x1e]  }
0x8a: {  	[spmem:s13] =	stream.linear.scatter [tilespmem:s26], [sflag:$0x5], $0x800, $0x38;
	v63 =	vld [tilespmem:$0x0]  }
0x8b: {  	s13 =	rddreg [dreg:$0x1f]  }
0x8c: {  	[spmem:s14] =	stream.linear.scatter [tilespmem:s26], [sflag:$0x5], $0x800, $0x38;
	v63 =	vld [tilespmem:$0x0]  }
0x8d: {  	s14 =	sld [smem:$0x7F6]  }
0x8e: {  	[spmem:s13] =	stream.linear.scatter [tilespmem:s26], [sflag:$0x5], $0x800, $0x38;
	v63 =	vld [tilespmem:$0x0]  }
0x8f: {  	s13 =	sld [smem:$0x7F7]  }
0x90: {  	[spmem:s14] =	stream.linear.scatter [tilespmem:s26], [sflag:$0x5], $0x800, $0x38;
	v63 =	vld [tilespmem:$0x0]  }
0x91: {  	s14 =	sld [smem:$0x7F8]  }
0x92: {  	[spmem:s13] =	stream.linear.scatter [tilespmem:s26], [sflag:$0x5], $0x800, $0x38;
	v63 =	vld [tilespmem:$0x0]  }
0x93: {  	_ = 	snop  }
0x94: {  	[spmem:s14] =	stream.linear.scatter [tilespmem:s26], [sflag:$0x5], $0x800, $0x38;
	v63 =	vld [tilespmem:$0x0]  }
0x95: {  	_ =	swait.ge [sflag:s30], $0x800  }
0x96: {  	[sflag:s30] =	ssyncset.done $0x0  }
0x97: {  	[sflag:s30] =	ssyncadd.s32 $0xFFFFF800  }
0x98: {  	_ =	swait.ge [sflag:s30], $0x800  }
0x99: {  	[sflag:s30] =	ssyncset.done $0x0  }
0x9a: {  	[sflag:s30] =	ssyncadd.s32 $0xFFFFF800  }
0x9b: {  	_ =	swait.ge [sflag:s30], $0x800  }
0x9c: {  	[sflag:s30] =	ssyncset.done $0x0  }
0x9d: {  	[sflag:s30] =	ssyncadd.s32 $0xFFFFF800  }
0x9e: {  	_ =	swait.ge [sflag:s30], $0x800  }
0x9f: {  	[sflag:s30] =	ssyncset.done $0x0  }
0xa0: {  	[sflag:s30] =	ssyncadd.s32 $0xFFFFF800  }
0xa1: {  	_ =	swait.ge [sflag:s30], $0x800  }
0xa2: {  	[sflag:s30] =	ssyncset.done $0x0  }
0xa3: {  	[sflag:s30] =	ssyncadd.s32 $0xFFFFF800  }
0xa4: {  	_ =	swait.ge [sflag:s30], $0x800  }
0xa5: {  	[sflag:s30] =	ssyncset.done $0x0  }
0xa6: {  	[sflag:s30] =	ssyncadd.s32 $0xFFFFF800  }
0xa7: {  	_ =	swait.ge [sflag:s30], $0x800  }
0xa8: {  	[sflag:s30] =	ssyncset.done $0x0  }
0xa9: {  	[sflag:s30] =	ssyncadd.s32 $0xFFFFF800  }
0xaa: {  	_ =	swait.ge [sflag:s30], $0x800  }
0xab: {  	s13 =	sld [smem:$0x7F9]  }
0xac: {  	[sflag:s30] =	ssyncset.done $0x0  }
0xad: {  	s14 =	sld [smem:$0x7FA];
	[sflag:s30] =	ssyncadd.s32 $0xFFFFF800  }
0xae: {  	[spmem:s13] =	stream.linear.scatter [tilespmem:s26], [sflag:$0x5], $0x800, $0x38;
	v63 =	vld [tilespmem:$0x0]  }
0xaf: {  	s13 =	sld [smem:$0x7FB]  }
0xb0: {  	[spmem:s14] =	stream.linear.scatter [tilespmem:s26], [sflag:$0x5], $0x800, $0x38;
	v63 =	vld [tilespmem:$0x0]  }
0xb1: {  	s14 =	sld [smem:$0x7FC]  }
0xb2: {  	[spmem:s13] =	stream.linear.scatter [tilespmem:s26], [sflag:$0x5], $0x800, $0x38;
	v63 =	vld [tilespmem:$0x0]  }
0xb3: {  	s13 =	sld [smem:$0x7FD]  }
0xb4: {  	[spmem:s14] =	stream.linear.scatter [tilespmem:s26], [sflag:$0x5], $0x800, $0x38;
	v63 =	vld [tilespmem:$0x0]  }
0xb5: {  	_ = 	snop  }
0xb6: {  	[spmem:s13] =	stream.linear.scatter [tilespmem:s26], [sflag:$0x5], $0x800, $0x38;
	v63 =	vld [tilespmem:$0x0]  }
0xb7: {  	_ = 	snop  }
0xb8: {  	[spmem:s15] =	stream.linear.scatter [tilespmem:s26], [sflag:$0x5], $0x800, $0x38;
	v63 =	vld [tilespmem:$0x0]  }
0xb9: {  	_ = 	snop  }
0xba: {  	[spmem:s16] =	stream.linear.scatter [tilespmem:s26], [sflag:$0x5], $0x800, $0x38;
	v63 =	vld [tilespmem:$0x0]  }
0xbb: {  	_ = 	snop  }
0xbc: {  	[spmem:s17] =	stream.linear.scatter [tilespmem:s26], [sflag:$0x5], $0x800, $0x38;
	v63 =	vld [tilespmem:$0x0]  }
0xbd: {  	_ =	swait.ge [sflag:s30], $0x800  }
0xbe: {  	[sflag:s30] =	ssyncset.done $0x0  }
0xbf: {  	[sflag:s30] =	ssyncadd.s32 $0xFFFFF800  }
0xc0: {  	_ =	swait.ge [sflag:s30], $0x800  }
0xc1: {  	[sflag:s30] =	ssyncset.done $0x0  }
0xc2: {  	[sflag:s30] =	ssyncadd.s32 $0xFFFFF800  }
0xc3: {  	_ =	swait.ge [sflag:s30], $0x800  }
0xc4: {  	[sflag:s30] =	ssyncset.done $0x0  }
0xc5: {  	[sflag:s30] =	ssyncadd.s32 $0xFFFFF800  }
0xc6: {  	_ =	swait.ge [sflag:s30], $0x800  }
0xc7: {  	[sflag:s30] =	ssyncset.done $0x0  }
0xc8: {  	[sflag:s30] =	ssyncadd.s32 $0xFFFFF800  }
0xc9: {  	_ =	swait.ge [sflag:s30], $0x800  }
0xca: {  	[sflag:s30] =	ssyncset.done $0x0  }
0xcb: {  	[sflag:s30] =	ssyncadd.s32 $0xFFFFF800  }
0xcc: {  	_ =	swait.ge [sflag:s30], $0x800  }
0xcd: {  	[sflag:s30] =	ssyncset.done $0x0  }
0xce: {  	[sflag:s30] =	ssyncadd.s32 $0xFFFFF800  }
0xcf: {  	_ =	swait.ge [sflag:s30], $0x800  }
0xd0: {  	[sflag:s30] =	ssyncset.done $0x0  }
0xd1: {  	[sflag:s30] =	ssyncadd.s32 $0xFFFFF800  }
0xd2: {  	_ =	swait.ge [sflag:s30], $0x800  }
0xd3: {  	[sflag:s30] =	ssyncset.done $0x0  }
0xd4: {  	[sflag:s30] =	ssyncadd.s32 $0xFFFFF800  }
0xd5: {  	[spmem:s18] =	stream.linear.scatter [tilespmem:s26], [sflag:$0x5], $0x800, $0x38;
	v63 =	vld [tilespmem:$0x0]  }
0xd6: {  	_ = 	snop  }
0xd7: {  	[spmem:s19] =	stream.linear.scatter [tilespmem:s26], [sflag:$0x5], $0x800, $0x38;
	v63 =	vld [tilespmem:$0x0]  }
0xd8: {  	_ = 	snop  }
0xd9: {  	[spmem:s20] =	stream.linear.scatter [tilespmem:s26], [sflag:$0x5], $0x800, $0x38;
	v63 =	vld [tilespmem:$0x0]  }
0xda: {  	_ = 	snop  }
0xdb: {  	[spmem:s21] =	stream.linear.scatter [tilespmem:s26], [sflag:$0x5], $0x800, $0x38;
	v63 =	vld [tilespmem:$0x0]  }
0xdc: {  	_ = 	snop  }
0xdd: {  	[spmem:s22] =	stream.linear.scatter [tilespmem:s26], [sflag:$0x5], $0x800, $0x38;
	v63 =	vld [tilespmem:$0x0]  }
0xde: {  	_ = 	snop  }
0xdf: {  	[spmem:s23] =	stream.linear.scatter [tilespmem:s26], [sflag:$0x5], $0x800, $0x38;
	v63 =	vld [tilespmem:$0x0]  }
0xe0: {  	_ = 	snop  }
0xe1: {  	[spmem:s24] =	stream.linear.scatter [tilespmem:s26], [sflag:$0x5], $0x800, $0x38;
	v63 =	vld [tilespmem:$0x0]  }
0xe2: {  	_ = 	snop  }
0xe3: {  	[spmem:s25] =	stream.linear.scatter [tilespmem:s26], [sflag:$0x5], $0x800, $0x38;
	v63 =	vld [tilespmem:$0x0]  }
0xe4: {  	_ =	swait.ge [sflag:s30], $0x800  }
0xe5: {  	[sflag:s30] =	ssyncset.done $0x0  }
0xe6: {  	[sflag:s30] =	ssyncadd.s32 $0xFFFFF800  }
0xe7: {  	_ =	swait.ge [sflag:s30], $0x800  }
0xe8: {  	[sflag:s30] =	ssyncset.done $0x0  }
0xe9: {  	[sflag:s30] =	ssyncadd.s32 $0xFFFFF800  }
0xea: {  	_ =	swait.ge [sflag:s30], $0x800  }
0xeb: {  	[sflag:s30] =	ssyncset.done $0x0  }
0xec: {  	[sflag:s30] =	ssyncadd.s32 $0xFFFFF800  }
0xed: {  	_ =	swait.ge [sflag:s30], $0x800  }
0xee: {  	[sflag:s30] =	ssyncset.done $0x0  }
0xef: {  	[sflag:s30] =	ssyncadd.s32 $0xFFFFF800  }
0xf0: {  	_ =	swait.ge [sflag:s30], $0x800  }
0xf1: {  	[sflag:s30] =	ssyncset.done $0x0  }
0xf2: {  	[sflag:s30] =	ssyncadd.s32 $0xFFFFF800  }
0xf3: {  	_ =	swait.ge [sflag:s30], $0x800  }
0xf4: {  	[sflag:s30] =	ssyncset.done $0x0  }
0xf5: {  	[sflag:s30] =	ssyncadd.s32 $0xFFFFF800  }
0xf6: {  	_ =	swait.ge [sflag:s30], $0x800  }
0xf7: {  	[sflag:s30] =	ssyncset.done $0x0  }
0xf8: {  	[sflag:s30] =	ssyncadd.s32 $0xFFFFF800  }
0xf9: {  	_ =	swait.ge [sflag:s30], $0x800  }
0xfa: {  	[sflag:s30] =	ssyncset.done $0x0  }
0xfb: {  	[sflag:s30] =	ssyncadd.s32 $0xFFFFF800  }
0xfc: {  	_ =	swait.ge [sflag:s31], $0x2880  }
0xfd: {  	[sflag:s31] =	ssyncset.done $0x0  }
0xfe: {  	[sflag:s31] =	ssyncadd.s32 $0xFFFFD780  }
0xff: {  	_ =	swait.ge [sflag:s2], $0x2880  }
0x100: {  	[sflag:s2] =	ssyncset.done $0x0  }
0x101: {  	[sflag:s2] =	ssyncadd.s32 $0xFFFFD780  }
0x102: {  	[bflag:$0x0] =	sbarrier.arrive $0xFFFF  }
0x103: {  	[tilespmem:s5], [sflag:$0x1] =	stream.indirect.gather [hbm4b:s1+s0], $0x80, s4, s0, $0xb8;
	v63 =	vld [tilespmem:$0x0]  }
0x104: {  	s14 =	simm.s32 $0x80  }
0x105: {  	[tilespmem:s7], [sflag:$0x2] =	stream.indirect.gather [hbm4b:s1+s0], $0x80, s14, s0, $0xb8;
	v63 =	vld [tilespmem:$0x0]  }
0x106: {  	s13 =	simm.s32 $0x100  }
0x107: {  	[tilespmem:s8], [sflag:$0x3] =	stream.indirect.gather [hbm4b:s1+s0], $0x80, s13, s0, $0xb8;
	v63 =	vld [tilespmem:$0x0]  }
0x108: {  	_ =	swait.ge [sflag:s31], $0x2000  }
0x109: {  	[sflag:s31] =	ssyncset.done $0x0  }
0x10a: {  	[sflag:s31] =	ssyncadd.s32 $0xFFFFE000  }
0x10b: {  	[spmem:s3] =	stream.indirect.scatter.add.f32 [tilespmem:s5], [sflag:$0x4], $0x80, s28, s0, $0xb8;
	v63 =	vld [tilespmem:$0x0]  }
0x10c: {  	_ =	swait.ge [sflag:s29], $0x2000  }
0x10d: {  	[sflag:s29] =	ssyncset.done $0x0  }
0x10e: {  	s14 =	simm.s32 $0x180;
	[sflag:s29] =	ssyncadd.s32 $0xFFFFE000  }
0x10f: {  	[tilespmem:s5], [sflag:$0x1] =	stream.indirect.gather [hbm4b:s1+s0], $0x80, s14, s0, $0xb8;
	v63 =	vld [tilespmem:$0x0]  }
0x110: {  	_ =	swait.ge [sflag:s2], $0x2000  }
0x111: {  	[sflag:s2] =	ssyncset.done $0x0  }
0x112: {  	s13 =	simm.s32 $0x2C80;
	[sflag:s2] =	ssyncadd.s32 $0xFFFFE000  }
0x113: {  	[spmem:s3] =	stream.indirect.scatter.add.f32 [tilespmem:s7], [sflag:$0x5], $0x80, s13, s0, $0xb8;
	v63 =	vld [tilespmem:$0x0]  }
0x114: {  	_ =	swait.ge [sflag:s30], $0x2000  }
0x115: {  	[sflag:s30] =	ssyncset.done $0x0  }
0x116: {  	s14 =	simm.s32 $0x200;
	[sflag:s30] =	ssyncadd.s32 $0xFFFFE000  }
0x117: {  	[tilespmem:s7], [sflag:$0x2] =	stream.indirect.gather [hbm4b:s1+s0], $0x80, s14, s0, $0xb8;
	v63 =	vld [tilespmem:$0x0]  }
0x118: {  	_ =	swait.ge [sflag:s9], $0x2000  }
0x119: {  	[sflag:s9] =	ssyncset.done $0x0  }
0x11a: {  	s13 =	simm.s32 $0x2D00;
	[sflag:s9] =	ssyncadd.s32 $0xFFFFE000  }
0x11b: {  	[spmem:s3] =	stream.indirect.scatter.add.f32 [tilespmem:s8], [sflag:$0x6], $0x80, s13, s0, $0xb8;
	v63 =	vld [tilespmem:$0x0]  }
0x11c: {  	_ =	swait.ge [sflag:s10], $0x2000  }
0x11d: {  	[sflag:s10] =	ssyncset.done $0x0  }
0x11e: {  	s14 =	simm.s32 $0x280;
	[sflag:s10] =	ssyncadd.s32 $0xFFFFE000  }
0x11f: {  	[tilespmem:s8], [sflag:$0x3] =	stream.indirect.gather [hbm4b:s1+s0], $0x80, s14, s0, $0xb8;
	v63 =	vld [tilespmem:$0x0]  }
0x120: {  	_ =	swait.ge [sflag:s31], $0x2000  }
0x121: {  	[sflag:s31] =	ssyncset.done $0x0  }
0x122: {  	s13 =	simm.s32 $0x2D80;
	[sflag:s31] =	ssyncadd.s32 $0xFFFFE000  }
0x123: {  	[spmem:s3] =	stream.indirect.scatter.add.f32 [tilespmem:s5], [sflag:$0x4], $0x80, s13, s0, $0xb8;
	v63 =	vld [tilespmem:$0x0]  }
0x124: {  	_ =	swait.ge [sflag:s29], $0x2000  }
0x125: {  	[sflag:s29] =	ssyncset.done $0x0  }
0x126: {  	s14 =	simm.s32 $0x300;
	[sflag:s29] =	ssyncadd.s32 $0xFFFFE000  }
0x127: {  	[tilespmem:s5], [sflag:$0x1] =	stream.indirect.gather [hbm4b:s1+s0], $0x80, s14, s0, $0xb8;
	v63 =	vld [tilespmem:$0x0]  }
0x128: {  	_ =	swait.ge [sflag:s2], $0x2000  }
0x129: {  	[sflag:s2] =	ssyncset.done $0x0  }
0x12a: {  	s13 =	simm.s32 $0x2E00;
	[sflag:s2] =	ssyncadd.s32 $0xFFFFE000  }
0x12b: {  	[spmem:s3] =	stream.indirect.scatter.add.f32 [tilespmem:s7], [sflag:$0x5], $0x80, s13, s0, $0xb8;
	v63 =	vld [tilespmem:$0x0]  }
0x12c: {  	_ =	swait.ge [sflag:s30], $0x2000  }
0x12d: {  	[sflag:s30] =	ssyncset.done $0x0  }
0x12e: {  	s14 =	simm.s32 $0x380;
	[sflag:s30] =	ssyncadd.s32 $0xFFFFE000  }
0x12f: {  	[tilespmem:s7], [sflag:$0x2] =	stream.indirect.gather [hbm4b:s1+s0], $0x80, s14, s0, $0xb8;
	v63 =	vld [tilespmem:$0x0]  }
0x130: {  	_ =	swait.ge [sflag:s9], $0x2000  }
0x131: {  	[sflag:s9] =	ssyncset.done $0x0  }
0x132: {  	s12 =	simm.s32 $0x600;
	s13 =	simm.s32 $0x2E80;
	[sflag:s9] =	ssyncadd.s32 $0xFFFFE000  }
.LBB2_2:
0x133: {  	[spmem:s3] =	stream.indirect.scatter.add.f32 [tilespmem:s8], [sflag:$0x6], $0x80, s13, s0, $0xb8;
	v63 =	vld [tilespmem:$0x0]  }
0x134: {  	s13 =	smov.u32 s12;
	s12 =	sadd.s32 $0x600, s12;
	_ =	swait.ge [sflag:s10], $0x2000  }
0x135: {  	s13 =	sshra.s32 s13, $0x2;
	p1 =	sne.s32 s12, $0x9600;
	[sflag:s10] =	ssyncset.done $0x0  }
0x136: {  	s14 =	sadd.s32 $0x280, s13;
	[sflag:s10] =	ssyncadd.s32 $0xFFFFE000  }
0x137: {  	[tilespmem:s8], [sflag:$0x3] =	stream.indirect.gather [hbm4b:s1+s0], $0x80, s14, s0, $0xb8;
	v63 =	vld [tilespmem:$0x0]  }
0x138: {  	_ =	swait.ge [sflag:s31], $0x2000  }
0x139: {  	[sflag:s31] =	ssyncset.done $0x0  }
0x13a: {  	s14 =	sadd.s32 $0x2D80, s13;
	[sflag:s31] =	ssyncadd.s32 $0xFFFFE000  }
0x13b: {  	[spmem:s3] =	stream.indirect.scatter.add.f32 [tilespmem:s5], [sflag:$0x4], $0x80, s14, s0, $0xb8;
	v63 =	vld [tilespmem:$0x0]  }
0x13c: {  	_ =	swait.ge [sflag:s29], $0x2000  }
0x13d: {  	[sflag:s29] =	ssyncset.done $0x0  }
0x13e: {  	s14 =	sadd.s32 $0x300, s13;
	[sflag:s29] =	ssyncadd.s32 $0xFFFFE000  }
0x13f: {  	[tilespmem:s5], [sflag:$0x1] =	stream.indirect.gather [hbm4b:s1+s0], $0x80, s14, s0, $0xb8;
	v63 =	vld [tilespmem:$0x0]  }
0x140: {  	_ =	swait.ge [sflag:s2], $0x2000  }
0x141: {  	[sflag:s2] =	ssyncset.done $0x0  }
0x142: {  	s14 =	sadd.s32 $0x2E00, s13;
	[sflag:s2] =	ssyncadd.s32 $0xFFFFE000  }
0x143: {  	[spmem:s3] =	stream.indirect.scatter.add.f32 [tilespmem:s7], [sflag:$0x5], $0x80, s14, s0, $0xb8;
	v63 =	vld [tilespmem:$0x0]  }
0x144: {  	_ =	swait.ge [sflag:s30], $0x2000  }
0x145: {  	[sflag:s30] =	ssyncset.done $0x0  }
.Ltmp0:
0x146: {  	s14 =	sadd.s32 $0x380, s13;
	[sflag:s30] =	ssyncadd.s32 $0xFFFFE000;
	(pc) =	sbr.rel @p1 .LBB2_2-.Ltmp0, $4  }
0x147: {  	[tilespmem:s7], [sflag:$0x2] =	stream.indirect.gather [hbm4b:s1+s0], $0x80, s14, s0, $0xb8;
	v63 =	vld [tilespmem:$0x0]  }
0x148: {  	_ =	swait.ge [sflag:s9], $0x2000  }
0x149: {  	[sflag:s9] =	ssyncset.done $0x0  }
0x14a: {  	s13 =	sadd.s32 $0x2E80, s13;
	[sflag:s9] =	ssyncadd.s32 $0xFFFFE000  }
0x14b: {  	[spmem:s3] =	stream.indirect.scatter.add.f32 [tilespmem:s8], [sflag:$0x6], $0x80, s13, s0, $0xb8;
	v63 =	vld [tilespmem:$0x0]  }
0x14c: {  	_ =	swait.ge [sflag:s10], $0x2000  }
0x14d: {  	[sflag:s10] =	ssyncset.done $0x0  }
0x14e: {  	s14 =	simm.s32 $0x2800;
	[sflag:s10] =	ssyncadd.s32 $0xFFFFE000  }
0x14f: {  	[tilespmem:s8], [sflag:$0x3] =	stream.indirect.gather [hbm4b:s1+s0], $0x80, s14, s0, $0xb8;
	v63 =	vld [tilespmem:$0x0]  }
0x150: {  	_ =	swait.ge [sflag:s31], $0x2000  }
0x151: {  	s12 =	sshra.s32 s12, $0x2;
	[sflag:s31] =	ssyncset.done $0x0  }
0x152: {  	s14 =	sadd.s32 $0x2D80, s12;
	[sflag:s31] =	ssyncadd.s32 $0xFFFFE000  }
0x153: {  	[spmem:s3] =	stream.indirect.scatter.add.f32 [tilespmem:s5], [sflag:$0x4], $0x80, s14, s0, $0xb8;
	v63 =	vld [tilespmem:$0x0]  }
0x154: {  	_ =	swait.ge [sflag:s2], $0x2000  }
0x155: {  	[sflag:s2] =	ssyncset.done $0x0  }
0x156: {  	s12 =	sadd.s32 $0x2E00, s12;
	[sflag:s2] =	ssyncadd.s32 $0xFFFFE000  }
0x157: {  	[spmem:s3] =	stream.indirect.scatter.add.f32 [tilespmem:s7], [sflag:$0x5], $0x80, s12, s0, $0xb8;
	v63 =	vld [tilespmem:$0x0]  }
0x158: {  	_ =	swait.ge [sflag:s9], $0x2000  }
0x159: {  	[sflag:s9] =	ssyncset.done $0x0  }
0x15a: {  	s13 =	simm.s32 $0x5400;
	[sflag:s9] =	ssyncadd.s32 $0xFFFFE000  }
0x15b: {  	[spmem:s3] =	stream.indirect.scatter.add.f32 [tilespmem:s8], [sflag:$0x6], $0x80, s13, s0, $0xb8;
	v63 =	vld [tilespmem:$0x0]  }
0x15c: {  	_ =	swait.ge [sflag:s29], $0x2000  }
0x15d: {  	[sflag:s29] =	ssyncset.done $0x0  }
0x15e: {  	[sflag:s29] =	ssyncadd.s32 $0xFFFFE000  }
0x15f: {  	_ =	swait.ge [sflag:s30], $0x2000  }
0x160: {  	[sflag:s30] =	ssyncset.done $0x0  }
0x161: {  	[sflag:s30] =	ssyncadd.s32 $0xFFFFE000  }
0x162: {  	_ =	swait.ge [sflag:s10], $0x2000  }
0x163: {  	[sflag:s10] =	ssyncset.done $0x0  }
0x164: {  	[sflag:s10] =	ssyncadd.s32 $0xFFFFE000  }
0x165: {  	[bflag:$0x0] =	sbarrier.arrive $0xFFFF  }
0x166: {  	s13 =	rddreg [dreg:$0x14]  }
0x167: {  	s12 =	simm.s32 @p0 $0x1FC7;
	s14 =	rddreg [dreg:$0x16]  }
0x168: {  	[hbm:s13], [sflag:s12] =	dma.local @p0 [spmem:s14], $0x2800  }
0x169: {  	s12 =	simm.s32 @p0 $0x7  }
0x16a: {  	s13 =	stileid.u32;
	_ =	swait.ge @p0 [sflag:s12], $0x2800  }
0x16b: {  	s13 =	sshll.u32 @!p0 s13, $0x6;
	[sflag:s12] =	ssyncset.done @p0 $0x0;
	s14 =	rddreg [dreg:$0x17]  }
0x16c: {  	[sflag:s12] =	ssyncadd.s32 @p0 $0xFFFFD800;
	s12 =	sor.u32 @!p0 $0x1C07, s13;
	s13 =	rddreg [dreg:$0x13]  }
0x16d: {  	[hbm:s13], [sflag:s12] =	dma.local @!p0 [spmem:s14], $0x2700  }
0x16e: {  	s12 =	simm.s32 @!p0 $0x7  }
0x16f: {  	_ =	swait.ge @!p0 [sflag:s12], $0x2700  }
0x170: {  	s11 =	sadd.s32 $0x1, s11;
	s14 =	rddreg [dreg:$0x15]  }
0x171: {  	p1 =	sne.s32 s11, s14  }
.Ltmp1:
0x172: {  	_ = 	snop;
	(pc) =	sbr.rel @p1 .LBB2_1-.Ltmp1, $3  }
0x173: {  	_ =	sdelay $0x1  }
0x174: {  	[sflag:s12] =	ssyncset.done @!p0 $0x0  }
0x175: {  	[sflag:s12] =	ssyncadd.s32 @!p0 $0xFFFFD900  }
0x176: {  	_ =	sfence.sel $0x180000  }
0x177: {  	[bflag:$0x0] =	sbarrier.arrive $0xFFFF  }
0x178: {  	_ =	strace $0x9000004A  }
0x179: {  	s0 =	stileid.u32;
	[bflag:$0x2] =	sbarrier.arrive $0xFFFF  }
0x17a: {  	p0 =	sne.s32 s0, $0x0;
	s0 =	rddreg [dreg:$0x3]  }
0x17b: {  	s0 =	sadd.s32 @!p0 $0x100000, s0  }
0x17c: {  	[sflag:s0] =	ssyncadd.tile.s32 @!p0 $0x1;
	_ =	shalt  }
.Lfunc_end2:
_tile_overlayer_lowered:
.L_overlay_start_2:
0x17d: {  	(tag) =	ssettag $0x2  }
0x17e: {  	s0 =	rddreg [dreg:$0x0];
	s2 =	stileid.u32  }
0x17f: {  	s1 =	rddreg [dreg:$0x1];
	p0 =	sne.s32 s2, $0x0  }
0x180: {  	s3 =	rddreg [dreg:$0x2];
	[bflag:$0x3] =	sbarrier.arrive $0xFFFF;
	s2 =	simm.s32 @!p0 $0x1C07  }
0x181: {  	[timem:s3], [sflag:s2] =	dma.local @!p0 [hbm:s0], s1  }
0x182: {  	s0 =	simm.s32 @!p0 $0x7  }
0x183: {  	_ =	swait.ge @!p0 [sflag:s0], s1  }
0x184: {  	s1 =	ssub.s32 @!p0 $0x0, s1;
	[sflag:s0] =	ssyncset.done @!p0 $0x0  }
0x185: {  	[sflag:s0] =	ssyncadd.s32 @!p0 s1  }
0x186: {  	[bflag:$0x3] =	sbarrier.arrive $0xFFFF  }
0x187: {  	_ =	shalt  }

// kernel: kernel.14.cloned.1.call-start
scs
__scs_entry_jumppad:
0x0: {  	(pc) =	sbr.rel $0x88, $3  }
0x1: {  	(tag) =	ssettag $0x0;
	lr =	simm.s32 $0x1  }
0x2: {  	[smem:$0x3F9D] =	sst lr;
	_ =	strace $0xD0000000  }
0x3: {  	_ = 	snop  }
0x4: {  	_ = 	snop  }
0x5: {  	_ = 	snop  }
0x6: {  	_ = 	snop  }
0x7: {  	_ = 	snop  }
__scs_overlays_trampoline_lowered:
0x8: {  	[smem:$0x3FAC] =	sst s0  }
0x9: {  	[smem:$0x3FAD] =	sst s1  }
0xa: {  	[smem:$0x3FAE] =	sst s2  }
0xb: {  	[smem:$0x3FAF] =	sst s3  }
0xc: {  	[smem:$0x3FB0] =	sst s4  }
0xd: {  	[smem:$0x3FB1] =	sst s5  }
0xe: {  	[smem:$0x3FB2] =	sst s6  }
0xf: {  	[smem:$0x3FB3] =	sst s7  }
0x10: {  	[smem:$0x3FB4] =	sst s8  }
0x11: {  	[smem:$0x3FB5] =	sst s9;
	s0 =	simm.s32 @!p0 $0x0  }
0x12: {  	s1 =	sld [smem:$0x3F9B];
	s0 =	simm.s32 @p0 $0x1  }
0x13: {  	[smem:$0x3FB6] =	sst s0;
	s0 =	simm.s32 @!p1 $0x0  }
0x14: {  	s2 =	sld [smem:$0x3F9A];
	s0 =	simm.s32 @p1 $0x1  }
0x15: {  	[smem:$0x3FB7] =	sst s0;
	s0 =	simm.s32 @!p2 $0x0  }
0x16: {  	s3 =	sld [smem:$0x3FDB];
	s0 =	simm.s32 @p2 $0x1  }
0x17: {  	s4 =	simm.s32 $0x1BF5;
	[smem:$0x3FB9] =	sst s0  }
0x18: {  	s0 =	sld [smem:$0x3F9C];
	_ =	swait.ge [sflag:s4], $0x0  }
0x19: {  	s7 =	sld [smem:$0x3F9D]  }
0x1a: {  	s8 =	sadd.s32 $0xFFFFE003, lr  }
0x1b: {  	s9 =	sadd.s32 $0xFFFFFEF7, lr;
	s5 =	simm.s32 $0xFFFFFFFF;
	p2 =	slt.u32 s8, $0xFFFFF086  }
0x1c: {  	p1 =	slt.u32 s9, $0xF7A;
	s5 =	simm.s32 @!p2 $0x0  }
0x1d: {  	s5 =	simm.s32 @p1 $0x1;
	p0 =	seq.s32 s7, s2  }
0x1e: {  	s7 =	smul.u32 @!p0 $0xF7A, s2;
	p2 =	seq.s32 @!p0 s5, $0x0  }
0x1f: {  	s9 =	smul.u32 $0xF7A, s1;
	s8 =	simm.s32 @!p0 $0x1BF5;
	p2 =	por !p2, p0  }
0x20: {  	[sflag:s8] =	ssyncset.s32 @!p0 $0xFFFFF086;
	s6 =	sadd.s32 @!p0 s3, s7;
	s7 =	simm.s32 @!p0 $0x108  }
0x21: {  	s3 =	sadd.s32 s3, s9;
	s6 =	sadd.s32 @!p0 $0x88, s6;
	s7 =	simm.s32 @p2 $0x1082  }
0x22: {  	[simem:s7], [sflag:s8] =	dma.local @!p0 [hbm:s6], $0xF7A  }
0x23: {  	s9 =	sor.u32 $0xD0000000, s2;
	s6 =	simm.s32 $0x108;
	_ =	swait.ge @!p0 [sflag:s8], $0x0  }
0x24: {  	s3 =	sadd.s32 $0x88, s3;
	s6 =	simm.s32 @!p1 $0x1082;
	[sflag:s4] =	ssyncset.s32 $0xFFFFF086  }
0x25: {  	[simem:s6], [sflag:s4] =	dma.local [hbm:s3], $0xF7A  }
0x26: {  	[smem:$0x3F9D] =	sst s1;
	(tag) =	ssettag s2;
	_ =	strace s9  }
0x27: {  	s1 =	sld [smem:$0x3FAD]  }
0x28: {  	s2 =	sld [smem:$0x3FAE]  }
0x29: {  	s4 =	sld [smem:$0x3FB0]  }
0x2a: {  	p0 =	seq.s32 s5, $0x0;
	s5 =	sld [smem:$0x3FB1]  }
0x2b: {  	s6 =	sld [smem:$0x3FB2]  }
0x2c: {  	s7 =	sld [smem:$0x3FB3]  }
0x2d: {  	s3 =	simm.s32 $0x108;
	s8 =	sld [smem:$0x3FB4]  }
0x2e: {  	s3 =	simm.s32 @!p0 $0x1082;
	s9 =	sld [smem:$0x3FB5]  }
0x2f: {  	lr =	sadd.s32 s0, s3;
	s0 =	sld [smem:$0x3FAC]  }
0x30: {  	s3 =	sld [smem:$0x3FAF]  }
0x31: {  	[smem:$0x3FB8] =	sst s10  }
0x32: {  	s10 =	sld [smem:$0x3FB6];
	_ =	sdelay $0x3  }
0x33: {  	p0 =	seq.s32 s10, $0x1;
	s10 =	sld [smem:$0x3FB8];
	_ =	sdelay $0x3  }
0x34: {  	[smem:$0x3FB8] =	sst s10  }
0x35: {  	s10 =	sld [smem:$0x3FB7];
	_ =	sdelay $0x3  }
0x36: {  	p1 =	seq.s32 s10, $0x1;
	s10 =	sld [smem:$0x3FB8];
	_ =	sdelay $0x3  }
0x37: {  	[smem:$0x3FB8] =	sst s10  }
0x38: {  	s10 =	sld [smem:$0x3FB9]  }
0x39: {  	_ = 	snop;
	(pc) =	sbr.ind lr, $3  }
0x3a: {  	_ = 	snop  }
0x3b: {  	_ = 	snop  }
0x3c: {  	p2 =	seq.s32 s10, $0x1;
	s10 =	sld [smem:$0x3FB8]  }
0x3d: {  	_ =	shalt  }
0x3e: {  	_ =	shalt  }
0x3f: {  	_ =	shalt  }
0x40: {  	_ =	shalt  }
0x41: {  	_ =	shalt  }
0x42: {  	_ =	shalt  }
0x43: {  	_ =	shalt  }
0x44: {  	_ =	shalt  }
0x45: {  	_ =	shalt  }
0x46: {  	_ =	shalt  }
0x47: {  	_ =	shalt  }
0x48: {  	_ =	shalt  }
0x49: {  	_ =	shalt  }
0x4a: {  	_ =	shalt  }
0x4b: {  	_ =	shalt  }
0x4c: {  	_ =	shalt  }
0x4d: {  	_ =	shalt  }
0x4e: {  	_ =	shalt  }
0x4f: {  	_ =	shalt  }
0x50: {  	_ =	shalt  }
0x51: {  	_ =	shalt  }
0x52: {  	_ =	shalt  }
0x53: {  	_ =	shalt  }
0x54: {  	_ =	shalt  }
0x55: {  	_ =	shalt  }
0x56: {  	_ =	shalt  }
0x57: {  	_ =	shalt  }
0x58: {  	_ =	shalt  }
0x59: {  	_ =	shalt  }
0x5a: {  	_ =	shalt  }
0x5b: {  	_ =	shalt  }
0x5c: {  	_ =	shalt  }
0x5d: {  	_ =	shalt  }
0x5e: {  	_ =	shalt  }
0x5f: {  	_ =	shalt  }
0x60: {  	_ =	shalt  }
0x61: {  	_ =	shalt  }
0x62: {  	_ =	shalt  }
0x63: {  	_ =	shalt  }
0x64: {  	_ =	shalt  }
0x65: {  	_ =	shalt  }
0x66: {  	_ =	shalt  }
0x67: {  	_ =	shalt  }
0x68: {  	_ =	shalt  }
0x69: {  	_ =	shalt  }
0x6a: {  	_ =	shalt  }
0x6b: {  	_ =	shalt  }
0x6c: {  	_ =	shalt  }
0x6d: {  	_ =	shalt  }
0x6e: {  	_ =	shalt  }
0x6f: {  	_ =	shalt  }
0x70: {  	_ =	shalt  }
0x71: {  	_ =	shalt  }
0x72: {  	_ =	shalt  }
0x73: {  	_ =	shalt  }
0x74: {  	_ =	shalt  }
0x75: {  	_ =	shalt  }
0x76: {  	_ =	shalt  }
0x77: {  	_ =	shalt  }
0x78: {  	_ =	shalt  }
0x79: {  	_ =	shalt  }
0x7a: {  	_ =	shalt  }
0x7b: {  	_ =	shalt  }
0x7c: {  	_ =	shalt  }
0x7d: {  	_ =	shalt  }
0x7e: {  	_ =	shalt  }
0x7f: {  	_ =	shalt  }
0x80: {  	_ =	shalt  }
0x81: {  	_ =	shalt  }
0x82: {  	_ =	shalt  }
0x83: {  	_ =	shalt  }
0x84: {  	_ =	shalt  }
0x85: {  	_ =	shalt  }
0x86: {  	_ =	shalt  }
0x87: {  	_ =	shalt  }
.Lfunc_end0:
.L_simem_size_0:
called_computation.2_lowered:
.L_overlay_start_0:
0x88: {  	s2 =	sld [smem:$0x3FD9]  }
0x89: {  	s3 =	sld [smem:$0x3FFE];
	_ =	sdelay $0x1  }
0x8a: {  	s1 =	srdreg.scid  }
0x8b: {  	s0 =	sand.u32 $0x1, s1  }
0x8c: {  	s17 =	sshll.u32 s0, $0xA;
	s2 =	sadd.s32 s3, s2  }
0x8d: {  	s2 =	sadd.s32 s2, s17  }
0x8e: {  	[smem:$0x3FC4] =	sst s2  }
0x8f: {  	_ = 	snop  }
0x90: {  	s2 =	sld [smem:$0x3FD0];
	(tm) =	ssettm $0x1  }
0x91: {  	s18 =	sld [smem:$0x3FFB];
	_ =	sdelay $0x3  }
0x92: {  	_ =	strace s18  }
0x93: {  	s3 =	sld [smem:$0x3FFC];
	_ =	sdelay $0x3  }
0x94: {  	_ =	strace s3  }
0x95: {  	s3 =	sld [smem:$0x3FFD];
	_ =	sdelay $0x3  }
0x96: {  	_ =	strace s3  }
0x97: {  	_ =	strace $0x8FFFFFFF  }
0x98: {  	s19 =	sld [smem:$0x3FDB];
	_ =	sdelay $0x1  }
0x99: {  	s4 =	simm.s32 $_scs_section_size  }
0x9a: {  	s5 =	simm.s32 $_size__tile_overlayer_lowered;
	s6 =	simm.s32 $_tile_overlayer_lowered  }
0x9b: {  	s22 =	simm.s32 $0x1BFF;
	s21 =	sshll.u32 s6, $0x1;
	s3 =	sadd.s32 s4, s19  }
0x9c: {  	s7 =	simm.s32 $0x0;
	s20 =	sshll.u32 s5, $0x1;
	s5 =	sadd.s32 s21, s3  }
0x9d: {  	[timem:s7], [sflag:s22] =	dma.local [hbm:s5], s20  }
0x9e: {  	_ =	swait.ge [sflag:s22], s20  }
0x9f: {  	s4 =	ssub.s32 $0x0, s20;
	[sflag:s22] =	ssyncset.done $0x0  }
0xa0: {  	[sflag:s22] =	ssyncadd.s32 s4;
	_ =	sdelay $0x1  }
0xa1: {  	s23 =	simm.s32 $0x1B8B  }
0xa2: {  	_ =	swait.ge [sflag:s23], $0x1  }
0xa3: {  	[sflag:s23] =	ssyncset.done $0x0  }
0xa4: {  	s25 =	simm.s32 $0x1B8E;
	s24 =	sld [smem:$0x3FFE];
	[sflag:s23] =	ssyncadd.s32 $0xFFFFFFFF  }
0xa5: {  	s26 =	simm.s32 $execute0_lowered;
	[smem:$0x3FD2] =	sst s25  }
0xa6: {  	s5 =	sshll.u32 s26, $0x1;
	_ =	strace $0x8000004C;
	[dreg:$0x1] =	wrdreg $0xFFFFFFFF  }
0xa7: {  	s28 =	simm.s32 $_size_execute0_lowered;
	s3 =	sadd.s32 s3, s5;
	[dreg:$0x0] =	wrdreg $0x0  }
0xa8: {  	s5 =	sshll.u32 s28, $0x1;
	[dreg:$0x2] =	wrdreg s3  }
0xa9: {  	[dreg:$0x3] =	wrdreg s5  }
0xaa: {  	[dreg:$0x4] =	wrdreg $0xC0  }
0xab: {  	_ =	task [dreg:s7], $0x5FFFF  }
0xac: {  	[dreg:$0x1] =	wrdreg $0xFFFFFFFF  }
0xad: {  	[dreg:$0x0] =	wrdreg $0x60  }
0xae: {  	[dreg:$0x2] =	wrdreg s2  }
0xaf: {  	[dreg:$0x3] =	wrdreg s24  }
0xb0: {  	[dreg:$0x4] =	wrdreg $0xC0000  }
0xb1: {  	[dreg:$0x5] =	wrdreg $0x9  }
0xb2: {  	_ =	task.clear_ibuf [dreg:s7], $0x6FFFF;
	_ =	strace $0x9000004C  }
0xb3: {  	s29 =	simm.s32 $0x9;
	_ =	strace $0x8000004E  }
0xb4: {  	_ =	swait.ge [sflag:s29], $0x1  }
0xb5: {  	[sflag:s29] =	ssyncadd.s32 $0xFFFFFFFF  }
0xb6: {  	_ =	strace $0x9000004E  }
0xb7: {  	_ =	sfence  }
0xb8: {  	s30 =	sld [smem:$0x0];
	_ =	sdelay $0x2  }
0xb9: {  	s31 =	sshll.u32 s1, $0xD;
	s1 =	sshrl.u32 s1, $0x2  }
0xba: {  	s3 =	sand.u32 $0x4000, s31;
	s1 =	sadd.s32 s1, s30  }
0xbb: {  	s0 =	sor.u32 s3, s0;
	s1 =	sshll.u32 s1, $0x11  }
0xbc: {  	s0 =	sor.u32 s1, s0  }
0xbd: {  	s0 =	sadd.s32 $0x8F2B, s0  }
0xbe: {  	[sflag:s0] =	ssyncadd.remote.s32 $0x1  }
0xbf: {  	_ =	sfence.sel $0xFFFF  }
0xc0: {  	[dreg:$0x0] =	wrdreg $0xFFFFFFFF;
	(pc) =	sbr.abs _section_cstart, $3  }
0xc1: {  	[dreg:$0x1] =	wrdreg $0xFFFFFFFF  }
0xc2: {  	_ =	task.clear_ibuf [dreg:s7], $0x2FFFF;
	_ =	strace $0x9FFFFFFF  }
0xc3: {  	(tm) =	ssettm $0x7FFFFFFF  }
tec
execute0_lowered:
.L_overlay_start_1:
0x0: {  	(tag) =	ssettag $0x1  }
0x1: {  	s0 =	srdreg.scid  }
0x2: {  	s1 =	rddreg [dreg:$0x0];
	s9 =	stileid.u32  }
0x3: {  	s2 =	rddreg [dreg:$0x1];
	s0 =	sand.u32 $0x1, s0;
	s6 =	smul.u32 $0x50000, s9  }
0x4: {  	s3 =	rddreg [dreg:$0x2];
	s4 =	sshll.u32 s0, $0x4  }
0x5: {  	s5 =	sor.u32 s9, s4;
	s4 =	simm.s32 $0x0;
	s6 =	sshrl.u32 s6, $0x2  }
0x6: {  	s8 =	sadd.s32 $0x1800, s2;
	[smem:$0x7FF] =	sst s4;
	s6 =	sadd.s32 s6, s3  }
0x7: {  	_ =	strace $0x8000004D;
	[dreg:$0x4] =	wrdreg s8;
	s14 =	sadd.s32 $0x800, s6  }
0x8: {  	s15 =	sadd.s32 $0x1000, s6;
	[dreg:$0x7] =	wrdreg s14  }
0x9: {  	s16 =	sadd.s32 $0x1800, s6;
	[dreg:$0x8] =	wrdreg s15  }
0xa: {  	s17 =	sadd.s32 $0x2000, s6;
	[dreg:$0x9] =	wrdreg s16  }
0xb: {  	s18 =	sadd.s32 $0x2800, s6;
	[dreg:$0xa] =	wrdreg s17  }
0xc: {  	s19 =	sadd.s32 $0x3000, s6;
	[dreg:$0xb] =	wrdreg s18  }
0xd: {  	s20 =	sadd.s32 $0x3800, s6;
	[dreg:$0xc] =	wrdreg s19  }
0xe: {  	s21 =	sadd.s32 $0x4000, s6;
	[dreg:$0xd] =	wrdreg s20  }
0xf: {  	s28 =	simm.s32 $0x2C00;
	s23 =	sadd.s32 $0x4800, s6;
	[dreg:$0xe] =	wrdreg s21  }
0x10: {  	s29 =	simm.s32 $0x4;
	s24 =	sadd.s32 $0x5000, s6;
	[dreg:$0xf] =	wrdreg s23  }
0x11: {  	s25 =	smul.u32 $0x4E000, s9;
	s10 =	sadd.s32 $0x5800, s6;
	[dreg:$0x10] =	wrdreg s24  }
0x12: {  	s7 =	ssub.s32 $0x2, s0;
	s26 =	sadd.s32 $0x6000, s6;
	[dreg:$0x11] =	wrdreg s10  }
0x13: {  	s12 =	sshrl.u32 s7, $0x1;
	s11 =	sadd.s32 $0x6800, s6;
	[dreg:$0x12] =	wrdreg s26  }
0x14: {  	s7 =	ssub.s32 s7, s12;
	s12 =	sadd.s32 $0x7000, s6;
	[dreg:$0x18] =	wrdreg s11  }
0x15: {  	s8 =	sshrl.u32 s25, $0x2;
	s25 =	sadd.s32 $0xD800, s6;
	[dreg:$0x19] =	wrdreg s12  }
0x16: {  	s30 =	simm.s32 $0x5;
	s10 =	smax.u32 s7, $0x1;
	[smem:$0x7FC] =	sst s25  }
0x17: {  	s31 =	simm.s32 $0x1;
	s14 =	sadd.s32 $0x8000, s6;
	[dreg:$0x15] =	wrdreg s10  }
0x18: {  	s22 =	smul.u32 $0x13800, s9;
	s15 =	sadd.s32 $0x8800, s6;
	[dreg:$0x1b] =	wrdreg s14  }
0x19: {  	p0 =	seq.s32 s9, $0xF;
	s16 =	sadd.s32 $0x9000, s6;
	[dreg:$0x1c] =	wrdreg s15  }
0x1a: {  	s0 =	smul.u32 $0x138800, s0;
	s17 =	sadd.s32 $0x9800, s6;
	[dreg:$0x1d] =	wrdreg s16  }
0x1b: {  	s5 =	smul.u32 $0x580, s5;
	s18 =	sadd.s32 $0xA000, s6;
	[dreg:$0x1e] =	wrdreg s17  }
0x1c: {  	s9 =	simm.s32 $0x3;
	s19 =	sadd.s32 $0xA800, s6;
	[dreg:$0x1f] =	wrdreg s18  }
0x1d: {  	s5 =	sadd.s32 s5, s2;
	s20 =	sadd.s32 $0xB000, s6;
	[smem:$0x7F6] =	sst s19  }
0x1e: {  	s2 =	sadd.s32 $0x1CA00, s2;
	s21 =	sadd.s32 $0xB800, s6;
	[smem:$0x7F7] =	sst s20  }
0x1f: {  	s23 =	sadd.s32 $0xC800, s6;
	s24 =	sadd.s32 $0xD000, s6;
	[smem:$0x7F8] =	sst s21  }
0x20: {  	s26 =	sadd.s32 $0xE000, s6;
	s25 =	sadd.s32 $0x13800, s6;
	[smem:$0x7FA] =	sst s23  }
0x21: {  	s7 =	simm.s32 $0x7800;
	s11 =	simm.s32 $0x0;
	[smem:$0x7FB] =	sst s24  }
0x22: {  	s13 =	sadd.s32 $0x11A00, s5;
	s5 =	sadd.s32 $0x6A00, s5;
	[smem:$0x7FD] =	sst s26  }
0x23: {  	s15 =	sadd.s32 $0xE800, s6;
	s16 =	sadd.s32 $0xF000, s6;
	s17 =	sadd.s32 $0xF800, s6  }
0x24: {  	s18 =	sadd.s32 $0x10000, s6;
	s19 =	sadd.s32 $0x10800, s6;
	s20 =	sadd.s32 $0x11000, s6  }
0x25: {  	s21 =	sadd.s32 $0x11800, s6;
	s23 =	sadd.s32 $0x12800, s6;
	s24 =	sadd.s32 $0x13000, s6  }
0x26: {  	s26 =	simm.s32 $0xB800;
	s10 =	simm.s32 $0x6;
	[dreg:$0x5] =	wrdreg s13  }
0x27: {  	[dreg:$0x6] =	wrdreg s5;
	s5 =	sadd.s32 s22, s0;
	s13 =	sadd.s32 $0x7800, s6  }
0x28: {  	s0 =	sshrl.u32 s0, $0x3;
	s22 =	sadd.s32 $0xC000, s6;
	[dreg:$0x1a] =	wrdreg s13  }
0x29: {  	s5 =	sshrl.u32 s5, $0x3;
	s0 =	sadd.s32 s2, s0;
	[smem:$0x7F9] =	sst s22  }
0x2a: {  	s22 =	sadd.s32 $0x12000, s6;
	s5 =	sadd.s32 s2, s5;
	s0 =	sadd.s32 $0x24900, s0  }
0x2b: {  	s2 =	simm.s32 $0x2;
	[dreg:$0x14] =	wrdreg s0;
	s0 =	sadd.s32 $0x124800, s3  }
0x2c: {  	[dreg:$0x13] =	wrdreg s5;
	s5 =	sadd.s32 s8, s3;
	s0 =	sshrl.u32 @p0 s0, $0x3  }
0x2d: {  	s8 =	simm.s32 $0x9800;
	[dreg:$0x16] =	wrdreg s0;
	s0 =	sshrl.u32 @!p0 s5, $0x3  }
0x2e: {  	s5 =	simm.s32 $0x5800;
	[dreg:$0x17] =	wrdreg s0;
	s0 =	simm.s32 $0x40  }
.LBB2_1:
0x2f: {  	s12 =	rddreg [dreg:$0x4]  }
0x30: {  	[tilespmem:s26], [sflag:$0x4] =	stream.linear.gather [hbm4b:s12+s4], $0x800, $0x38;
	v63 =	vld [tilespmem:$0x0]  }
0x31: {  	s14 =	rddreg [dreg:$0x5]  }
0x32: {  	[tilespmem:s4], [sflag:$0x1] =	stream.linear.gather [hbm4b:s14+s4], $0x2880, $0x38;
	v63 =	vld [tilespmem:$0x0]  }
0x33: {  	s13 =	rddreg [dreg:$0x6]  }
0x34: {  	[tilespmem:s28], [sflag:$0x2] =	stream.linear.gather [hbm4b:s13+s4], $0x2880, $0x38;
	v63 =	vld [tilespmem:$0x0]  }
0x35: {  	_ =	swait.ge [sflag:s29], $0x800  }
0x36: {  	[sflag:s29] =	ssyncset.done $0x0  }
0x37: {  	[sflag:s29] =	ssyncadd.s32 $0xFFFFF800  }
0x38: {  	[spmem:s6] =	stream.linear.scatter [tilespmem:s26], [sflag:$0x5], $0x800, $0x38;
	v63 =	vld [tilespmem:$0x0]  }
0x39: {  	s14 =	rddreg [dreg:$0x7]  }
0x3a: {  	[spmem:s14] =	stream.linear.scatter [tilespmem:s26], [sflag:$0x5], $0x800, $0x38;
	v63 =	vld [tilespmem:$0x0]  }
0x3b: {  	s13 =	rddreg [dreg:$0x8]  }
0x3c: {  	[spmem:s13] =	stream.linear.scatter [tilespmem:s26], [sflag:$0x5], $0x800, $0x38;
	v63 =	vld [tilespmem:$0x0]  }
0x3d: {  	s14 =	rddreg [dreg:$0x9]  }
0x3e: {  	[spmem:s14] =	stream.linear.scatter [tilespmem:s26], [sflag:$0x5], $0x800, $0x38;
	v63 =	vld [tilespmem:$0x0]  }
0x3f: {  	s13 =	rddreg [dreg:$0xa]  }
0x40: {  	[spmem:s13] =	stream.linear.scatter [tilespmem:s26], [sflag:$0x5], $0x800, $0x38;
	v63 =	vld [tilespmem:$0x0]  }
0x41: {  	s14 =	rddreg [dreg:$0xb]  }
0x42: {  	[spmem:s14] =	stream.linear.scatter [tilespmem:s26], [sflag:$0x5], $0x800, $0x38;
	v63 =	vld [tilespmem:$0x0]  }
0x43: {  	s13 =	rddreg [dreg:$0xc]  }
0x44: {  	[spmem:s13] =	stream.linear.scatter [tilespmem:s26], [sflag:$0x5], $0x800, $0x38;
	v63 =	vld [tilespmem:$0x0]  }
0x45: {  	s14 =	rddreg [dreg:$0xd]  }
0x46: {  	[spmem:s14] =	stream.linear.scatter [tilespmem:s26], [sflag:$0x5], $0x800, $0x38;
	v63 =	vld [tilespmem:$0x0]  }
0x47: {  	_ =	swait.ge [sflag:s30], $0x800  }
0x48: {  	[sflag:s30] =	ssyncset.done $0x0  }
0x49: {  	[sflag:s30] =	ssyncadd.s32 $0xFFFFF800  }
0x4a: {  	_ =	swait.ge [sflag:s30], $0x800  }
0x4b: {  	[sflag:s30] =	ssyncset.done $0x0  }
0x4c: {  	[sflag:s30] =	ssyncadd.s32 $0xFFFFF800  }
0x4d: {  	_ =	swait.ge [sflag:s30], $0x800  }
0x4e: {  	[sflag:s30] =	ssyncset.done $0x0  }
0x4f: {  	[sflag:s30] =	ssyncadd.s32 $0xFFFFF800  }
0x50: {  	_ =	swait.ge [sflag:s30], $0x800  }
0x51: {  	[sflag:s30] =	ssyncset.done $0x0  }
0x52: {  	[sflag:s30] =	ssyncadd.s32 $0xFFFFF800  }
0x53: {  	_ =	swait.ge [sflag:s30], $0x800  }
0x54: {  	[sflag:s30] =	ssyncset.done $0x0  }
0x55: {  	[sflag:s30] =	ssyncadd.s32 $0xFFFFF800  }
0x56: {  	_ =	swait.ge [sflag:s30], $0x800  }
0x57: {  	[sflag:s30] =	ssyncset.done $0x0  }
0x58: {  	[sflag:s30] =	ssyncadd.s32 $0xFFFFF800  }
0x59: {  	_ =	swait.ge [sflag:s30], $0x800  }
0x5a: {  	[sflag:s30] =	ssyncset.done $0x0  }
0x5b: {  	[sflag:s30] =	ssyncadd.s32 $0xFFFFF800  }
0x5c: {  	_ =	swait.ge [sflag:s30], $0x800  }
0x5d: {  	[sflag:s30] =	ssyncset.done $0x0  }
0x5e: {  	s13 =	rddreg [dreg:$0xe];
	[sflag:s30] =	ssyncadd.s32 $0xFFFFF800  }
0x5f: {  	[spmem:s13] =	stream.linear.scatter [tilespmem:s26], [sflag:$0x5], $0x800, $0x38;
	v63 =	vld [tilespmem:$0x0]  }
0x60: {  	s14 =	rddreg [dreg:$0xf]  }
0x61: {  	[spmem:s14] =	stream.linear.scatter [tilespmem:s26], [sflag:$0x5], $0x800, $0x38;
	v63 =	vld [tilespmem:$0x0]  }
0x62: {  	s13 =	rddreg [dreg:$0x10]  }
0x63: {  	[spmem:s13] =	stream.linear.scatter [tilespmem:s26], [sflag:$0x5], $0x800, $0x38;
	v63 =	vld [tilespmem:$0x0]  }
0x64: {  	s14 =	rddreg [dreg:$0x11]  }
0x65: {  	[spmem:s14] =	stream.linear.scatter [tilespmem:s26], [sflag:$0x5], $0x800, $0x38;
	v63 =	vld [tilespmem:$0x0]  }
0x66: {  	s13 =	rddreg [dreg:$0x12]  }
0x67: {  	[spmem:s13] =	stream.linear.scatter [tilespmem:s26], [sflag:$0x5], $0x800, $0x38;
	v63 =	vld [tilespmem:$0x0]  }
0x68: {  	s14 =	rddreg [dreg:$0x18]  }
0x69: {  	[spmem:s14] =	stream.linear.scatter [tilespmem:s26], [sflag:$0x5], $0x800, $0x38;
	v63 =	vld [tilespmem:$0x0]  }
0x6a: {  	s13 =	rddreg [dreg:$0x19]  }
0x6b: {  	[spmem:s13] =	stream.linear.scatter [tilespmem:s26], [sflag:$0x5], $0x800, $0x38;
	v63 =	vld [tilespmem:$0x0]  }
0x6c: {  	s14 =	rddreg [dreg:$0x1a]  }
0x6d: {  	[spmem:s14] =	stream.linear.scatter [tilespmem:s26], [sflag:$0x5], $0x800, $0x38;
	v63 =	vld [tilespmem:$0x0]  }
0x6e: {  	_ =	swait.ge [sflag:s30], $0x800  }
0x6f: {  	[sflag:s30] =	ssyncset.done $0x0  }
0x70: {  	[sflag:s30] =	ssyncadd.s32 $0xFFFFF800  }
0x71: {  	_ =	swait.ge [sflag:s30], $0x800  }
0x72: {  	[sflag:s30] =	ssyncset.done $0x0  }
0x73: {  	[sflag:s30] =	ssyncadd.s32 $0xFFFFF800  }
0x74: {  	_ =	swait.ge [sflag:s30], $0x800  }
0x75: {  	[sflag:s30] =	ssyncset.done $0x0  }
0x76: {  	[sflag:s30] =	ssyncadd.s32 $0xFFFFF800  }
0x77: {  	_ =	swait.ge [sflag:s30], $0x800  }
0x78: {  	[sflag:s30] =	ssyncset.done $0x0  }
0x79: {  	[sflag:s30] =	ssyncadd.s32 $0xFFFFF800  }
0x7a: {  	_ =	swait.ge [sflag:s30], $0x800  }
0x7b: {  	[sflag:s30] =	ssyncset.done $0x0  }
0x7c: {  	[sflag:s30] =	ssyncadd.s32 $0xFFFFF800  }
0x7d: {  	_ =	swait.ge [sflag:s30], $0x800  }
0x7e: {  	[sflag:s30] =	ssyncset.done $0x0  }
0x7f: {  	[sflag:s30] =	ssyncadd.s32 $0xFFFFF800  }
0x80: {  	_ =	swait.ge [sflag:s30], $0x800  }
0x81: {  	[sflag:s30] =	ssyncset.done $0x0  }
0x82: {  	[sflag:s30] =	ssyncadd.s32 $0xFFFFF800  }
0x83: {  	_ =	swait.ge [sflag:s30], $0x800  }
0x84: {  	[sflag:s30] =	ssyncset.done $0x0;
	s13 =	rddreg [dreg:$0x1b]  }
0x85: {  	s14 =	rddreg [dreg:$0x1c];
	[sflag:s30] =	ssyncadd.s32 $0xFFFFF800  }
0x86: {  	[spmem:s13] =	stream.linear.scatter [tilespmem:s26], [sflag:$0x5], $0x800, $0x38;
	v63 =	vld [tilespmem:$0x0]  }
0x87: {  	s13 =	rddreg [dreg:$0x1d]  }
0x88: {  	[spmem:s14] =	stream.linear.scatter [tilespmem:s26], [sflag:$0x5], $0x800, $0x38;
	v63 =	vld [tilespmem:$0x0]  }
0x89: {  	s14 =	rddreg [dreg:$0x1e]  }
0x8a: {  	[spmem:s13] =	stream.linear.scatter [tilespmem:s26], [sflag:$0x5], $0x800, $0x38;
	v63 =	vld [tilespmem:$0x0]  }
0x8b: {  	s13 =	rddreg [dreg:$0x1f]  }
0x8c: {  	[spmem:s14] =	stream.linear.scatter [tilespmem:s26], [sflag:$0x5], $0x800, $0x38;
	v63 =	vld [tilespmem:$0x0]  }
0x8d: {  	s14 =	sld [smem:$0x7F6]  }
0x8e: {  	[spmem:s13] =	stream.linear.scatter [tilespmem:s26], [sflag:$0x5], $0x800, $0x38;
	v63 =	vld [tilespmem:$0x0]  }
0x8f: {  	s13 =	sld [smem:$0x7F7]  }
0x90: {  	[spmem:s14] =	stream.linear.scatter [tilespmem:s26], [sflag:$0x5], $0x800, $0x38;
	v63 =	vld [tilespmem:$0x0]  }
0x91: {  	s14 =	sld [smem:$0x7F8]  }
0x92: {  	[spmem:s13] =	stream.linear.scatter [tilespmem:s26], [sflag:$0x5], $0x800, $0x38;
	v63 =	vld [tilespmem:$0x0]  }
0x93: {  	_ = 	snop  }
0x94: {  	[spmem:s14] =	stream.linear.scatter [tilespmem:s26], [sflag:$0x5], $0x800, $0x38;
	v63 =	vld [tilespmem:$0x0]  }
0x95: {  	_ =	swait.ge [sflag:s30], $0x800  }
0x96: {  	[sflag:s30] =	ssyncset.done $0x0  }
0x97: {  	[sflag:s30] =	ssyncadd.s32 $0xFFFFF800  }
0x98: {  	_ =	swait.ge [sflag:s30], $0x800  }
0x99: {  	[sflag:s30] =	ssyncset.done $0x0  }
0x9a: {  	[sflag:s30] =	ssyncadd.s32 $0xFFFFF800  }
0x9b: {  	_ =	swait.ge [sflag:s30], $0x800  }
0x9c: {  	[sflag:s30] =	ssyncset.done $0x0  }
0x9d: {  	[sflag:s30] =	ssyncadd.s32 $0xFFFFF800  }
0x9e: {  	_ =	swait.ge [sflag:s30], $0x800  }
0x9f: {  	[sflag:s30] =	ssyncset.done $0x0  }
0xa0: {  	[sflag:s30] =	ssyncadd.s32 $0xFFFFF800  }
0xa1: {  	_ =	swait.ge [sflag:s30], $0x800  }
0xa2: {  	[sflag:s30] =	ssyncset.done $0x0  }
0xa3: {  	[sflag:s30] =	ssyncadd.s32 $0xFFFFF800  }
0xa4: {  	_ =	swait.ge [sflag:s30], $0x800  }
0xa5: {  	[sflag:s30] =	ssyncset.done $0x0  }
0xa6: {  	[sflag:s30] =	ssyncadd.s32 $0xFFFFF800  }
0xa7: {  	_ =	swait.ge [sflag:s30], $0x800  }
0xa8: {  	[sflag:s30] =	ssyncset.done $0x0  }
0xa9: {  	[sflag:s30] =	ssyncadd.s32 $0xFFFFF800  }
0xaa: {  	_ =	swait.ge [sflag:s30], $0x800  }
0xab: {  	s13 =	sld [smem:$0x7F9]  }
0xac: {  	[sflag:s30] =	ssyncset.done $0x0  }
0xad: {  	s14 =	sld [smem:$0x7FA];
	[sflag:s30] =	ssyncadd.s32 $0xFFFFF800  }
0xae: {  	[spmem:s13] =	stream.linear.scatter [tilespmem:s26], [sflag:$0x5], $0x800, $0x38;
	v63 =	vld [tilespmem:$0x0]  }
0xaf: {  	s13 =	sld [smem:$0x7FB]  }
0xb0: {  	[spmem:s14] =	stream.linear.scatter [tilespmem:s26], [sflag:$0x5], $0x800, $0x38;
	v63 =	vld [tilespmem:$0x0]  }
0xb1: {  	s14 =	sld [smem:$0x7FC]  }
0xb2: {  	[spmem:s13] =	stream.linear.scatter [tilespmem:s26], [sflag:$0x5], $0x800, $0x38;
	v63 =	vld [tilespmem:$0x0]  }
0xb3: {  	s13 =	sld [smem:$0x7FD]  }
0xb4: {  	[spmem:s14] =	stream.linear.scatter [tilespmem:s26], [sflag:$0x5], $0x800, $0x38;
	v63 =	vld [tilespmem:$0x0]  }
0xb5: {  	_ = 	snop  }
0xb6: {  	[spmem:s13] =	stream.linear.scatter [tilespmem:s26], [sflag:$0x5], $0x800, $0x38;
	v63 =	vld [tilespmem:$0x0]  }
0xb7: {  	_ = 	snop  }
0xb8: {  	[spmem:s15] =	stream.linear.scatter [tilespmem:s26], [sflag:$0x5], $0x800, $0x38;
	v63 =	vld [tilespmem:$0x0]  }
0xb9: {  	_ = 	snop  }
0xba: {  	[spmem:s16] =	stream.linear.scatter [tilespmem:s26], [sflag:$0x5], $0x800, $0x38;
	v63 =	vld [tilespmem:$0x0]  }
0xbb: {  	_ = 	snop  }
0xbc: {  	[spmem:s17] =	stream.linear.scatter [tilespmem:s26], [sflag:$0x5], $0x800, $0x38;
	v63 =	vld [tilespmem:$0x0]  }
0xbd: {  	_ =	swait.ge [sflag:s30], $0x800  }
0xbe: {  	[sflag:s30] =	ssyncset.done $0x0  }
0xbf: {  	[sflag:s30] =	ssyncadd.s32 $0xFFFFF800  }
0xc0: {  	_ =	swait.ge [sflag:s30], $0x800  }
0xc1: {  	[sflag:s30] =	ssyncset.done $0x0  }
0xc2: {  	[sflag:s30] =	ssyncadd.s32 $0xFFFFF800  }
0xc3: {  	_ =	swait.ge [sflag:s30], $0x800  }
0xc4: {  	[sflag:s30] =	ssyncset.done $0x0  }
0xc5: {  	[sflag:s30] =	ssyncadd.s32 $0xFFFFF800  }
0xc6: {  	_ =	swait.ge [sflag:s30], $0x800  }
0xc7: {  	[sflag:s30] =	ssyncset.done $0x0  }
0xc8: {  	[sflag:s30] =	ssyncadd.s32 $0xFFFFF800  }
0xc9: {  	_ =	swait.ge [sflag:s30], $0x800  }
0xca: {  	[sflag:s30] =	ssyncset.done $0x0  }
0xcb: {  	[sflag:s30] =	ssyncadd.s32 $0xFFFFF800  }
0xcc: {  	_ =	swait.ge [sflag:s30], $0x800  }
0xcd: {  	[sflag:s30] =	ssyncset.done $0x0  }
0xce: {  	[sflag:s30] =	ssyncadd.s32 $0xFFFFF800  }
0xcf: {  	_ =	swait.ge [sflag:s30], $0x800  }
0xd0: {  	[sflag:s30] =	ssyncset.done $0x0  }
0xd1: {  	[sflag:s30] =	ssyncadd.s32 $0xFFFFF800  }
0xd2: {  	_ =	swait.ge [sflag:s30], $0x800  }
0xd3: {  	[sflag:s30] =	ssyncset.done $0x0  }
0xd4: {  	[sflag:s30] =	ssyncadd.s32 $0xFFFFF800  }
0xd5: {  	[spmem:s18] =	stream.linear.scatter [tilespmem:s26], [sflag:$0x5], $0x800, $0x38;
	v63 =	vld [tilespmem:$0x0]  }
0xd6: {  	_ = 	snop  }
0xd7: {  	[spmem:s19] =	stream.linear.scatter [tilespmem:s26], [sflag:$0x5], $0x800, $0x38;
	v63 =	vld [tilespmem:$0x0]  }
0xd8: {  	_ = 	snop  }
0xd9: {  	[spmem:s20] =	stream.linear.scatter [tilespmem:s26], [sflag:$0x5], $0x800, $0x38;
	v63 =	vld [tilespmem:$0x0]  }
0xda: {  	_ = 	snop  }
0xdb: {  	[spmem:s21] =	stream.linear.scatter [tilespmem:s26], [sflag:$0x5], $0x800, $0x38;
	v63 =	vld [tilespmem:$0x0]  }
0xdc: {  	_ = 	snop  }
0xdd: {  	[spmem:s22] =	stream.linear.scatter [tilespmem:s26], [sflag:$0x5], $0x800, $0x38;
	v63 =	vld [tilespmem:$0x0]  }
0xde: {  	_ = 	snop  }
0xdf: {  	[spmem:s23] =	stream.linear.scatter [tilespmem:s26], [sflag:$0x5], $0x800, $0x38;
	v63 =	vld [tilespmem:$0x0]  }
0xe0: {  	_ = 	snop  }
0xe1: {  	[spmem:s24] =	stream.linear.scatter [tilespmem:s26], [sflag:$0x5], $0x800, $0x38;
	v63 =	vld [tilespmem:$0x0]  }
0xe2: {  	_ = 	snop  }
0xe3: {  	[spmem:s25] =	stream.linear.scatter [tilespmem:s26], [sflag:$0x5], $0x800, $0x38;
	v63 =	vld [tilespmem:$0x0]  }
0xe4: {  	_ =	swait.ge [sflag:s30], $0x800  }
0xe5: {  	[sflag:s30] =	ssyncset.done $0x0  }
0xe6: {  	[sflag:s30] =	ssyncadd.s32 $0xFFFFF800  }
0xe7: {  	_ =	swait.ge [sflag:s30], $0x800  }
0xe8: {  	[sflag:s30] =	ssyncset.done $0x0  }
0xe9: {  	[sflag:s30] =	ssyncadd.s32 $0xFFFFF800  }
0xea: {  	_ =	swait.ge [sflag:s30], $0x800  }
0xeb: {  	[sflag:s30] =	ssyncset.done $0x0  }
0xec: {  	[sflag:s30] =	ssyncadd.s32 $0xFFFFF800  }
0xed: {  	_ =	swait.ge [sflag:s30], $0x800  }
0xee: {  	[sflag:s30] =	ssyncset.done $0x0  }
0xef: {  	[sflag:s30] =	ssyncadd.s32 $0xFFFFF800  }
0xf0: {  	_ =	swait.ge [sflag:s30], $0x800  }
0xf1: {  	[sflag:s30] =	ssyncset.done $0x0  }
0xf2: {  	[sflag:s30] =	ssyncadd.s32 $0xFFFFF800  }
0xf3: {  	_ =	swait.ge [sflag:s30], $0x800  }
0xf4: {  	[sflag:s30] =	ssyncset.done $0x0  }
0xf5: {  	[sflag:s30] =	ssyncadd.s32 $0xFFFFF800  }
0xf6: {  	_ =	swait.ge [sflag:s30], $0x800  }
0xf7: {  	[sflag:s30] =	ssyncset.done $0x0  }
0xf8: {  	[sflag:s30] =	ssyncadd.s32 $0xFFFFF800  }
0xf9: {  	_ =	swait.ge [sflag:s30], $0x800  }
0xfa: {  	[sflag:s30] =	ssyncset.done $0x0  }
0xfb: {  	[sflag:s30] =	ssyncadd.s32 $0xFFFFF800  }
0xfc: {  	_ =	swait.ge [sflag:s31], $0x2880  }
0xfd: {  	[sflag:s31] =	ssyncset.done $0x0  }
0xfe: {  	[sflag:s31] =	ssyncadd.s32 $0xFFFFD780  }
0xff: {  	_ =	swait.ge [sflag:s2], $0x2880  }
0x100: {  	[sflag:s2] =	ssyncset.done $0x0  }
0x101: {  	[sflag:s2] =	ssyncadd.s32 $0xFFFFD780  }
0x102: {  	[bflag:$0x0] =	sbarrier.arrive $0xFFFF  }
0x103: {  	[tilespmem:s5], [sflag:$0x1] =	stream.indirect.gather [hbm4b:s1+s0], $0x80, s4, s0, $0xb8;
	v63 =	vld [tilespmem:$0x0]  }
0x104: {  	s14 =	simm.s32 $0x80  }
0x105: {  	[tilespmem:s7], [sflag:$0x2] =	stream.indirect.gather [hbm4b:s1+s0], $0x80, s14, s0, $0xb8;
	v63 =	vld [tilespmem:$0x0]  }
0x106: {  	s13 =	simm.s32 $0x100  }
0x107: {  	[tilespmem:s8], [sflag:$0x3] =	stream.indirect.gather [hbm4b:s1+s0], $0x80, s13, s0, $0xb8;
	v63 =	vld [tilespmem:$0x0]  }
0x108: {  	_ =	swait.ge [sflag:s31], $0x2000  }
0x109: {  	[sflag:s31] =	ssyncset.done $0x0  }
0x10a: {  	[sflag:s31] =	ssyncadd.s32 $0xFFFFE000  }
0x10b: {  	[spmem:s3] =	stream.indirect.scatter.add.f32 [tilespmem:s5], [sflag:$0x4], $0x80, s28, s0, $0xb8;
	v63 =	vld [tilespmem:$0x0]  }
0x10c: {  	_ =	swait.ge [sflag:s29], $0x2000  }
0x10d: {  	[sflag:s29] =	ssyncset.done $0x0  }
0x10e: {  	s14 =	simm.s32 $0x180;
	[sflag:s29] =	ssyncadd.s32 $0xFFFFE000  }
0x10f: {  	[tilespmem:s5], [sflag:$0x1] =	stream.indirect.gather [hbm4b:s1+s0], $0x80, s14, s0, $0xb8;
	v63 =	vld [tilespmem:$0x0]  }
0x110: {  	_ =	swait.ge [sflag:s2], $0x2000  }
0x111: {  	[sflag:s2] =	ssyncset.done $0x0  }
0x112: {  	s13 =	simm.s32 $0x2C80;
	[sflag:s2] =	ssyncadd.s32 $0xFFFFE000  }
0x113: {  	[spmem:s3] =	stream.indirect.scatter.add.f32 [tilespmem:s7], [sflag:$0x5], $0x80, s13, s0, $0xb8;
	v63 =	vld [tilespmem:$0x0]  }
0x114: {  	_ =	swait.ge [sflag:s30], $0x2000  }
0x115: {  	[sflag:s30] =	ssyncset.done $0x0  }
0x116: {  	s14 =	simm.s32 $0x200;
	[sflag:s30] =	ssyncadd.s32 $0xFFFFE000  }
0x117: {  	[tilespmem:s7], [sflag:$0x2] =	stream.indirect.gather [hbm4b:s1+s0], $0x80, s14, s0, $0xb8;
	v63 =	vld [tilespmem:$0x0]  }
0x118: {  	_ =	swait.ge [sflag:s9], $0x2000  }
0x119: {  	[sflag:s9] =	ssyncset.done $0x0  }
0x11a: {  	s13 =	simm.s32 $0x2D00;
	[sflag:s9] =	ssyncadd.s32 $0xFFFFE000  }
0x11b: {  	[spmem:s3] =	stream.indirect.scatter.add.f32 [tilespmem:s8], [sflag:$0x6], $0x80, s13, s0, $0xb8;
	v63 =	vld [tilespmem:$0x0]  }
0x11c: {  	_ =	swait.ge [sflag:s10], $0x2000  }
0x11d: {  	[sflag:s10] =	ssyncset.done $0x0  }
0x11e: {  	s14 =	simm.s32 $0x280;
	[sflag:s10] =	ssyncadd.s32 $0xFFFFE000  }
0x11f: {  	[tilespmem:s8], [sflag:$0x3] =	stream.indirect.gather [hbm4b:s1+s0], $0x80, s14, s0, $0xb8;
	v63 =	vld [tilespmem:$0x0]  }
0x120: {  	_ =	swait.ge [sflag:s31], $0x2000  }
0x121: {  	[sflag:s31] =	ssyncset.done $0x0  }
0x122: {  	s13 =	simm.s32 $0x2D80;
	[sflag:s31] =	ssyncadd.s32 $0xFFFFE000  }
0x123: {  	[spmem:s3] =	stream.indirect.scatter.add.f32 [tilespmem:s5], [sflag:$0x4], $0x80, s13, s0, $0xb8;
	v63 =	vld [tilespmem:$0x0]  }
0x124: {  	_ =	swait.ge [sflag:s29], $0x2000  }
0x125: {  	[sflag:s29] =	ssyncset.done $0x0  }
0x126: {  	s14 =	simm.s32 $0x300;
	[sflag:s29] =	ssyncadd.s32 $0xFFFFE000  }
0x127: {  	[tilespmem:s5], [sflag:$0x1] =	stream.indirect.gather [hbm4b:s1+s0], $0x80, s14, s0, $0xb8;
	v63 =	vld [tilespmem:$0x0]  }
0x128: {  	_ =	swait.ge [sflag:s2], $0x2000  }
0x129: {  	[sflag:s2] =	ssyncset.done $0x0  }
0x12a: {  	s13 =	simm.s32 $0x2E00;
	[sflag:s2] =	ssyncadd.s32 $0xFFFFE000  }
0x12b: {  	[spmem:s3] =	stream.indirect.scatter.add.f32 [tilespmem:s7], [sflag:$0x5], $0x80, s13, s0, $0xb8;
	v63 =	vld [tilespmem:$0x0]  }
0x12c: {  	_ =	swait.ge [sflag:s30], $0x2000  }
0x12d: {  	[sflag:s30] =	ssyncset.done $0x0  }
0x12e: {  	s14 =	simm.s32 $0x380;
	[sflag:s30] =	ssyncadd.s32 $0xFFFFE000  }
0x12f: {  	[tilespmem:s7], [sflag:$0x2] =	stream.indirect.gather [hbm4b:s1+s0], $0x80, s14, s0, $0xb8;
	v63 =	vld [tilespmem:$0x0]  }
0x130: {  	_ =	swait.ge [sflag:s9], $0x2000  }
0x131: {  	[sflag:s9] =	ssyncset.done $0x0  }
0x132: {  	s12 =	simm.s32 $0x600;
	s13 =	simm.s32 $0x2E80;
	[sflag:s9] =	ssyncadd.s32 $0xFFFFE000  }
.LBB2_2:
0x133: {  	[spmem:s3] =	stream.indirect.scatter.add.f32 [tilespmem:s8], [sflag:$0x6], $0x80, s13, s0, $0xb8;
	v63 =	vld [tilespmem:$0x0]  }
0x134: {  	s13 =	smov.u32 s12;
	s12 =	sadd.s32 $0x600, s12;
	_ =	swait.ge [sflag:s10], $0x2000  }
0x135: {  	s13 =	sshra.s32 s13, $0x2;
	p1 =	sne.s32 s12, $0x9600;
	[sflag:s10] =	ssyncset.done $0x0  }
0x136: {  	s14 =	sadd.s32 $0x280, s13;
	[sflag:s10] =	ssyncadd.s32 $0xFFFFE000  }
0x137: {  	[tilespmem:s8], [sflag:$0x3] =	stream.indirect.gather [hbm4b:s1+s0], $0x80, s14, s0, $0xb8;
	v63 =	vld [tilespmem:$0x0]  }
0x138: {  	_ =	swait.ge [sflag:s31], $0x2000  }
0x139: {  	[sflag:s31] =	ssyncset.done $0x0  }
0x13a: {  	s14 =	sadd.s32 $0x2D80, s13;
	[sflag:s31] =	ssyncadd.s32 $0xFFFFE000  }
0x13b: {  	[spmem:s3] =	stream.indirect.scatter.add.f32 [tilespmem:s5], [sflag:$0x4], $0x80, s14, s0, $0xb8;
	v63 =	vld [tilespmem:$0x0]  }
0x13c: {  	_ =	swait.ge [sflag:s29], $0x2000  }
0x13d: {  	[sflag:s29] =	ssyncset.done $0x0  }
0x13e: {  	s14 =	sadd.s32 $0x300, s13;
	[sflag:s29] =	ssyncadd.s32 $0xFFFFE000  }
0x13f: {  	[tilespmem:s5], [sflag:$0x1] =	stream.indirect.gather [hbm4b:s1+s0], $0x80, s14, s0, $0xb8;
	v63 =	vld [tilespmem:$0x0]  }
0x140: {  	_ =	swait.ge [sflag:s2], $0x2000  }
0x141: {  	[sflag:s2] =	ssyncset.done $0x0  }
0x142: {  	s14 =	sadd.s32 $0x2E00, s13;
	[sflag:s2] =	ssyncadd.s32 $0xFFFFE000  }
0x143: {  	[spmem:s3] =	stream.indirect.scatter.add.f32 [tilespmem:s7], [sflag:$0x5], $0x80, s14, s0, $0xb8;
	v63 =	vld [tilespmem:$0x0]  }
0x144: {  	_ =	swait.ge [sflag:s30], $0x2000  }
0x145: {  	[sflag:s30] =	ssyncset.done $0x0  }
.Ltmp0:
0x146: {  	s14 =	sadd.s32 $0x380, s13;
	[sflag:s30] =	ssyncadd.s32 $0xFFFFE000;
	(pc) =	sbr.rel @p1 .LBB2_2-.Ltmp0, $4  }
0x147: {  	[tilespmem:s7], [sflag:$0x2] =	stream.indirect.gather [hbm4b:s1+s0], $0x80, s14, s0, $0xb8;
	v63 =	vld [tilespmem:$0x0]  }
0x148: {  	_ =	swait.ge [sflag:s9], $0x2000  }
0x149: {  	[sflag:s9] =	ssyncset.done $0x0  }
0x14a: {  	s13 =	sadd.s32 $0x2E80, s13;
	[sflag:s9] =	ssyncadd.s32 $0xFFFFE000  }
0x14b: {  	[spmem:s3] =	stream.indirect.scatter.add.f32 [tilespmem:s8], [sflag:$0x6], $0x80, s13, s0, $0xb8;
	v63 =	vld [tilespmem:$0x0]  }
0x14c: {  	_ =	swait.ge [sflag:s10], $0x2000  }
0x14d: {  	[sflag:s10] =	ssyncset.done $0x0  }
0x14e: {  	s14 =	simm.s32 $0x2800;
	[sflag:s10] =	ssyncadd.s32 $0xFFFFE000  }
0x14f: {  	[tilespmem:s8], [sflag:$0x3] =	stream.indirect.gather [hbm4b:s1+s0], $0x80, s14, s0, $0xb8;
	v63 =	vld [tilespmem:$0x0]  }
0x150: {  	_ =	swait.ge [sflag:s31], $0x2000  }
0x151: {  	s12 =	sshra.s32 s12, $0x2;
	[sflag:s31] =	ssyncset.done $0x0  }
0x152: {  	s14 =	sadd.s32 $0x2D80, s12;
	[sflag:s31] =	ssyncadd.s32 $0xFFFFE000  }
0x153: {  	[spmem:s3] =	stream.indirect.scatter.add.f32 [tilespmem:s5], [sflag:$0x4], $0x80, s14, s0, $0xb8;
	v63 =	vld [tilespmem:$0x0]  }
0x154: {  	_ =	swait.ge [sflag:s2], $0x2000  }
0x155: {  	[sflag:s2] =	ssyncset.done $0x0  }
0x156: {  	s12 =	sadd.s32 $0x2E00, s12;
	[sflag:s2] =	ssyncadd.s32 $0xFFFFE000  }
0x157: {  	[spmem:s3] =	stream.indirect.scatter.add.f32 [tilespmem:s7], [sflag:$0x5], $0x80, s12, s0, $0xb8;
	v63 =	vld [tilespmem:$0x0]  }
0x158: {  	_ =	swait.ge [sflag:s9], $0x2000  }
0x159: {  	[sflag:s9] =	ssyncset.done $0x0  }
0x15a: {  	s13 =	simm.s32 $0x5400;
	[sflag:s9] =	ssyncadd.s32 $0xFFFFE000  }
0x15b: {  	[spmem:s3] =	stream.indirect.scatter.add.f32 [tilespmem:s8], [sflag:$0x6], $0x80, s13, s0, $0xb8;
	v63 =	vld [tilespmem:$0x0]  }
0x15c: {  	_ =	swait.ge [sflag:s29], $0x2000  }
0x15d: {  	[sflag:s29] =	ssyncset.done $0x0  }
0x15e: {  	[sflag:s29] =	ssyncadd.s32 $0xFFFFE000  }
0x15f: {  	_ =	swait.ge [sflag:s30], $0x2000  }
0x160: {  	[sflag:s30] =	ssyncset.done $0x0  }
0x161: {  	[sflag:s30] =	ssyncadd.s32 $0xFFFFE000  }
0x162: {  	_ =	swait.ge [sflag:s10], $0x2000  }
0x163: {  	[sflag:s10] =	ssyncset.done $0x0  }
0x164: {  	[sflag:s10] =	ssyncadd.s32 $0xFFFFE000  }
0x165: {  	[bflag:$0x0] =	sbarrier.arrive $0xFFFF  }
0x166: {  	s13 =	rddreg [dreg:$0x14]  }
0x167: {  	s12 =	simm.s32 @p0 $0x1FC7;
	s14 =	rddreg [dreg:$0x16]  }
0x168: {  	[hbm:s13], [sflag:s12] =	dma.local @p0 [spmem:s14], $0x2800  }
0x169: {  	s12 =	simm.s32 @p0 $0x7  }
0x16a: {  	s13 =	stileid.u32;
	_ =	swait.ge @p0 [sflag:s12], $0x2800  }
0x16b: {  	s13 =	sshll.u32 @!p0 s13, $0x6;
	[sflag:s12] =	ssyncset.done @p0 $0x0;
	s14 =	rddreg [dreg:$0x17]  }
0x16c: {  	[sflag:s12] =	ssyncadd.s32 @p0 $0xFFFFD800;
	s12 =	sor.u32 @!p0 $0x1C07, s13;
	s13 =	rddreg [dreg:$0x13]  }
0x16d: {  	[hbm:s13], [sflag:s12] =	dma.local @!p0 [spmem:s14], $0x2700  }
0x16e: {  	s12 =	simm.s32 @!p0 $0x7  }
0x16f: {  	_ =	swait.ge @!p0 [sflag:s12], $0x2700  }
0x170: {  	s11 =	sadd.s32 $0x1, s11;
	s14 =	rddreg [dreg:$0x15]  }
0x171: {  	p1 =	sne.s32 s11, s14  }
.Ltmp1:
0x172: {  	_ = 	snop;
	(pc) =	sbr.rel @p1 .LBB2_1-.Ltmp1, $3  }
0x173: {  	_ =	sdelay $0x1  }
0x174: {  	[sflag:s12] =	ssyncset.done @!p0 $0x0  }
0x175: {  	[sflag:s12] =	ssyncadd.s32 @!p0 $0xFFFFD900  }
0x176: {  	_ =	sfence.sel $0x180000  }
0x177: {  	[bflag:$0x0] =	sbarrier.arrive $0xFFFF  }
0x178: {  	_ =	strace $0x9000004D  }
0x179: {  	s0 =	stileid.u32;
	[bflag:$0x2] =	sbarrier.arrive $0xFFFF  }
0x17a: {  	p0 =	sne.s32 s0, $0x0;
	s0 =	rddreg [dreg:$0x3]  }
0x17b: {  	s0 =	sadd.s32 @!p0 $0x100000, s0  }
0x17c: {  	[sflag:s0] =	ssyncadd.tile.s32 @!p0 $0x1;
	_ =	shalt  }
.Lfunc_end2:
_tile_overlayer_lowered:
.L_overlay_start_2:
0x17d: {  	(tag) =	ssettag $0x2  }
0x17e: {  	s0 =	rddreg [dreg:$0x0];
	s2 =	stileid.u32  }
0x17f: {  	s1 =	rddreg [dreg:$0x1];
	p0 =	sne.s32 s2, $0x0  }
0x180: {  	s3 =	rddreg [dreg:$0x2];
	[bflag:$0x3] =	sbarrier.arrive $0xFFFF;
	s2 =	simm.s32 @!p0 $0x1C07  }
0x181: {  	[timem:s3], [sflag:s2] =	dma.local @!p0 [hbm:s0], s1  }
0x182: {  	s0 =	simm.s32 @!p0 $0x7  }
0x183: {  	_ =	swait.ge @!p0 [sflag:s0], s1  }
0x184: {  	s1 =	ssub.s32 @!p0 $0x0, s1;
	[sflag:s0] =	ssyncset.done @!p0 $0x0  }
0x185: {  	[sflag:s0] =	ssyncadd.s32 @!p0 s1  }
0x186: {  	[bflag:$0x3] =	sbarrier.arrive $0xFFFF  }
0x187: {  	_ =	shalt  }

// kernel: kernel.8.cloned.1.call-start
scs
__scs_entry_jumppad:
0x0: {  	(pc) =	sbr.rel $0x88, $3  }
0x1: {  	(tag) =	ssettag $0x0;
	lr =	simm.s32 $0x1  }
0x2: {  	[smem:$0x3F9D] =	sst lr;
	_ =	strace $0xD0000000  }
0x3: {  	_ = 	snop  }
0x4: {  	_ = 	snop  }
0x5: {  	_ = 	snop  }
0x6: {  	_ = 	snop  }
0x7: {  	_ = 	snop  }
__scs_overlays_trampoline_lowered:
0x8: {  	[smem:$0x3FAC] =	sst s0  }
0x9: {  	[smem:$0x3FAD] =	sst s1  }
0xa: {  	[smem:$0x3FAE] =	sst s2  }
0xb: {  	[smem:$0x3FAF] =	sst s3  }
0xc: {  	[smem:$0x3FB0] =	sst s4  }
0xd: {  	[smem:$0x3FB1] =	sst s5  }
0xe: {  	[smem:$0x3FB2] =	sst s6  }
0xf: {  	[smem:$0x3FB3] =	sst s7  }
0x10: {  	[smem:$0x3FB4] =	sst s8  }
0x11: {  	[smem:$0x3FB5] =	sst s9;
	s0 =	simm.s32 @!p0 $0x0  }
0x12: {  	s1 =	sld [smem:$0x3F9B];
	s0 =	simm.s32 @p0 $0x1  }
0x13: {  	[smem:$0x3FB6] =	sst s0;
	s0 =	simm.s32 @!p1 $0x0  }
0x14: {  	s2 =	sld [smem:$0x3F9A];
	s0 =	simm.s32 @p1 $0x1  }
0x15: {  	[smem:$0x3FB7] =	sst s0;
	s0 =	simm.s32 @!p2 $0x0  }
0x16: {  	s3 =	sld [smem:$0x3FDB];
	s0 =	simm.s32 @p2 $0x1  }
0x17: {  	s4 =	simm.s32 $0x1BF5;
	[smem:$0x3FB9] =	sst s0  }
0x18: {  	s0 =	sld [smem:$0x3F9C];
	_ =	swait.ge [sflag:s4], $0x0  }
0x19: {  	s7 =	sld [smem:$0x3F9D]  }
0x1a: {  	s8 =	sadd.s32 $0xFFFFE003, lr  }
0x1b: {  	s9 =	sadd.s32 $0xFFFFFEF7, lr;
	s5 =	simm.s32 $0xFFFFFFFF;
	p2 =	slt.u32 s8, $0xFFFFF086  }
0x1c: {  	p1 =	slt.u32 s9, $0xF7A;
	s5 =	simm.s32 @!p2 $0x0  }
0x1d: {  	s5 =	simm.s32 @p1 $0x1;
	p0 =	seq.s32 s7, s2  }
0x1e: {  	s7 =	smul.u32 @!p0 $0xF7A, s2;
	p2 =	seq.s32 @!p0 s5, $0x0  }
0x1f: {  	s9 =	smul.u32 $0xF7A, s1;
	s8 =	simm.s32 @!p0 $0x1BF5;
	p2 =	por !p2, p0  }
0x20: {  	[sflag:s8] =	ssyncset.s32 @!p0 $0xFFFFF086;
	s6 =	sadd.s32 @!p0 s3, s7;
	s7 =	simm.s32 @!p0 $0x108  }
0x21: {  	s3 =	sadd.s32 s3, s9;
	s6 =	sadd.s32 @!p0 $0x88, s6;
	s7 =	simm.s32 @p2 $0x1082  }
0x22: {  	[simem:s7], [sflag:s8] =	dma.local @!p0 [hbm:s6], $0xF7A  }
0x23: {  	s9 =	sor.u32 $0xD0000000, s2;
	s6 =	simm.s32 $0x108;
	_ =	swait.ge @!p0 [sflag:s8], $0x0  }
0x24: {  	s3 =	sadd.s32 $0x88, s3;
	s6 =	simm.s32 @!p1 $0x1082;
	[sflag:s4] =	ssyncset.s32 $0xFFFFF086  }
0x25: {  	[simem:s6], [sflag:s4] =	dma.local [hbm:s3], $0xF7A  }
0x26: {  	[smem:$0x3F9D] =	sst s1;
	(tag) =	ssettag s2;
	_ =	strace s9  }
0x27: {  	s1 =	sld [smem:$0x3FAD]  }
0x28: {  	s2 =	sld [smem:$0x3FAE]  }
0x29: {  	s4 =	sld [smem:$0x3FB0]  }
0x2a: {  	p0 =	seq.s32 s5, $0x0;
	s5 =	sld [smem:$0x3FB1]  }
0x2b: {  	s6 =	sld [smem:$0x3FB2]  }
0x2c: {  	s7 =	sld [smem:$0x3FB3]  }
0x2d: {  	s3 =	simm.s32 $0x108;
	s8 =	sld [smem:$0x3FB4]  }
0x2e: {  	s3 =	simm.s32 @!p0 $0x1082;
	s9 =	sld [smem:$0x3FB5]  }
0x2f: {  	lr =	sadd.s32 s0, s3;
	s0 =	sld [smem:$0x3FAC]  }
0x30: {  	s3 =	sld [smem:$0x3FAF]  }
0x31: {  	[smem:$0x3FB8] =	sst s10  }
0x32: {  	s10 =	sld [smem:$0x3FB6];
	_ =	sdelay $0x3  }
0x33: {  	p0 =	seq.s32 s10, $0x1;
	s10 =	sld [smem:$0x3FB8];
	_ =	sdelay $0x3  }
0x34: {  	[smem:$0x3FB8] =	sst s10  }
0x35: {  	s10 =	sld [smem:$0x3FB7];
	_ =	sdelay $0x3  }
0x36: {  	p1 =	seq.s32 s10, $0x1;
	s10 =	sld [smem:$0x3FB8];
	_ =	sdelay $0x3  }
0x37: {  	[smem:$0x3FB8] =	sst s10  }
0x38: {  	s10 =	sld [smem:$0x3FB9]  }
0x39: {  	_ = 	snop;
	(pc) =	sbr.ind lr, $3  }
0x3a: {  	_ = 	snop  }
0x3b: {  	_ = 	snop  }
0x3c: {  	p2 =	seq.s32 s10, $0x1;
	s10 =	sld [smem:$0x3FB8]  }
0x3d: {  	_ =	shalt  }
0x3e: {  	_ =	shalt  }
0x3f: {  	_ =	shalt  }
0x40: {  	_ =	shalt  }
0x41: {  	_ =	shalt  }
0x42: {  	_ =	shalt  }
0x43: {  	_ =	shalt  }
0x44: {  	_ =	shalt  }
0x45: {  	_ =	shalt  }
0x46: {  	_ =	shalt  }
0x47: {  	_ =	shalt  }
0x48: {  	_ =	shalt  }
0x49: {  	_ =	shalt  }
0x4a: {  	_ =	shalt  }
0x4b: {  	_ =	shalt  }
0x4c: {  	_ =	shalt  }
0x4d: {  	_ =	shalt  }
0x4e: {  	_ =	shalt  }
0x4f: {  	_ =	shalt  }
0x50: {  	_ =	shalt  }
0x51: {  	_ =	shalt  }
0x52: {  	_ =	shalt  }
0x53: {  	_ =	shalt  }
0x54: {  	_ =	shalt  }
0x55: {  	_ =	shalt  }
0x56: {  	_ =	shalt  }
0x57: {  	_ =	shalt  }
0x58: {  	_ =	shalt  }
0x59: {  	_ =	shalt  }
0x5a: {  	_ =	shalt  }
0x5b: {  	_ =	shalt  }
0x5c: {  	_ =	shalt  }
0x5d: {  	_ =	shalt  }
0x5e: {  	_ =	shalt  }
0x5f: {  	_ =	shalt  }
0x60: {  	_ =	shalt  }
0x61: {  	_ =	shalt  }
0x62: {  	_ =	shalt  }
0x63: {  	_ =	shalt  }
0x64: {  	_ =	shalt  }
0x65: {  	_ =	shalt  }
0x66: {  	_ =	shalt  }
0x67: {  	_ =	shalt  }
0x68: {  	_ =	shalt  }
0x69: {  	_ =	shalt  }
0x6a: {  	_ =	shalt  }
0x6b: {  	_ =	shalt  }
0x6c: {  	_ =	shalt  }
0x6d: {  	_ =	shalt  }
0x6e: {  	_ =	shalt  }
0x6f: {  	_ =	shalt  }
0x70: {  	_ =	shalt  }
0x71: {  	_ =	shalt  }
0x72: {  	_ =	shalt  }
0x73: {  	_ =	shalt  }
0x74: {  	_ =	shalt  }
0x75: {  	_ =	shalt  }
0x76: {  	_ =	shalt  }
0x77: {  	_ =	shalt  }
0x78: {  	_ =	shalt  }
0x79: {  	_ =	shalt  }
0x7a: {  	_ =	shalt  }
0x7b: {  	_ =	shalt  }
0x7c: {  	_ =	shalt  }
0x7d: {  	_ =	shalt  }
0x7e: {  	_ =	shalt  }
0x7f: {  	_ =	shalt  }
0x80: {  	_ =	shalt  }
0x81: {  	_ =	shalt  }
0x82: {  	_ =	shalt  }
0x83: {  	_ =	shalt  }
0x84: {  	_ =	shalt  }
0x85: {  	_ =	shalt  }
0x86: {  	_ =	shalt  }
0x87: {  	_ =	shalt  }
.Lfunc_end0:
.L_simem_size_0:
called_computation_lowered:
.L_overlay_start_0:
0x88: {  	s2 =	sld [smem:$0x3FD9]  }
0x89: {  	s3 =	sld [smem:$0x3FFE];
	_ =	sdelay $0x1  }
0x8a: {  	s1 =	srdreg.scid  }
0x8b: {  	s0 =	sand.u32 $0x1, s1  }
0x8c: {  	s17 =	sshll.u32 s0, $0xA;
	s2 =	sadd.s32 s3, s2  }
0x8d: {  	s2 =	sadd.s32 s2, s17  }
0x8e: {  	[smem:$0x3FC4] =	sst s2  }
0x8f: {  	_ = 	snop  }
0x90: {  	s2 =	sld [smem:$0x3FD0];
	(tm) =	ssettm $0x1  }
0x91: {  	s18 =	sld [smem:$0x3FFB];
	_ =	sdelay $0x3  }
0x92: {  	_ =	strace s18  }
0x93: {  	s3 =	sld [smem:$0x3FFC];
	_ =	sdelay $0x3  }
0x94: {  	_ =	strace s3  }
0x95: {  	s3 =	sld [smem:$0x3FFD];
	_ =	sdelay $0x3  }
0x96: {  	_ =	strace s3  }
0x97: {  	_ =	strace $0x8FFFFFFF  }
0x98: {  	s19 =	sld [smem:$0x3FDB];
	_ =	sdelay $0x1  }
0x99: {  	s4 =	simm.s32 $_scs_section_size  }
0x9a: {  	s5 =	simm.s32 $_size__tile_overlayer_lowered;
	s6 =	simm.s32 $_tile_overlayer_lowered  }
0x9b: {  	s22 =	simm.s32 $0x1BFF;
	s21 =	sshll.u32 s6, $0x1;
	s3 =	sadd.s32 s4, s19  }
0x9c: {  	s7 =	simm.s32 $0x0;
	s20 =	sshll.u32 s5, $0x1;
	s5 =	sadd.s32 s21, s3  }
0x9d: {  	[timem:s7], [sflag:s22] =	dma.local [hbm:s5], s20  }
0x9e: {  	_ =	swait.ge [sflag:s22], s20  }
0x9f: {  	s4 =	ssub.s32 $0x0, s20;
	[sflag:s22] =	ssyncset.done $0x0  }
0xa0: {  	[sflag:s22] =	ssyncadd.s32 s4;
	_ =	sdelay $0x1  }
0xa1: {  	s23 =	simm.s32 $0x1B8B  }
0xa2: {  	_ =	swait.ge [sflag:s23], $0x1  }
0xa3: {  	[sflag:s23] =	ssyncset.done $0x0  }
0xa4: {  	s25 =	simm.s32 $0x1B8E;
	s24 =	sld [smem:$0x3FFE];
	[sflag:s23] =	ssyncadd.s32 $0xFFFFFFFF  }
0xa5: {  	s26 =	simm.s32 $execute0_lowered;
	[smem:$0x3FD2] =	sst s25  }
0xa6: {  	s5 =	sshll.u32 s26, $0x1;
	_ =	strace $0x80000046;
	[dreg:$0x1] =	wrdreg $0xFFFFFFFF  }
0xa7: {  	s28 =	simm.s32 $_size_execute0_lowered;
	s3 =	sadd.s32 s3, s5;
	[dreg:$0x0] =	wrdreg $0x0  }
0xa8: {  	s5 =	sshll.u32 s28, $0x1;
	[dreg:$0x2] =	wrdreg s3  }
0xa9: {  	[dreg:$0x3] =	wrdreg s5  }
0xaa: {  	[dreg:$0x4] =	wrdreg $0xC0  }
0xab: {  	_ =	task [dreg:s7], $0x5FFFF  }
0xac: {  	[dreg:$0x1] =	wrdreg $0xFFFFFFFF  }
0xad: {  	[dreg:$0x0] =	wrdreg $0x60  }
0xae: {  	[dreg:$0x2] =	wrdreg s24  }
0xaf: {  	[dreg:$0x3] =	wrdreg s2  }
0xb0: {  	[dreg:$0x4] =	wrdreg $0x9  }
0xb1: {  	_ =	task.clear_ibuf [dreg:s7], $0x5FFFF;
	_ =	strace $0x90000046  }
0xb2: {  	s29 =	simm.s32 $0x9;
	_ =	strace $0x80000048  }
0xb3: {  	_ =	swait.ge [sflag:s29], $0x1  }
0xb4: {  	[sflag:s29] =	ssyncadd.s32 $0xFFFFFFFF  }
0xb5: {  	_ =	strace $0x90000048  }
0xb6: {  	_ =	sfence  }
0xb7: {  	s30 =	sld [smem:$0x0];
	_ =	sdelay $0x2  }
0xb8: {  	s31 =	sshll.u32 s1, $0xD;
	s1 =	sshrl.u32 s1, $0x2  }
0xb9: {  	s3 =	sand.u32 $0x4000, s31;
	s1 =	sadd.s32 s1, s30  }
0xba: {  	s0 =	sor.u32 s3, s0;
	s1 =	sshll.u32 s1, $0x11  }
0xbb: {  	s0 =	sor.u32 s1, s0  }
0xbc: {  	s0 =	sadd.s32 $0x8F2B, s0  }
0xbd: {  	[sflag:s0] =	ssyncadd.remote.s32 $0x1  }
0xbe: {  	_ =	sfence.sel $0xFFFF  }
0xbf: {  	[dreg:$0x0] =	wrdreg $0xFFFFFFFF;
	(pc) =	sbr.abs _section_cstart, $3  }
0xc0: {  	[dreg:$0x1] =	wrdreg $0xFFFFFFFF  }
0xc1: {  	_ =	task.clear_ibuf [dreg:s7], $0x2FFFF;
	_ =	strace $0x9FFFFFFF  }
0xc2: {  	(tm) =	ssettm $0x7FFFFFFF  }
0xc3: {  	_ =	shalt  }
tec
execute0_lowered:
.L_overlay_start_1:
0x0: {  	(tag) =	ssettag $0x1  }
0x1: {  	s0 =	srdreg.scid  }
0x2: {  	s3 =	sand.u32 $0x1, s0  }
0x3: {  	s4 =	rddreg [dreg:$0x0];
	s0 =	stileid.u32;
	s1 =	sshll.u32 s3, $0x4  }
0x4: {  	s5 =	rddreg [dreg:$0x1];
	s9 =	simm.s32 $0x1480;
	s2 =	sor.u32 s0, s1  }
0x5: {  	s10 =	simm.s32 $0x0;
	s7 =	sshll.u32 s0, $0x7;
	s6 =	sshrl.u32 s2, $0x3  }
0x6: {  	s3 =	ssub.s32 $0x2, s3;
	s1 =	rddreg [dreg:$0x2];
	s8 =	smul.u32 $0xA400, s6  }
0x7: {  	s7 =	sand.u32 $0x380, s7;
	s2 =	simm.s32 $0x0;
	s6 =	smul.u32 $0x14000, s6  }
0x8: {  	s31 =	sshrl.u32 s3, $0x1;
	[smem:$0x7FF] =	sst s2;
	s8 =	sor.u32 s7, s8  }
0x9: {  	_ =	strace $0x80000047;
	s6 =	sor.u32 s7, s6;
	s8 =	sshrl.u32 s8, $0x3  }
0xa: {  	s7 =	ssub.s32 s3, s31;
	s6 =	sshrl.u32 s6, $0x3;
	s4 =	sadd.s32 s8, s4  }
0xb: {  	s8 =	simm.s32 $0x1;
	s3 =	sadd.s32 $0x1800, s4;
	s4 =	sadd.s32 s5, s6  }
0xc: {  	v0 =	vimm.f32 $0.0e+00;
	v1 =	vimm.f32 $1.000000000e+00;
	s5 =	smax.u32 s7, $0x1;
	s6 =	simm.s32 $0x80;
	s7 =	simm.s32 $0x400  }
.LBB2_1:
0xd: {  	[tilespmem:s2], [sflag:$0x1] =	stream.strided.gather [hbm4b:s3+s6], $0x1480, s7, s6, $0x38;
	[tilespmem:$0x3C80] =	vst v63  }
0xe: {  	_ =	swait.ge [sflag:s8], $0x1480  }
0xf: {  	[sflag:s8] =	ssyncset.done $0x0  }
0x10: {  	s11 =	simm.s32 $0x0;
	[sflag:s8] =	ssyncadd.s32 $0xFFFFEB80  }
.LBB2_2:
0x11: {  	p0 =	sne.s32 s11, $0x9FC0  }
.Ltmp0:
0x12: {  	_ = 	snop;
	(pc) =	sbr.rel @p0 .LBB2_2-.Ltmp0, $3  }
0x13: {  	_ =	sdelay $0x1  }
0x14: {  	s12 =	sshra.s32 s11, $0x2  }
0x15: {  	s11 =	sadd.s32 $0x40, s11;
	[tilespmem:s12+$0x1480] =	vst v0  }
0x16: {  	s11 =	simm.s32 $0x0  }
.LBB2_4:
0x17: {  	s12 =	sshra.s32 s11, $0x2  }
0x18: {  	v2 =	vld [tilespmem:s12+$0x0];
	_ =	sdelay $0x7  }
0x19: {  	[tilespmem:v2+s9+$0x0] =	vst.idx.add.f32.msk $0xffff, v1  }
0x1a: {  	v2 =	vld [tilespmem:s12+$0x10];
	_ =	sdelay $0x7  }
0x1b: {  	[tilespmem:v2+s9+$0x0] =	vst.idx.add.f32.msk $0xffff, v1  }
0x1c: {  	v2 =	vld [tilespmem:s12+$0x20];
	_ =	sdelay $0x7  }
0x1d: {  	[tilespmem:v2+s9+$0x0] =	vst.idx.add.f32.msk $0xffff, v1  }
0x1e: {  	v2 =	vld [tilespmem:s12+$0x30];
	_ =	sdelay $0x2  }
0x1f: {  	p0 =	sne.s32 s11, $0x5000  }
.Ltmp1:
0x20: {  	_ = 	snop;
	(pc) =	sbr.rel @p0 .LBB2_4-.Ltmp1, $2  }
0x21: {  	_ =	sdelay $0x2  }
0x22: {  	s11 =	sadd.s32 $0x100, s11;
	[tilespmem:v2+s9+$0x0] =	vst.idx.add.f32.msk $0xffff, v1  }
0x23: {  	s10 =	sadd.s32 $0x1, s10  }
0x24: {  	p0 =	sne.s32 s10, s5  }
.Ltmp2:
0x25: {  	_ = 	snop;
	(pc) =	sbr.rel @p0 .LBB2_1-.Ltmp2, $4  }
0x26: {  	[hbm4b:s4+s6] =	stream.strided.scatter [tilespmem:s9], [sflag:$0x1], $0x2800, s7, s6, $0x38;
	[tilespmem:$0x3C80] =	vst v63  }
0x27: {  	_ =	swait.ge [sflag:s8], $0x2800  }
0x28: {  	[sflag:s8] =	ssyncset.done $0x0  }
0x29: {  	[sflag:s8] =	ssyncadd.s32 $0xFFFFD800  }
0x2a: {  	_ =	sfence.sel $0x180000  }
0x2b: {  	[bflag:$0x0] =	sbarrier.arrive $0xFFFF  }
0x2c: {  	p0 =	sne.s32 s0, $0x0;
	_ =	strace $0x90000047  }
0x2d: {  	s0 =	sadd.s32 @!p0 $0x100000, s1;
	[bflag:$0x2] =	sbarrier.arrive $0xFFFF  }
0x2e: {  	[sflag:s0] =	ssyncadd.tile.s32 @!p0 $0x1;
	_ =	shalt  }
.Lfunc_end2:
_tile_overlayer_lowered:
.L_overlay_start_2:
0x2f: {  	(tag) =	ssettag $0x2  }
0x30: {  	s0 =	rddreg [dreg:$0x0];
	s2 =	stileid.u32  }
0x31: {  	s1 =	rddreg [dreg:$0x1];
	p0 =	sne.s32 s2, $0x0  }
0x32: {  	s3 =	rddreg [dreg:$0x2];
	[bflag:$0x3] =	sbarrier.arrive $0xFFFF;
	s2 =	simm.s32 @!p0 $0x1C01  }
0x33: {  	[timem:s3], [sflag:s2] =	dma.local @!p0 [hbm:s0], s1  }
0x34: {  	s0 =	simm.s32 @!p0 $0x1  }
0x35: {  	_ =	swait.ge @!p0 [sflag:s0], s1  }
0x36: {  	s1 =	ssub.s32 @!p0 $0x0, s1;
	[sflag:s0] =	ssyncset.done @!p0 $0x0  }
0x37: {  	[sflag:s0] =	ssyncadd.s32 @!p0 s1  }
0x38: {  	[bflag:$0x3] =	sbarrier.arrive $0xFFFF  }
0x39: {  	_ =	shalt  }

</sc_bundles>
